<compile_context>
chip_gen: v7x
topology: tpu7x:2x2x1
jax: 0.10.2.dev20260603
libtpu: 0.0.44.dev20260713+nightly
codegen_flags: <defaults>
</compile_context>

<pallas_src>
import functools

import jax
import jax.numpy as jnp
from jax import lax
from jax.experimental import pallas as pl
from jax.experimental.pallas import tpu as pltpu
from jax.experimental.pallas import tpu_sc as plsc

_EPS = 1e-5
_Q = 2
_QW = 128


def _xstats_body(x_ref, g_ref, m_ref):
    i = pl.program_id(0)
    xb = x_ref[...]
    gg = lax.dot_general(xb, xb, (((0,), (0,)), ((), ())),
                         preferred_element_type=jnp.float32)
    ms = jnp.sum(xb, axis=0, keepdims=True)

    @pl.when(i == 0)
    def _():
        g_ref[...] = gg
        m_ref[...] = jnp.zeros_like(m_ref)
        m_ref[0:1, :] = ms

    @pl.when(i > 0)
    def _():
        g_ref[...] += gg
        m_ref[0:1, :] += ms


def _xstats(x, rows_per_blk):
    n, d = x.shape
    grid = n // rows_per_blk
    return pl.pallas_call(
        _xstats_body,
        grid=(grid,),
        in_specs=[pl.BlockSpec((rows_per_blk, d), lambda i: (i, 0))],
        out_specs=[pl.BlockSpec((d, d), lambda i: (0, 0)),
                   pl.BlockSpec((8, d), lambda i: (0, 0))],
        out_shape=[jax.ShapeDtypeStruct((d, d), jnp.float32),
                   jax.ShapeDtypeStruct((8, d), jnp.float32)],
    )(x)


def _h1_body(g_ref, m_ref, w1t_ref, g1_ref, be1_ref, x_ref, out_ref, ac_ref,
             *, n):
    @pl.when(pl.program_id(0) == 0)
    def _():
        w1t = w1t_ref[...]
        t = jnp.dot(g_ref[...], w1t, preferred_element_type=jnp.float32)
        ex2 = jnp.sum(w1t * t, axis=0, keepdims=True) / n
        mu0 = jnp.dot(m_ref[0:1, :], w1t,
                      preferred_element_type=jnp.float32) / n
        var = ex2 - mu0 * mu0
        a = g1_ref[...] * lax.rsqrt(var + _EPS)
        ac_ref[0:1, :] = a
        ac_ref[1:2, :] = be1_ref[...] - a * mu0
    y = jnp.dot(x_ref[...], w1t_ref[...], preferred_element_type=jnp.float32)
    h = ac_ref[0:1, :] * y + ac_ref[1:2, :]
    for q in range(_Q):
        out_ref[q] = h[:, q * _QW:(q + 1) * _QW]


def _h1(g, m, w1t, g1, be1, x, rows_per_blk):
    n, d = x.shape
    h = w1t.shape[1]
    grid = n // rows_per_blk
    body = functools.partial(_h1_body, n=n)
    return pl.pallas_call(
        body,
        grid=(grid,),
        in_specs=[pl.BlockSpec((d, d), lambda i: (0, 0)),
                  pl.BlockSpec((8, d), lambda i: (0, 0)),
                  pl.BlockSpec((d, h), lambda i: (0, 0)),
                  pl.BlockSpec((1, h), lambda i: (0, 0)),
                  pl.BlockSpec((1, h), lambda i: (0, 0)),
                  pl.BlockSpec((rows_per_blk, d), lambda i: (i, 0))],
        out_specs=pl.BlockSpec((_Q, rows_per_blk, _QW), lambda i: (0, i, 0)),
        out_shape=jax.ShapeDtypeStruct((_Q, n, _QW), jnp.float32),
        scratch_shapes=[pltpu.VMEM((8, h), jnp.float32)],
    )(g, m, w1t, g1, be1, x)


_NBUF = 3
_CR = 120


def _sc_agg_body(h1_ref, src_ref, dst_ref, out_ref,
                 isrc_v, idst_v, rows_v, acc_sh,
                 *sems,
                 **kw):
    n_chunks = kw["n_chunks"]
    rows_per_tile_out = kw["rows_per_tile_out"]
    nsp = kw["nsp"]
    n_groups = n_chunks // _NBUF
    gsems = sems[:_NBUF]
    ssems = sems[_NBUF:2 * _NBUF]
    sem_is = sems[2 * _NBUF:2 * _NBUF + 4]
    sem_id = sems[2 * _NBUF + 4:2 * _NBUF + 8]
    c = lax.axis_index("c")
    s = lax.axis_index("s")

    def _start_idx(g, par):
        pltpu.async_copy(src_ref.at[c, s, pl.ds(g * _NBUF, _NBUF)],
                         isrc_v.at[par], sem_is[par])
        pltpu.async_copy(dst_ref.at[s, pl.ds(g * _NBUF, _NBUF)],
                         idst_v.at[par], sem_id[par])

    def _wait_idx(g, par):
        pltpu.make_async_copy(src_ref.at[c, s, pl.ds(g * _NBUF, _NBUF)],
                              isrc_v.at[par], sem_is[par]).wait()
        pltpu.make_async_copy(dst_ref.at[s, pl.ds(g * _NBUF, _NBUF)],
                              idst_v.at[par], sem_id[par]).wait()

    def _zrow(r, carry):
        for jj in range(_QW // 16):
            rows_v[0, r, pl.ds(jj * 16, 16)] = jnp.zeros((16,), jnp.float32)
        return carry
    lax.fori_loop(0, _CR, _zrow, 0)

    stripe = nsp // 16
    zc_full = stripe // _CR
    zc_tail = stripe - zc_full * _CR

    def _zcopy(k, carry):
        pltpu.sync_copy(rows_v.at[0],
                        acc_sh.at[pl.ds(s * stripe + k * _CR, _CR)])
        return carry
    lax.fori_loop(0, zc_full, _zcopy, 0)
    if zc_tail:
        pltpu.sync_copy(rows_v.at[0, pl.ds(0, zc_tail)],
                        acc_sh.at[pl.ds(s * stripe + zc_full * _CR, zc_tail)])
    plsc.subcore_barrier()

    for gg in range(4):
        _start_idx(gg, gg)

    def _iter4(k, carry):
        for par in range(4):
            g = 4 * k + par
            _wait_idx(g, par)
            cps = [pltpu.async_copy(h1_ref.at[isrc_v.at[par, j]],
                                    rows_v.at[j], gsems[j])
                   for j in range(_NBUF)]

            @pl.when(g + 3 < n_groups)
            def _(par=par):
                _start_idx(g + 3, (par + 3) % 4)
            scs = []
            for j in range(_NBUF):
                cps[j].wait()
                scs.append(pltpu.async_copy(rows_v.at[j],
                                            acc_sh.at[idst_v.at[par, j]],
                                            ssems[j], add=True))
            for d in scs:
                d.wait()
        return carry
    lax.fori_loop(0, n_groups // 4, _iter4, 0)
    plsc.subcore_barrier()

    pltpu.sync_copy(
        acc_sh.at[pl.ds(s * rows_per_tile_out, rows_per_tile_out)],
        out_ref.at[c, s])


def _sc_agg(h1_flat, src2, dst2, n, nsp):
    n_chunks = src2.shape[2]
    rows_per_tile_out = n // 16
    body = functools.partial(_sc_agg_body, n_chunks=n_chunks,
                             rows_per_tile_out=rows_per_tile_out, nsp=nsp)
    kern = pl.kernel(
        body,
        out_type=jax.ShapeDtypeStruct((_Q, 16, rows_per_tile_out, _QW),
                                      jnp.float32),
        mesh=plsc.VectorSubcoreMesh(core_axis_name="c", subcore_axis_name="s"),
        compiler_params=pltpu.CompilerParams(use_tc_tiling_on_sc=False),
        scratch_types=[
            pltpu.VMEM((4, _NBUF, _CR), jnp.int32),
            pltpu.VMEM((4, _NBUF, _CR), jnp.int32),
            pltpu.VMEM((_NBUF, _CR, _QW), jnp.float32),
            pltpu.VMEM_SHARED((nsp, _QW), jnp.float32),
        ] + [pltpu.SemaphoreType.DMA] * (2 * _NBUF + 8),
    )
    return kern(h1_flat, src2, dst2)


def _h2_body(h1_ref, agg_ref, wr_ref, wn_ref, cb_ref, w2t_ref, b2_ref,
             y2_ref, st_ref):
    i = pl.program_id(0)
    h2 = cb_ref[...]
    for q in range(_Q):
        h2 = (h2
              + jnp.dot(h1_ref[q], wr_ref[q],
                        preferred_element_type=jnp.float32)
              + jnp.dot(agg_ref[q], wn_ref[q],
                        preferred_element_type=jnp.float32))
    y2 = jnp.dot(h2, w2t_ref[...], preferred_element_type=jnp.float32) \
        + b2_ref[...]
    y2_ref[...] = y2
    s1 = jnp.sum(y2, axis=0, keepdims=True)
    s2 = jnp.sum(y2 * y2, axis=0, keepdims=True)

    @pl.when(i == 0)
    def _():
        st_ref[...] = jnp.zeros_like(st_ref)
        st_ref[0:1, :] = s1
        st_ref[1:2, :] = s2

    @pl.when(i > 0)
    def _():
        st_ref[0:1, :] += s1
        st_ref[1:2, :] += s2


def _h2(h1s, aggs, wr, wn, cb, w2t, b2, rows_per_blk):
    _, n, _ = h1s.shape
    h2dim = wr.shape[2]
    d = w2t.shape[1]
    grid = n // rows_per_blk
    return pl.pallas_call(
        _h2_body,
        grid=(grid,),
        in_specs=[pl.BlockSpec((_Q, rows_per_blk, _QW), lambda i: (0, i, 0)),
                  pl.BlockSpec((_Q, rows_per_blk, _QW), lambda i: (0, i, 0)),
                  pl.BlockSpec((_Q, _QW, h2dim), lambda i: (0, 0, 0)),
                  pl.BlockSpec((_Q, _QW, h2dim), lambda i: (0, 0, 0)),
                  pl.BlockSpec((1, h2dim), lambda i: (0, 0)),
                  pl.BlockSpec((h2dim, d), lambda i: (0, 0)),
                  pl.BlockSpec((1, d), lambda i: (0, 0))],
        out_specs=[pl.BlockSpec((rows_per_blk, d), lambda i: (i, 0)),
                   pl.BlockSpec((8, d), lambda i: (0, 0))],
        out_shape=[jax.ShapeDtypeStruct((n, d), jnp.float32),
                   jax.ShapeDtypeStruct((8, d), jnp.float32)],
    )(h1s, aggs, wr, wn, cb, w2t, b2)


def _final_body(st_ref, g2_ref, be2_ref, y2_ref, x_ref, out_ref, *, n):
    mu = st_ref[0:1, :] / n
    ex2 = st_ref[1:2, :] / n
    var = ex2 - mu * mu
    a = g2_ref[...] * lax.rsqrt(var + _EPS)
    dd = be2_ref[...] - a * mu
    out_ref[...] = a * y2_ref[...] + dd + x_ref[...]


def _final(st, g2, be2, y2, x, rows_per_blk):
    n, d = x.shape
    grid = n // rows_per_blk
    body = functools.partial(_final_body, n=n)
    return pl.pallas_call(
        body,
        grid=(grid,),
        in_specs=[pl.BlockSpec((8, d), lambda i: (0, 0)),
                  pl.BlockSpec((1, d), lambda i: (0, 0)),
                  pl.BlockSpec((1, d), lambda i: (0, 0)),
                  pl.BlockSpec((rows_per_blk, d), lambda i: (i, 0)),
                  pl.BlockSpec((rows_per_blk, d), lambda i: (i, 0))],
        out_specs=pl.BlockSpec((rows_per_blk, d), lambda i: (i, 0)),
        out_shape=jax.ShapeDtypeStruct((n, d), jnp.float32),
    )(st, g2, be2, y2, x)


def kernel(x, edge_index, fc1_W, fc1_b, bn1_g, bn1_b, Wroot, Wnbr, conv_b,
           fc2_W, fc2_b, bn2_g, bn2_b):
    n, d = x.shape
    h = fc1_W.shape[0]
    e = edge_index.shape[1]
    rows_per_blk = 2000

    del fc1_b
    g, m = _xstats(x, rows_per_blk)
    w1t = fc1_W.T
    h1s = _h1(g, m, w1t, bn1_g.reshape(1, h), bn1_b.reshape(1, h), x,
              rows_per_blk)

    n_chunks = -(-e // (16 * _CR * 4 * _NBUF)) * 4 * _NBUF
    e_pad = n_chunks * 16 * _CR
    nsp = n + 16
    pad = e_pad - e
    src = edge_index[0]
    dst = edge_index[1]
    fill = jnp.arange(pad, dtype=jnp.int32)
    src_p = jnp.concatenate([src, (fill * 97) % n])
    dst_p = jnp.concatenate([dst, n + fill % (nsp - n)])
    qoff = jnp.arange(_Q, dtype=jnp.int32)[:, None] * n
    src2 = (src_p[None, :] + qoff).reshape(_Q, 16, n_chunks, _CR)
    dst2 = dst_p.reshape(16, n_chunks, _CR)

    h1_flat = h1s.reshape(_Q * n, _QW)
    agg4 = _sc_agg(h1_flat, src2, dst2, n, nsp)
    aggs = agg4.reshape(_Q, n, _QW)

    wr = Wroot.T.reshape(_Q, _QW, 2 * h)
    wn = Wnbr.T.reshape(_Q, _QW, 2 * h)
    w2t = fc2_W.T
    y2, st = _h2(h1s, aggs, wr, wn, conv_b.reshape(1, 2 * h), w2t,
                 fc2_b.reshape(1, d), rows_per_blk)
    return _final(st, bn2_g.reshape(1, d), bn2_b.reshape(1, d), y2, x,
                  rows_per_blk)

# --- scband reference (transcript-rebuilt; emitter-appended) ---
"""Pipeline reference for scband-grapher-41489384079612 (READ-ONLY COPY).

The authoritative reference and input builder live on the scoring server;
editing this copy changes nothing except your own understanding.
"""

import jax, jax.numpy as jnp
import numpy as np

N = 10000
E = 320000
D = 128
H = 256

def setup_inputs(seed: int = 0) -> dict:
    key = jax.random.key(seed)
    ks = jax.random.split(key, 12)
    x = jax.random.normal(ks[0], (N, D), dtype=jnp.float32)
    edge_index = jax.random.randint(ks[1], (2, E), 0, N, dtype=jnp.int32)
    s = 0.05
    fc1_W = jax.random.normal(ks[2], (H, D), dtype=jnp.float32) * s
    fc1_b = jax.random.normal(ks[3], (H,), dtype=jnp.float32) * s
    bn1_g = jnp.ones((H,), dtype=jnp.float32)
    bn1_b = jnp.zeros((H,), dtype=jnp.float32)
    Wroot = jax.random.normal(ks[4], (2 * H, H), dtype=jnp.float32) * s
    Wnbr = jax.random.normal(ks[5], (2 * H, H), dtype=jnp.float32) * s
    conv_b = jax.random.normal(ks[6], (2 * H,), dtype=jnp.float32) * s
    fc2_W = jax.random.normal(ks[7], (D, 2 * H), dtype=jnp.float32) * s
    fc2_b = jax.random.normal(ks[8], (D,), dtype=jnp.float32) * s
    bn2_g = jnp.ones((D,), dtype=jnp.float32)
    bn2_b = jnp.zeros((D,), dtype=jnp.float32)
    return {"x": x, "edge_index": edge_index, "fc1_W": fc1_W, "fc1_b": fc1_b,
            "bn1_g": bn1_g, "bn1_b": bn1_b, "Wroot": Wroot, "Wnbr": Wnbr,
            "conv_b": conv_b, "fc2_W": fc2_W, "fc2_b": fc2_b,
            "bn2_g": bn2_g, "bn2_b": bn2_b}

def _bn(h, g, b, eps=1e-5):
    mu = jnp.mean(h, axis=0)
    var = jnp.var(h, axis=0)  # biased variance, matches torch BatchNorm normalization
    return g * (h - mu) / jnp.sqrt(var + eps) + b

def reference(x, edge_index, fc1_W, fc1_b, bn1_g, bn1_b, Wroot, Wnbr, conv_b, fc2_W, fc2_b, bn2_g, bn2_b):
    tmp = x
    h = _bn(x @ fc1_W.T + fc1_b, bn1_g, bn1_b)
    src = edge_index[0]
    dst = edge_index[1]
    msgs = jnp.take(h, src, axis=0)
    agg = jax.ops.segment_sum(msgs, dst, num_segments=N)
    h = h @ Wroot.T + agg @ Wnbr.T + conv_b
    h = _bn(h @ fc2_W.T + fc2_b, bn2_g, bn2_b)
    return h + tmp

if __name__ == "__main__":
    import jax
    _d = setup_inputs()
    print(jax.jit(kernel)(*tuple(_d.values())))

</pallas_src>

<mosaic_0001>
#map = affine_map<(d0, d1) -> (0, 0)>
#map1 = affine_map<(d0, d1) -> (0, 0, 0, 0)>
#map2 = affine_map<(d0, d1) -> (0, 0, 0)>
module attributes {stable_mosaic.version = 14 : i64} {
  func.func @_sc_agg_body(%arg0: i32, %arg1: i32, %arg2: memref<20000x128xf32, #tpu.memory_space<hbm>>, %arg3: memref<2x16x168x120xi32, #tpu.memory_space<hbm>>, %arg4: memref<16x168x120xi32, #tpu.memory_space<hbm>>, %arg5: memref<2x16x625x128xf32, #tpu.memory_space<hbm>>, %arg6: memref<4x3x120xi32, #tpu.memory_space<vmem>>, %arg7: memref<4x3x120xi32, #tpu.memory_space<vmem>>, %arg8: memref<3x120x128xf32, #tpu.memory_space<vmem>>, %arg9: memref<10016x128xf32, #tpu.memory_space<vmem_shared>>, %arg10: memref<!tpu.dma_semaphore, #tpu.memory_space<semaphore_mem>>, %arg11: memref<!tpu.dma_semaphore, #tpu.memory_space<semaphore_mem>>, %arg12: memref<!tpu.dma_semaphore, #tpu.memory_space<semaphore_mem>>, %arg13: memref<!tpu.dma_semaphore, #tpu.memory_space<semaphore_mem>>, %arg14: memref<!tpu.dma_semaphore, #tpu.memory_space<semaphore_mem>>, %arg15: memref<!tpu.dma_semaphore, #tpu.memory_space<semaphore_mem>>, %arg16: memref<!tpu.dma_semaphore, #tpu.memory_space<semaphore_mem>>, %arg17: memref<!tpu.dma_semaphore, #tpu.memory_space<semaphore_mem>>, %arg18: memref<!tpu.dma_semaphore, #tpu.memory_space<semaphore_mem>>, %arg19: memref<!tpu.dma_semaphore, #tpu.memory_space<semaphore_mem>>, %arg20: memref<!tpu.dma_semaphore, #tpu.memory_space<semaphore_mem>>, %arg21: memref<!tpu.dma_semaphore, #tpu.memory_space<semaphore_mem>>, %arg22: memref<!tpu.dma_semaphore, #tpu.memory_space<semaphore_mem>>, %arg23: memref<!tpu.dma_semaphore, #tpu.memory_space<semaphore_mem>>) attributes {dimension_semantics = [#tpu.dimension_semantics<core_parallel>, #tpu.dimension_semantics<subcore_parallel>], iteration_bounds = array<i64: 2, 16>, scalar_prefetch = 0 : i64, scratch_operands = 18 : i64, tpu.core_type = #tpu.core_type<sc_vector_subcore>, window_params = [{transform_indices = #map}, {transform_indices = #map1}, {transform_indices = #map2}, {transform_indices = #map1}]} {
    %scan3A = arith.constant 0 : i32
    %scan3A_0 = arith.constant 0 : i32
    %scan3A_1 = arith.constant 120 : i32
    %scan3A_2 = arith.addi %scan3A_0, %scan3A_1 : i32
    %scan3A_3 = arith.constant 1 : i32
    scf.for %scan3A_157 = %scan3A_0 to %scan3A_2 step %scan3A_3  : i32 {
      %broadcast_in_dim3A = arith.constant 0.000000e+00 : f32
      %broadcast_in_dim3A_158 = vector.broadcast %broadcast_in_dim3A : f32 to vector<16xf32>
      %swap3A = arith.constant 0 : i32
      %swap3A_159 = arith.index_cast %swap3A : i32 to index
      %swap3A_160 = arith.index_cast %scan3A_157 : i32 to index
      %swap3A_161 = arith.constant 0 : index
      %swap3A_162 = tpu.vector_load %arg8[%swap3A_159, %swap3A_160, %swap3A_161] {strides = array<i32>} : memref<3x120x128xf32, #tpu.memory_space<vmem>>, vector<1x1x16xf32>,
      %swap3A_163 = vector.shape_cast %swap3A_162 : vector<1x1x16xf32> to vector<16xf32>
      %swap3A_164 = vector.shape_cast %broadcast_in_dim3A_158 : vector<16xf32> to vector<1x1x16xf32>
      tpu.vector_store %arg8[%swap3A_159, %swap3A_160, %swap3A_161], %swap3A_164 {strides = array<i32>} : memref<3x120x128xf32, #tpu.memory_space<vmem>>, vector<1x1x16xf32>,
      %broadcast_in_dim3A_165 = arith.constant 0.000000e+00 : f32
      %broadcast_in_dim3A_166 = vector.broadcast %broadcast_in_dim3A_165 : f32 to vector<16xf32>
      %swap3A_167 = arith.constant 0 : i32
      %swap3A_168 = arith.index_cast %swap3A_167 : i32 to index
      %swap3A_169 = arith.index_cast %scan3A_157 : i32 to index
      %swap3A_170 = arith.constant 16 : index
      %swap3A_171 = tpu.vector_load %arg8[%swap3A_168, %swap3A_169, %swap3A_170] {strides = array<i32>} : memref<3x120x128xf32, #tpu.memory_space<vmem>>, vector<1x1x16xf32>,
      %swap3A_172 = vector.shape_cast %swap3A_171 : vector<1x1x16xf32> to vector<16xf32>
      %swap3A_173 = vector.shape_cast %broadcast_in_dim3A_166 : vector<16xf32> to vector<1x1x16xf32>
      tpu.vector_store %arg8[%swap3A_168, %swap3A_169, %swap3A_170], %swap3A_173 {strides = array<i32>} : memref<3x120x128xf32, #tpu.memory_space<vmem>>, vector<1x1x16xf32>,
      %broadcast_in_dim3A_174 = arith.constant 0.000000e+00 : f32
      %broadcast_in_dim3A_175 = vector.broadcast %broadcast_in_dim3A_174 : f32 to vector<16xf32>
      %swap3A_176 = arith.constant 0 : i32
      %swap3A_177 = arith.index_cast %swap3A_176 : i32 to index
      %swap3A_178 = arith.index_cast %scan3A_157 : i32 to index
      %swap3A_179 = arith.constant 32 : index
      %swap3A_180 = tpu.vector_load %arg8[%swap3A_177, %swap3A_178, %swap3A_179] {strides = array<i32>} : memref<3x120x128xf32, #tpu.memory_space<vmem>>, vector<1x1x16xf32>,
      %swap3A_181 = vector.shape_cast %swap3A_180 : vector<1x1x16xf32> to vector<16xf32>
      %swap3A_182 = vector.shape_cast %broadcast_in_dim3A_175 : vector<16xf32> to vector<1x1x16xf32>
      tpu.vector_store %arg8[%swap3A_177, %swap3A_178, %swap3A_179], %swap3A_182 {strides = array<i32>} : memref<3x120x128xf32, #tpu.memory_space<vmem>>, vector<1x1x16xf32>,
      %broadcast_in_dim3A_183 = arith.constant 0.000000e+00 : f32
      %broadcast_in_dim3A_184 = vector.broadcast %broadcast_in_dim3A_183 : f32 to vector<16xf32>
      %swap3A_185 = arith.constant 0 : i32
      %swap3A_186 = arith.index_cast %swap3A_185 : i32 to index
      %swap3A_187 = arith.index_cast %scan3A_157 : i32 to index
      %swap3A_188 = arith.constant 48 : index
      %swap3A_189 = tpu.vector_load %arg8[%swap3A_186, %swap3A_187, %swap3A_188] {strides = array<i32>} : memref<3x120x128xf32, #tpu.memory_space<vmem>>, vector<1x1x16xf32>,
      %swap3A_190 = vector.shape_cast %swap3A_189 : vector<1x1x16xf32> to vector<16xf32>
      %swap3A_191 = vector.shape_cast %broadcast_in_dim3A_184 : vector<16xf32> to vector<1x1x16xf32>
      tpu.vector_store %arg8[%swap3A_186, %swap3A_187, %swap3A_188], %swap3A_191 {strides = array<i32>} : memref<3x120x128xf32, #tpu.memory_space<vmem>>, vector<1x1x16xf32>,
      %broadcast_in_dim3A_192 = arith.constant 0.000000e+00 : f32
      %broadcast_in_dim3A_193 = vector.broadcast %broadcast_in_dim3A_192 : f32 to vector<16xf32>
      %swap3A_194 = arith.constant 0 : i32
      %swap3A_195 = arith.index_cast %swap3A_194 : i32 to index
      %swap3A_196 = arith.index_cast %scan3A_157 : i32 to index
      %swap3A_197 = arith.constant 64 : index
      %swap3A_198 = tpu.vector_load %arg8[%swap3A_195, %swap3A_196, %swap3A_197] {strides = array<i32>} : memref<3x120x128xf32, #tpu.memory_space<vmem>>, vector<1x1x16xf32>,
      %swap3A_199 = vector.shape_cast %swap3A_198 : vector<1x1x16xf32> to vector<16xf32>
      %swap3A_200 = vector.shape_cast %broadcast_in_dim3A_193 : vector<16xf32> to vector<1x1x16xf32>
      tpu.vector_store %arg8[%swap3A_195, %swap3A_196, %swap3A_197], %swap3A_200 {strides = array<i32>} : memref<3x120x128xf32, #tpu.memory_space<vmem>>, vector<1x1x16xf32>,
      %broadcast_in_dim3A_201 = arith.constant 0.000000e+00 : f32
      %broadcast_in_dim3A_202 = vector.broadcast %broadcast_in_dim3A_201 : f32 to vector<16xf32>
      %swap3A_203 = arith.constant 0 : i32
      %swap3A_204 = arith.index_cast %swap3A_203 : i32 to index
      %swap3A_205 = arith.index_cast %scan3A_157 : i32 to index
      %swap3A_206 = arith.constant 80 : index
      %swap3A_207 = tpu.vector_load %arg8[%swap3A_204, %swap3A_205, %swap3A_206] {strides = array<i32>} : memref<3x120x128xf32, #tpu.memory_space<vmem>>, vector<1x1x16xf32>,
      %swap3A_208 = vector.shape_cast %swap3A_207 : vector<1x1x16xf32> to vector<16xf32>
      %swap3A_209 = vector.shape_cast %broadcast_in_dim3A_202 : vector<16xf32> to vector<1x1x16xf32>
      tpu.vector_store %arg8[%swap3A_204, %swap3A_205, %swap3A_206], %swap3A_209 {strides = array<i32>} : memref<3x120x128xf32, #tpu.memory_space<vmem>>, vector<1x1x16xf32>,
      %broadcast_in_dim3A_210 = arith.constant 0.000000e+00 : f32
      %broadcast_in_dim3A_211 = vector.broadcast %broadcast_in_dim3A_210 : f32 to vector<16xf32>
      %swap3A_212 = arith.constant 0 : i32
      %swap3A_213 = arith.index_cast %swap3A_212 : i32 to index
      %swap3A_214 = arith.index_cast %scan3A_157 : i32 to index
      %swap3A_215 = arith.constant 96 : index
      %swap3A_216 = tpu.vector_load %arg8[%swap3A_213, %swap3A_214, %swap3A_215] {strides = array<i32>} : memref<3x120x128xf32, #tpu.memory_space<vmem>>, vector<1x1x16xf32>,
      %swap3A_217 = vector.shape_cast %swap3A_216 : vector<1x1x16xf32> to vector<16xf32>
      %swap3A_218 = vector.shape_cast %broadcast_in_dim3A_211 : vector<16xf32> to vector<1x1x16xf32>
      tpu.vector_store %arg8[%swap3A_213, %swap3A_214, %swap3A_215], %swap3A_218 {strides = array<i32>} : memref<3x120x128xf32, #tpu.memory_space<vmem>>, vector<1x1x16xf32>,
      %broadcast_in_dim3A_219 = arith.constant 0.000000e+00 : f32
      %broadcast_in_dim3A_220 = vector.broadcast %broadcast_in_dim3A_219 : f32 to vector<16xf32>
      %swap3A_221 = arith.constant 0 : i32
      %swap3A_222 = arith.index_cast %swap3A_221 : i32 to index
      %swap3A_223 = arith.index_cast %scan3A_157 : i32 to index
      %swap3A_224 = arith.constant 112 : index
      %swap3A_225 = tpu.vector_load %arg8[%swap3A_222, %swap3A_223, %swap3A_224] {strides = array<i32>} : memref<3x120x128xf32, #tpu.memory_space<vmem>>, vector<1x1x16xf32>,
      %swap3A_226 = vector.shape_cast %swap3A_225 : vector<1x1x16xf32> to vector<16xf32>
      %swap3A_227 = vector.shape_cast %broadcast_in_dim3A_220 : vector<16xf32> to vector<1x1x16xf32>
      tpu.vector_store %arg8[%swap3A_222, %swap3A_223, %swap3A_224], %swap3A_227 {strides = array<i32>} : memref<3x120x128xf32, #tpu.memory_space<vmem>>, vector<1x1x16xf32>,
    }
    %scan3A_4 = arith.constant 120 : i32
    %scan3A_5 = arith.constant 0 : i32
    %scan3A_6 = arith.constant 0 : i32
    %scan3A_7 = arith.constant 5 : i32
    %scan3A_8 = arith.addi %scan3A_6, %scan3A_7 : i32
    %scan3A_9 = arith.constant 1 : i32
    scf.for %scan3A_157 = %scan3A_6 to %scan3A_8 step %scan3A_9  : i32 {
      %mul3A_158 = arith.constant 626 : i32
      %mul3A_159 = arith.muli %arg1, %mul3A_158 : i32
      %mul3A_160 = arith.constant 120 : i32
      %mul3A_161 = arith.muli %scan3A_157, %mul3A_160 : i32
      %add3A_162 = arith.addi %mul3A_159, %mul3A_161 : i32
      %run_scoped3A_163 = arith.constant 0 : i32
      "tpu.region"() ({
        %run_scoped3A_164 = tpu.sem_alloc : memref<!tpu.dma_semaphore, #tpu.memory_space<semaphore_mem>>
        %dma_start3A_165 = arith.constant 0 : i32
        %dma_start3A_166 = arith.constant 0 : i32
        %dma_start3A_167 = tpu.memref_slice %arg8[%run_scoped3A_163, %dma_start3A_165, %dma_start3A_166] : memref<3x120x128xf32, #tpu.memory_space<vmem>> -> memref<1x120x128xf32, #tpu.memory_space<vmem>>
        %dma_start3A_168 = tpu.memref_squeeze %dma_start3A_167 : memref<1x120x128xf32, #tpu.memory_space<vmem>> -> memref<120x128xf32, #tpu.memory_space<vmem>>
        %dma_start3A_169 = arith.constant 0 : i32
        %dma_start3A_170 = tpu.memref_slice %arg9[%add3A_162, %dma_start3A_169] : memref<10016x128xf32, #tpu.memory_space<vmem_shared>> -> memref<120x128xf32, #tpu.memory_space<vmem_shared>>
        %dma_start3A_171 = arith.constant 0 : i32
        %dma_start3A_172 = tpu.memref_slice %arg9[%add3A_162, %dma_start3A_171] : memref<10016x128xf32, #tpu.memory_space<vmem_shared>> -> memref<120x128xf32, #tpu.memory_space<vmem_shared>>
        %dma_start3A_173 = arith.constant 0 : i32
        %dma_start3A_174 = arith.constant 0 : i32
        %dma_start3A_175 = tpu.memref_slice %arg8[%run_scoped3A_163, %dma_start3A_173, %dma_start3A_174] : memref<3x120x128xf32, #tpu.memory_space<vmem>> -> memref<1x120x128xf32, #tpu.memory_space<vmem>>
        %dma_start3A_176 = tpu.memref_squeeze %dma_start3A_175 : memref<1x120x128xf32, #tpu.memory_space<vmem>> -> memref<120x128xf32, #tpu.memory_space<vmem>>
        tpu.enqueue_dma source(%dma_start3A_176 : memref<120x128xf32, #tpu.memory_space<vmem>>) target(%dma_start3A_172 : memref<120x128xf32, #tpu.memory_space<vmem_shared>>) target_semaphore(%run_scoped3A_164 : memref<!tpu.dma_semaphore, #tpu.memory_space<semaphore_mem>>)
        %dma_wait3A = arith.constant 0 : i32
        %dma_wait3A_177 = arith.constant 0 : i32
        %dma_wait3A_178 = tpu.memref_slice %arg8[%run_scoped3A_163, %dma_wait3A, %dma_wait3A_177] : memref<3x120x128xf32, #tpu.memory_space<vmem>> -> memref<1x120x128xf32, #tpu.memory_space<vmem>>
        %dma_wait3A_179 = tpu.memref_squeeze %dma_wait3A_178 : memref<1x120x128xf32, #tpu.memory_space<vmem>> -> memref<120x128xf32, #tpu.memory_space<vmem>>
        %dma_wait3A_180 = arith.constant 0 : i32
        %dma_wait3A_181 = tpu.memref_slice %arg9[%add3A_162, %dma_wait3A_180] : memref<10016x128xf32, #tpu.memory_space<vmem_shared>> -> memref<120x128xf32, #tpu.memory_space<vmem_shared>>
        %dma_wait3A_182 = arith.constant 0 : i32
        %dma_wait3A_183 = tpu.memref_slice %arg9[%add3A_162, %dma_wait3A_182] : memref<10016x128xf32, #tpu.memory_space<vmem_shared>> -> memref<120x128xf32, #tpu.memory_space<vmem_shared>>
        %dma_wait3A_184 = arith.constant 0 : i32
        %dma_wait3A_185 = arith.constant 0 : i32
        %dma_wait3A_186 = tpu.memref_slice %arg8[%run_scoped3A_163, %dma_wait3A_184, %dma_wait3A_185] : memref<3x120x128xf32, #tpu.memory_space<vmem>> -> memref<1x120x128xf32, #tpu.memory_space<vmem>>
        %dma_wait3A_187 = tpu.memref_squeeze %dma_wait3A_186 : memref<1x120x128xf32, #tpu.memory_space<vmem>> -> memref<120x128xf32, #tpu.memory_space<vmem>>
        tpu.wait_dma2 semaphore(%run_scoped3A_164 : memref<!tpu.dma_semaphore, #tpu.memory_space<semaphore_mem>>) src(%dma_wait3A_187 : memref<120x128xf32, #tpu.memory_space<vmem>>) dst(%dma_wait3A_183 : memref<120x128xf32, #tpu.memory_space<vmem_shared>>)
        tpu.yield
      }) : () -> ()
    }
    %scan3A_10 = arith.constant 5 : i32
    %mul3A = arith.constant 626 : i32
    %mul3A_11 = arith.muli %arg1, %mul3A : i32
    %add3A = arith.constant 600 : i32
    %add3A_12 = arith.addi %mul3A_11, %add3A : i32
    %run_scoped3A = arith.constant 0 : i32
    "tpu.region"() ({
      %run_scoped3A_157 = tpu.sem_alloc : memref<!tpu.dma_semaphore, #tpu.memory_space<semaphore_mem>>
      %dma_start3A_158 = arith.constant 0 : i32
      %dma_start3A_159 = arith.constant 0 : i32
      %dma_start3A_160 = tpu.memref_slice %arg8[%run_scoped3A, %dma_start3A_158, %dma_start3A_159] : memref<3x120x128xf32, #tpu.memory_space<vmem>> -> memref<1x26x128xf32, #tpu.memory_space<vmem>>
      %dma_start3A_161 = tpu.memref_squeeze %dma_start3A_160 : memref<1x26x128xf32, #tpu.memory_space<vmem>> -> memref<26x128xf32, #tpu.memory_space<vmem>>
      %dma_start3A_162 = arith.constant 0 : i32
      %dma_start3A_163 = tpu.memref_slice %arg9[%add3A_12, %dma_start3A_162] : memref<10016x128xf32, #tpu.memory_space<vmem_shared>> -> memref<26x128xf32, #tpu.memory_space<vmem_shared>>
      %dma_start3A_164 = arith.constant 0 : i32
      %dma_start3A_165 = tpu.memref_slice %arg9[%add3A_12, %dma_start3A_164] : memref<10016x128xf32, #tpu.memory_space<vmem_shared>> -> memref<26x128xf32, #tpu.memory_space<vmem_shared>>
      %dma_start3A_166 = arith.constant 0 : i32
      %dma_start3A_167 = arith.constant 0 : i32
      %dma_start3A_168 = tpu.memref_slice %arg8[%run_scoped3A, %dma_start3A_166, %dma_start3A_167] : memref<3x120x128xf32, #tpu.memory_space<vmem>> -> memref<1x26x128xf32, #tpu.memory_space<vmem>>
      %dma_start3A_169 = tpu.memref_squeeze %dma_start3A_168 : memref<1x26x128xf32, #tpu.memory_space<vmem>> -> memref<26x128xf32, #tpu.memory_space<vmem>>
      tpu.enqueue_dma source(%dma_start3A_169 : memref<26x128xf32, #tpu.memory_space<vmem>>) target(%dma_start3A_165 : memref<26x128xf32, #tpu.memory_space<vmem_shared>>) target_semaphore(%run_scoped3A_157 : memref<!tpu.dma_semaphore, #tpu.memory_space<semaphore_mem>>)
      %dma_wait3A = arith.constant 0 : i32
      %dma_wait3A_170 = arith.constant 0 : i32
      %dma_wait3A_171 = tpu.memref_slice %arg8[%run_scoped3A, %dma_wait3A, %dma_wait3A_170] : memref<3x120x128xf32, #tpu.memory_space<vmem>> -> memref<1x26x128xf32, #tpu.memory_space<vmem>>
      %dma_wait3A_172 = tpu.memref_squeeze %dma_wait3A_171 : memref<1x26x128xf32, #tpu.memory_space<vmem>> -> memref<26x128xf32, #tpu.memory_space<vmem>>
      %dma_wait3A_173 = arith.constant 0 : i32
      %dma_wait3A_174 = tpu.memref_slice %arg9[%add3A_12, %dma_wait3A_173] : memref<10016x128xf32, #tpu.memory_space<vmem_shared>> -> memref<26x128xf32, #tpu.memory_space<vmem_shared>>
      %dma_wait3A_175 = arith.constant 0 : i32
      %dma_wait3A_176 = tpu.memref_slice %arg9[%add3A_12, %dma_wait3A_175] : memref<10016x128xf32, #tpu.memory_space<vmem_shared>> -> memref<26x128xf32, #tpu.memory_space<vmem_shared>>
      %dma_wait3A_177 = arith.constant 0 : i32
      %dma_wait3A_178 = arith.constant 0 : i32
      %dma_wait3A_179 = tpu.memref_slice %arg8[%run_scoped3A, %dma_wait3A_177, %dma_wait3A_178] : memref<3x120x128xf32, #tpu.memory_space<vmem>> -> memref<1x26x128xf32, #tpu.memory_space<vmem>>
      %dma_wait3A_180 = tpu.memref_squeeze %dma_wait3A_179 : memref<1x26x128xf32, #tpu.memory_space<vmem>> -> memref<26x128xf32, #tpu.memory_space<vmem>>
      tpu.wait_dma2 semaphore(%run_scoped3A_157 : memref<!tpu.dma_semaphore, #tpu.memory_space<semaphore_mem>>) src(%dma_wait3A_180 : memref<26x128xf32, #tpu.memory_space<vmem>>) dst(%dma_wait3A_176 : memref<26x128xf32, #tpu.memory_space<vmem_shared>>)
      tpu.yield
    }) : () -> ()
    %barrier3A = arith.constant 0 : index
    tpu.barrier barrier_id(%barrier3A)
    %dma_start3A = arith.constant 0 : i32
    %dma_start3A_13 = arith.constant 0 : i32
    %dma_start3A_14 = arith.constant 0 : i32
    %dma_start3A_15 = tpu.memref_slice %arg6[%dma_start3A, %dma_start3A_13, %dma_start3A_14] : memref<4x3x120xi32, #tpu.memory_space<vmem>> -> memref<1x3x120xi32, #tpu.memory_space<vmem>>
    %dma_start3A_16 = tpu.memref_squeeze %dma_start3A_15 : memref<1x3x120xi32, #tpu.memory_space<vmem>> -> memref<3x120xi32, #tpu.memory_space<vmem>>
    %dma_start3A_17 = arith.constant 0 : i32
    %dma_start3A_18 = arith.constant 0 : i32
    %dma_start3A_19 = tpu.memref_slice %arg3[%arg0, %arg1, %dma_start3A_17, %dma_start3A_18] : memref<2x16x168x120xi32, #tpu.memory_space<hbm>> -> memref<1x1x3x120xi32, #tpu.memory_space<hbm>>
    %dma_start3A_20 = tpu.memref_squeeze %dma_start3A_19 : memref<1x1x3x120xi32, #tpu.memory_space<hbm>> -> memref<3x120xi32, #tpu.memory_space<hbm>>
    %dma_start3A_21 = arith.constant 0 : i32
    %dma_start3A_22 = arith.constant 0 : i32
    %dma_start3A_23 = tpu.memref_slice %arg6[%dma_start3A, %dma_start3A_21, %dma_start3A_22] : memref<4x3x120xi32, #tpu.memory_space<vmem>> -> memref<1x3x120xi32, #tpu.memory_space<vmem>>
    %dma_start3A_24 = tpu.memref_squeeze %dma_start3A_23 : memref<1x3x120xi32, #tpu.memory_space<vmem>> -> memref<3x120xi32, #tpu.memory_space<vmem>>
    %dma_start3A_25 = arith.constant 0 : i32
    %dma_start3A_26 = arith.constant 0 : i32
    %dma_start3A_27 = tpu.memref_slice %arg3[%arg0, %arg1, %dma_start3A_25, %dma_start3A_26] : memref<2x16x168x120xi32, #tpu.memory_space<hbm>> -> memref<1x1x3x120xi32, #tpu.memory_space<hbm>>
    %dma_start3A_28 = tpu.memref_squeeze %dma_start3A_27 : memref<1x1x3x120xi32, #tpu.memory_space<hbm>> -> memref<3x120xi32, #tpu.memory_space<hbm>>
    tpu.enqueue_dma source(%dma_start3A_28 : memref<3x120xi32, #tpu.memory_space<hbm>>) target(%dma_start3A_24 : memref<3x120xi32, #tpu.memory_space<vmem>>) target_semaphore(%arg16 : memref<!tpu.dma_semaphore, #tpu.memory_space<semaphore_mem>>)
    %dma_start3A_29 = arith.constant 0 : i32
    %dma_start3A_30 = arith.constant 0 : i32
    %dma_start3A_31 = arith.constant 0 : i32
    %dma_start3A_32 = tpu.memref_slice %arg7[%dma_start3A_29, %dma_start3A_30, %dma_start3A_31] : memref<4x3x120xi32, #tpu.memory_space<vmem>> -> memref<1x3x120xi32, #tpu.memory_space<vmem>>
    %dma_start3A_33 = tpu.memref_squeeze %dma_start3A_32 : memref<1x3x120xi32, #tpu.memory_space<vmem>> -> memref<3x120xi32, #tpu.memory_space<vmem>>
    %dma_start3A_34 = arith.constant 0 : i32
    %dma_start3A_35 = arith.constant 0 : i32
    %dma_start3A_36 = tpu.memref_slice %arg4[%arg1, %dma_start3A_34, %dma_start3A_35] : memref<16x168x120xi32, #tpu.memory_space<hbm>> -> memref<1x3x120xi32, #tpu.memory_space<hbm>>
    %dma_start3A_37 = tpu.memref_squeeze %dma_start3A_36 : memref<1x3x120xi32, #tpu.memory_space<hbm>> -> memref<3x120xi32, #tpu.memory_space<hbm>>
    %dma_start3A_38 = arith.constant 0 : i32
    %dma_start3A_39 = arith.constant 0 : i32
    %dma_start3A_40 = tpu.memref_slice %arg7[%dma_start3A_29, %dma_start3A_38, %dma_start3A_39] : memref<4x3x120xi32, #tpu.memory_space<vmem>> -> memref<1x3x120xi32, #tpu.memory_space<vmem>>
    %dma_start3A_41 = tpu.memref_squeeze %dma_start3A_40 : memref<1x3x120xi32, #tpu.memory_space<vmem>> -> memref<3x120xi32, #tpu.memory_space<vmem>>
    %dma_start3A_42 = arith.constant 0 : i32
    %dma_start3A_43 = arith.constant 0 : i32
    %dma_start3A_44 = tpu.memref_slice %arg4[%arg1, %dma_start3A_42, %dma_start3A_43] : memref<16x168x120xi32, #tpu.memory_space<hbm>> -> memref<1x3x120xi32, #tpu.memory_space<hbm>>
    %dma_start3A_45 = tpu.memref_squeeze %dma_start3A_44 : memref<1x3x120xi32, #tpu.memory_space<hbm>> -> memref<3x120xi32, #tpu.memory_space<hbm>>
    tpu.enqueue_dma source(%dma_start3A_45 : memref<3x120xi32, #tpu.memory_space<hbm>>) target(%dma_start3A_41 : memref<3x120xi32, #tpu.memory_space<vmem>>) target_semaphore(%arg20 : memref<!tpu.dma_semaphore, #tpu.memory_space<semaphore_mem>>)
    %dma_start3A_46 = arith.constant 1 : i32
    %dma_start3A_47 = arith.constant 0 : i32
    %dma_start3A_48 = arith.constant 0 : i32
    %dma_start3A_49 = tpu.memref_slice %arg6[%dma_start3A_46, %dma_start3A_47, %dma_start3A_48] : memref<4x3x120xi32, #tpu.memory_space<vmem>> -> memref<1x3x120xi32, #tpu.memory_space<vmem>>
    %dma_start3A_50 = tpu.memref_squeeze %dma_start3A_49 : memref<1x3x120xi32, #tpu.memory_space<vmem>> -> memref<3x120xi32, #tpu.memory_space<vmem>>
    %dma_start3A_51 = arith.constant 3 : i32
    %dma_start3A_52 = arith.constant 0 : i32
    %dma_start3A_53 = tpu.memref_slice %arg3[%arg0, %arg1, %dma_start3A_51, %dma_start3A_52] : memref<2x16x168x120xi32, #tpu.memory_space<hbm>> -> memref<1x1x3x120xi32, #tpu.memory_space<hbm>>
    %dma_start3A_54 = tpu.memref_squeeze %dma_start3A_53 : memref<1x1x3x120xi32, #tpu.memory_space<hbm>> -> memref<3x120xi32, #tpu.memory_space<hbm>>
    %dma_start3A_55 = arith.constant 0 : i32
    %dma_start3A_56 = arith.constant 0 : i32
    %dma_start3A_57 = tpu.memref_slice %arg6[%dma_start3A_46, %dma_start3A_55, %dma_start3A_56] : memref<4x3x120xi32, #tpu.memory_space<vmem>> -> memref<1x3x120xi32, #tpu.memory_space<vmem>>
    %dma_start3A_58 = tpu.memref_squeeze %dma_start3A_57 : memref<1x3x120xi32, #tpu.memory_space<vmem>> -> memref<3x120xi32, #tpu.memory_space<vmem>>
    %dma_start3A_59 = arith.constant 3 : i32
    %dma_start3A_60 = arith.constant 0 : i32
    %dma_start3A_61 = tpu.memref_slice %arg3[%arg0, %arg1, %dma_start3A_59, %dma_start3A_60] : memref<2x16x168x120xi32, #tpu.memory_space<hbm>> -> memref<1x1x3x120xi32, #tpu.memory_space<hbm>>
    %dma_start3A_62 = tpu.memref_squeeze %dma_start3A_61 : memref<1x1x3x120xi32, #tpu.memory_space<hbm>> -> memref<3x120xi32, #tpu.memory_space<hbm>>
    tpu.enqueue_dma source(%dma_start3A_62 : memref<3x120xi32, #tpu.memory_space<hbm>>) target(%dma_start3A_58 : memref<3x120xi32, #tpu.memory_space<vmem>>) target_semaphore(%arg17 : memref<!tpu.dma_semaphore, #tpu.memory_space<semaphore_mem>>)
    %dma_start3A_63 = arith.constant 1 : i32
    %dma_start3A_64 = arith.constant 0 : i32
    %dma_start3A_65 = arith.constant 0 : i32
    %dma_start3A_66 = tpu.memref_slice %arg7[%dma_start3A_63, %dma_start3A_64, %dma_start3A_65] : memref<4x3x120xi32, #tpu.memory_space<vmem>> -> memref<1x3x120xi32, #tpu.memory_space<vmem>>
    %dma_start3A_67 = tpu.memref_squeeze %dma_start3A_66 : memref<1x3x120xi32, #tpu.memory_space<vmem>> -> memref<3x120xi32, #tpu.memory_space<vmem>>
    %dma_start3A_68 = arith.constant 3 : i32
    %dma_start3A_69 = arith.constant 0 : i32
    %dma_start3A_70 = tpu.memref_slice %arg4[%arg1, %dma_start3A_68, %dma_start3A_69] : memref<16x168x120xi32, #tpu.memory_space<hbm>> -> memref<1x3x120xi32, #tpu.memory_space<hbm>>
    %dma_start3A_71 = tpu.memref_squeeze %dma_start3A_70 : memref<1x3x120xi32, #tpu.memory_space<hbm>> -> memref<3x120xi32, #tpu.memory_space<hbm>>
    %dma_start3A_72 = arith.constant 0 : i32
    %dma_start3A_73 = arith.constant 0 : i32
    %dma_start3A_74 = tpu.memref_slice %arg7[%dma_start3A_63, %dma_start3A_72, %dma_start3A_73] : memref<4x3x120xi32, #tpu.memory_space<vmem>> -> memref<1x3x120xi32, #tpu.memory_space<vmem>>
    %dma_start3A_75 = tpu.memref_squeeze %dma_start3A_74 : memref<1x3x120xi32, #tpu.memory_space<vmem>> -> memref<3x120xi32, #tpu.memory_space<vmem>>
    %dma_start3A_76 = arith.constant 3 : i32
    %dma_start3A_77 = arith.constant 0 : i32
    %dma_start3A_78 = tpu.memref_slice %arg4[%arg1, %dma_start3A_76, %dma_start3A_77] : memref<16x168x120xi32, #tpu.memory_space<hbm>> -> memref<1x3x120xi32, #tpu.memory_space<hbm>>
    %dma_start3A_79 = tpu.memref_squeeze %dma_start3A_78 : memref<1x3x120xi32, #tpu.memory_space<hbm>> -> memref<3x120xi32, #tpu.memory_space<hbm>>
    tpu.enqueue_dma source(%dma_start3A_79 : memref<3x120xi32, #tpu.memory_space<hbm>>) target(%dma_start3A_75 : memref<3x120xi32, #tpu.memory_space<vmem>>) target_semaphore(%arg21 : memref<!tpu.dma_semaphore, #tpu.memory_space<semaphore_mem>>)
    %dma_start3A_80 = arith.constant 2 : i32
    %dma_start3A_81 = arith.constant 0 : i32
    %dma_start3A_82 = arith.constant 0 : i32
    %dma_start3A_83 = tpu.memref_slice %arg6[%dma_start3A_80, %dma_start3A_81, %dma_start3A_82] : memref<4x3x120xi32, #tpu.memory_space<vmem>> -> memref<1x3x120xi32, #tpu.memory_space<vmem>>
    %dma_start3A_84 = tpu.memref_squeeze %dma_start3A_83 : memref<1x3x120xi32, #tpu.memory_space<vmem>> -> memref<3x120xi32, #tpu.memory_space<vmem>>
    %dma_start3A_85 = arith.constant 6 : i32
    %dma_start3A_86 = arith.constant 0 : i32
    %dma_start3A_87 = tpu.memref_slice %arg3[%arg0, %arg1, %dma_start3A_85, %dma_start3A_86] : memref<2x16x168x120xi32, #tpu.memory_space<hbm>> -> memref<1x1x3x120xi32, #tpu.memory_space<hbm>>
    %dma_start3A_88 = tpu.memref_squeeze %dma_start3A_87 : memref<1x1x3x120xi32, #tpu.memory_space<hbm>> -> memref<3x120xi32, #tpu.memory_space<hbm>>
    %dma_start3A_89 = arith.constant 0 : i32
    %dma_start3A_90 = arith.constant 0 : i32
    %dma_start3A_91 = tpu.memref_slice %arg6[%dma_start3A_80, %dma_start3A_89, %dma_start3A_90] : memref<4x3x120xi32, #tpu.memory_space<vmem>> -> memref<1x3x120xi32, #tpu.memory_space<vmem>>
    %dma_start3A_92 = tpu.memref_squeeze %dma_start3A_91 : memref<1x3x120xi32, #tpu.memory_space<vmem>> -> memref<3x120xi32, #tpu.memory_space<vmem>>
    %dma_start3A_93 = arith.constant 6 : i32
    %dma_start3A_94 = arith.constant 0 : i32
    %dma_start3A_95 = tpu.memref_slice %arg3[%arg0, %arg1, %dma_start3A_93, %dma_start3A_94] : memref<2x16x168x120xi32, #tpu.memory_space<hbm>> -> memref<1x1x3x120xi32, #tpu.memory_space<hbm>>
    %dma_start3A_96 = tpu.memref_squeeze %dma_start3A_95 : memref<1x1x3x120xi32, #tpu.memory_space<hbm>> -> memref<3x120xi32, #tpu.memory_space<hbm>>
    tpu.enqueue_dma source(%dma_start3A_96 : memref<3x120xi32, #tpu.memory_space<hbm>>) target(%dma_start3A_92 : memref<3x120xi32, #tpu.memory_space<vmem>>) target_semaphore(%arg18 : memref<!tpu.dma_semaphore, #tpu.memory_space<semaphore_mem>>)
    %dma_start3A_97 = arith.constant 2 : i32
    %dma_start3A_98 = arith.constant 0 : i32
    %dma_start3A_99 = arith.constant 0 : i32
    %dma_start3A_100 = tpu.memref_slice %arg7[%dma_start3A_97, %dma_start3A_98, %dma_start3A_99] : memref<4x3x120xi32, #tpu.memory_space<vmem>> -> memref<1x3x120xi32, #tpu.memory_space<vmem>>
    %dma_start3A_101 = tpu.memref_squeeze %dma_start3A_100 : memref<1x3x120xi32, #tpu.memory_space<vmem>> -> memref<3x120xi32, #tpu.memory_space<vmem>>
    %dma_start3A_102 = arith.constant 6 : i32
    %dma_start3A_103 = arith.constant 0 : i32
    %dma_start3A_104 = tpu.memref_slice %arg4[%arg1, %dma_start3A_102, %dma_start3A_103] : memref<16x168x120xi32, #tpu.memory_space<hbm>> -> memref<1x3x120xi32, #tpu.memory_space<hbm>>
    %dma_start3A_105 = tpu.memref_squeeze %dma_start3A_104 : memref<1x3x120xi32, #tpu.memory_space<hbm>> -> memref<3x120xi32, #tpu.memory_space<hbm>>
    %dma_start3A_106 = arith.constant 0 : i32
    %dma_start3A_107 = arith.constant 0 : i32
    %dma_start3A_108 = tpu.memref_slice %arg7[%dma_start3A_97, %dma_start3A_106, %dma_start3A_107] : memref<4x3x120xi32, #tpu.memory_space<vmem>> -> memref<1x3x120xi32, #tpu.memory_space<vmem>>
    %dma_start3A_109 = tpu.memref_squeeze %dma_start3A_108 : memref<1x3x120xi32, #tpu.memory_space<vmem>> -> memref<3x120xi32, #tpu.memory_space<vmem>>
    %dma_start3A_110 = arith.constant 6 : i32
    %dma_start3A_111 = arith.constant 0 : i32
    %dma_start3A_112 = tpu.memref_slice %arg4[%arg1, %dma_start3A_110, %dma_start3A_111] : memref<16x168x120xi32, #tpu.memory_space<hbm>> -> memref<1x3x120xi32, #tpu.memory_space<hbm>>
    %dma_start3A_113 = tpu.memref_squeeze %dma_start3A_112 : memref<1x3x120xi32, #tpu.memory_space<hbm>> -> memref<3x120xi32, #tpu.memory_space<hbm>>
    tpu.enqueue_dma source(%dma_start3A_113 : memref<3x120xi32, #tpu.memory_space<hbm>>) target(%dma_start3A_109 : memref<3x120xi32, #tpu.memory_space<vmem>>) target_semaphore(%arg22 : memref<!tpu.dma_semaphore, #tpu.memory_space<semaphore_mem>>)
    %dma_start3A_114 = arith.constant 3 : i32
    %dma_start3A_115 = arith.constant 0 : i32
    %dma_start3A_116 = arith.constant 0 : i32
    %dma_start3A_117 = tpu.memref_slice %arg6[%dma_start3A_114, %dma_start3A_115, %dma_start3A_116] : memref<4x3x120xi32, #tpu.memory_space<vmem>> -> memref<1x3x120xi32, #tpu.memory_space<vmem>>
    %dma_start3A_118 = tpu.memref_squeeze %dma_start3A_117 : memref<1x3x120xi32, #tpu.memory_space<vmem>> -> memref<3x120xi32, #tpu.memory_space<vmem>>
    %dma_start3A_119 = arith.constant 9 : i32
    %dma_start3A_120 = arith.constant 0 : i32
    %dma_start3A_121 = tpu.memref_slice %arg3[%arg0, %arg1, %dma_start3A_119, %dma_start3A_120] : memref<2x16x168x120xi32, #tpu.memory_space<hbm>> -> memref<1x1x3x120xi32, #tpu.memory_space<hbm>>
    %dma_start3A_122 = tpu.memref_squeeze %dma_start3A_121 : memref<1x1x3x120xi32, #tpu.memory_space<hbm>> -> memref<3x120xi32, #tpu.memory_space<hbm>>
    %dma_start3A_123 = arith.constant 0 : i32
    %dma_start3A_124 = arith.constant 0 : i32
    %dma_start3A_125 = tpu.memref_slice %arg6[%dma_start3A_114, %dma_start3A_123, %dma_start3A_124] : memref<4x3x120xi32, #tpu.memory_space<vmem>> -> memref<1x3x120xi32, #tpu.memory_space<vmem>>
    %dma_start3A_126 = tpu.memref_squeeze %dma_start3A_125 : memref<1x3x120xi32, #tpu.memory_space<vmem>> -> memref<3x120xi32, #tpu.memory_space<vmem>>
    %dma_start3A_127 = arith.constant 9 : i32
    %dma_start3A_128 = arith.constant 0 : i32
    %dma_start3A_129 = tpu.memref_slice %arg3[%arg0, %arg1, %dma_start3A_127, %dma_start3A_128] : memref<2x16x168x120xi32, #tpu.memory_space<hbm>> -> memref<1x1x3x120xi32, #tpu.memory_space<hbm>>
    %dma_start3A_130 = tpu.memref_squeeze %dma_start3A_129 : memref<1x1x3x120xi32, #tpu.memory_space<hbm>> -> memref<3x120xi32, #tpu.memory_space<hbm>>
    tpu.enqueue_dma source(%dma_start3A_130 : memref<3x120xi32, #tpu.memory_space<hbm>>) target(%dma_start3A_126 : memref<3x120xi32, #tpu.memory_space<vmem>>) target_semaphore(%arg19 : memref<!tpu.dma_semaphore, #tpu.memory_space<semaphore_mem>>)
    %dma_start3A_131 = arith.constant 3 : i32
    %dma_start3A_132 = arith.constant 0 : i32
    %dma_start3A_133 = arith.constant 0 : i32
    %dma_start3A_134 = tpu.memref_slice %arg7[%dma_start3A_131, %dma_start3A_132, %dma_start3A_133] : memref<4x3x120xi32, #tpu.memory_space<vmem>> -> memref<1x3x120xi32, #tpu.memory_space<vmem>>
    %dma_start3A_135 = tpu.memref_squeeze %dma_start3A_134 : memref<1x3x120xi32, #tpu.memory_space<vmem>> -> memref<3x120xi32, #tpu.memory_space<vmem>>
    %dma_start3A_136 = arith.constant 9 : i32
    %dma_start3A_137 = arith.constant 0 : i32
    %dma_start3A_138 = tpu.memref_slice %arg4[%arg1, %dma_start3A_136, %dma_start3A_137] : memref<16x168x120xi32, #tpu.memory_space<hbm>> -> memref<1x3x120xi32, #tpu.memory_space<hbm>>
    %dma_start3A_139 = tpu.memref_squeeze %dma_start3A_138 : memref<1x3x120xi32, #tpu.memory_space<hbm>> -> memref<3x120xi32, #tpu.memory_space<hbm>>
    %dma_start3A_140 = arith.constant 0 : i32
    %dma_start3A_141 = arith.constant 0 : i32
    %dma_start3A_142 = tpu.memref_slice %arg7[%dma_start3A_131, %dma_start3A_140, %dma_start3A_141] : memref<4x3x120xi32, #tpu.memory_space<vmem>> -> memref<1x3x120xi32, #tpu.memory_space<vmem>>
    %dma_start3A_143 = tpu.memref_squeeze %dma_start3A_142 : memref<1x3x120xi32, #tpu.memory_space<vmem>> -> memref<3x120xi32, #tpu.memory_space<vmem>>
    %dma_start3A_144 = arith.constant 9 : i32
    %dma_start3A_145 = arith.constant 0 : i32
    %dma_start3A_146 = tpu.memref_slice %arg4[%arg1, %dma_start3A_144, %dma_start3A_145] : memref<16x168x120xi32, #tpu.memory_space<hbm>> -> memref<1x3x120xi32, #tpu.memory_space<hbm>>
    %dma_start3A_147 = tpu.memref_squeeze %dma_start3A_146 : memref<1x3x120xi32, #tpu.memory_space<hbm>> -> memref<3x120xi32, #tpu.memory_space<hbm>>
    tpu.enqueue_dma source(%dma_start3A_147 : memref<3x120xi32, #tpu.memory_space<hbm>>) target(%dma_start3A_143 : memref<3x120xi32, #tpu.memory_space<vmem>>) target_semaphore(%arg23 : memref<!tpu.dma_semaphore, #tpu.memory_space<semaphore_mem>>)
    %scan3A_148 = arith.constant 0 : i32
    %scan3A_149 = arith.constant 0 : i32
    %scan3A_150 = arith.constant 14 : i32
    %scan3A_151 = arith.addi %scan3A_149, %scan3A_150 : i32
    %scan3A_152 = arith.constant 1 : i32
    scf.for %scan3A_157 = %scan3A_149 to %scan3A_151 step %scan3A_152  : i32 {
      %mul3A_158 = arith.constant 4 : i32
      %mul3A_159 = arith.muli %mul3A_158, %scan3A_157 : i32
      %add3A_160 = arith.constant 0 : i32
      %add3A_161 = arith.addi %mul3A_159, %add3A_160 : i32
      %mul3A_162 = arith.constant 3 : i32
      %mul3A_163 = arith.muli %add3A_161, %mul3A_162 : i32
      %dma_wait3A = arith.constant 0 : i32
      %dma_wait3A_164 = arith.constant 0 : i32
      %dma_wait3A_165 = arith.constant 0 : i32
      %dma_wait3A_166 = tpu.memref_slice %arg6[%dma_wait3A, %dma_wait3A_164, %dma_wait3A_165] : memref<4x3x120xi32, #tpu.memory_space<vmem>> -> memref<1x3x120xi32, #tpu.memory_space<vmem>>
      %dma_wait3A_167 = tpu.memref_squeeze %dma_wait3A_166 : memref<1x3x120xi32, #tpu.memory_space<vmem>> -> memref<3x120xi32, #tpu.memory_space<vmem>>
      %dma_wait3A_168 = arith.constant 0 : i32
      %dma_wait3A_169 = tpu.memref_slice %arg3[%arg0, %arg1, %mul3A_163, %dma_wait3A_168] : memref<2x16x168x120xi32, #tpu.memory_space<hbm>> -> memref<1x1x3x120xi32, #tpu.memory_space<hbm>>
      %dma_wait3A_170 = tpu.memref_squeeze %dma_wait3A_169 : memref<1x1x3x120xi32, #tpu.memory_space<hbm>> -> memref<3x120xi32, #tpu.memory_space<hbm>>
      %dma_wait3A_171 = arith.constant 0 : i32
      %dma_wait3A_172 = arith.constant 0 : i32
      %dma_wait3A_173 = tpu.memref_slice %arg6[%dma_wait3A, %dma_wait3A_171, %dma_wait3A_172] : memref<4x3x120xi32, #tpu.memory_space<vmem>> -> memref<1x3x120xi32, #tpu.memory_space<vmem>>
      %dma_wait3A_174 = tpu.memref_squeeze %dma_wait3A_173 : memref<1x3x120xi32, #tpu.memory_space<vmem>> -> memref<3x120xi32, #tpu.memory_space<vmem>>
      %dma_wait3A_175 = arith.constant 0 : i32
      %dma_wait3A_176 = tpu.memref_slice %arg3[%arg0, %arg1, %mul3A_163, %dma_wait3A_175] : memref<2x16x168x120xi32, #tpu.memory_space<hbm>> -> memref<1x1x3x120xi32, #tpu.memory_space<hbm>>
      %dma_wait3A_177 = tpu.memref_squeeze %dma_wait3A_176 : memref<1x1x3x120xi32, #tpu.memory_space<hbm>> -> memref<3x120xi32, #tpu.memory_space<hbm>>
      tpu.wait_dma2 semaphore(%arg16 : memref<!tpu.dma_semaphore, #tpu.memory_space<semaphore_mem>>) src(%dma_wait3A_177 : memref<3x120xi32, #tpu.memory_space<hbm>>) dst(%dma_wait3A_174 : memref<3x120xi32, #tpu.memory_space<vmem>>)
      %mul3A_178 = arith.constant 3 : i32
      %mul3A_179 = arith.muli %add3A_161, %mul3A_178 : i32
      %dma_wait3A_180 = arith.constant 0 : i32
      %dma_wait3A_181 = arith.constant 0 : i32
      %dma_wait3A_182 = arith.constant 0 : i32
      %dma_wait3A_183 = tpu.memref_slice %arg7[%dma_wait3A_180, %dma_wait3A_181, %dma_wait3A_182] : memref<4x3x120xi32, #tpu.memory_space<vmem>> -> memref<1x3x120xi32, #tpu.memory_space<vmem>>
      %dma_wait3A_184 = tpu.memref_squeeze %dma_wait3A_183 : memref<1x3x120xi32, #tpu.memory_space<vmem>> -> memref<3x120xi32, #tpu.memory_space<vmem>>
      %dma_wait3A_185 = arith.constant 0 : i32
      %dma_wait3A_186 = tpu.memref_slice %arg4[%arg1, %mul3A_179, %dma_wait3A_185] : memref<16x168x120xi32, #tpu.memory_space<hbm>> -> memref<1x3x120xi32, #tpu.memory_space<hbm>>
      %dma_wait3A_187 = tpu.memref_squeeze %dma_wait3A_186 : memref<1x3x120xi32, #tpu.memory_space<hbm>> -> memref<3x120xi32, #tpu.memory_space<hbm>>
      %dma_wait3A_188 = arith.constant 0 : i32
      %dma_wait3A_189 = arith.constant 0 : i32
      %dma_wait3A_190 = tpu.memref_slice %arg7[%dma_wait3A_180, %dma_wait3A_188, %dma_wait3A_189] : memref<4x3x120xi32, #tpu.memory_space<vmem>> -> memref<1x3x120xi32, #tpu.memory_space<vmem>>
      %dma_wait3A_191 = tpu.memref_squeeze %dma_wait3A_190 : memref<1x3x120xi32, #tpu.memory_space<vmem>> -> memref<3x120xi32, #tpu.memory_space<vmem>>
      %dma_wait3A_192 = arith.constant 0 : i32
      %dma_wait3A_193 = tpu.memref_slice %arg4[%arg1, %mul3A_179, %dma_wait3A_192] : memref<16x168x120xi32, #tpu.memory_space<hbm>> -> memref<1x3x120xi32, #tpu.memory_space<hbm>>
      %dma_wait3A_194 = tpu.memref_squeeze %dma_wait3A_193 : memref<1x3x120xi32, #tpu.memory_space<hbm>> -> memref<3x120xi32, #tpu.memory_space<hbm>>
      tpu.wait_dma2 semaphore(%arg20 : memref<!tpu.dma_semaphore, #tpu.memory_space<semaphore_mem>>) src(%dma_wait3A_194 : memref<3x120xi32, #tpu.memory_space<hbm>>) dst(%dma_wait3A_191 : memref<3x120xi32, #tpu.memory_space<vmem>>)
      %dma_start3A_195 = arith.constant 0 : i32
      %dma_start3A_196 = arith.constant 0 : i32
      %dma_start3A_197 = arith.constant 0 : i32
      %dma_start3A_198 = arith.constant 0 : i32
      %dma_start3A_199 = arith.constant 0 : i32
      %dma_start3A_200 = tpu.memref_slice %arg8[%dma_start3A_197, %dma_start3A_198, %dma_start3A_199] : memref<3x120x128xf32, #tpu.memory_space<vmem>> -> memref<1x120x128xf32, #tpu.memory_space<vmem>>
      %dma_start3A_201 = tpu.memref_squeeze %dma_start3A_200 : memref<1x120x128xf32, #tpu.memory_space<vmem>> -> memref<120x128xf32, #tpu.memory_space<vmem>>
      %dma_start3A_202 = arith.constant 0 : i32
      %dma_start3A_203 = tpu.memref_slice %arg6[%dma_start3A_195, %dma_start3A_196, %dma_start3A_202] : memref<4x3x120xi32, #tpu.memory_space<vmem>> -> memref<1x1x120xi32, #tpu.memory_space<vmem>>
      %dma_start3A_204 = tpu.memref_squeeze %dma_start3A_203 : memref<1x1x120xi32, #tpu.memory_space<vmem>> -> memref<120xi32, #tpu.memory_space<vmem>>
      %dma_start3A_205 = arith.constant 0 : i32
      %dma_start3A_206 = arith.constant 0 : i32
      %dma_start3A_207 = tpu.memref_slice %arg2[%dma_start3A_205, %dma_start3A_206] : memref<20000x128xf32, #tpu.memory_space<hbm>> -> memref<20000x128xf32, #tpu.memory_space<hbm>>
      tpu.enqueue_indirect_dma source(%dma_start3A_207 : memref<20000x128xf32, #tpu.memory_space<hbm>>) target(%dma_start3A_201 : memref<120x128xf32, #tpu.memory_space<vmem>>) offsets(%dma_start3A_204 : memref<120xi32, #tpu.memory_space<vmem>>) semaphore(%arg10 : memref<!tpu.dma_semaphore, #tpu.memory_space<semaphore_mem>>)
      %dma_start3A_208 = arith.constant 0 : i32
      %dma_start3A_209 = arith.constant 1 : i32
      %dma_start3A_210 = arith.constant 1 : i32
      %dma_start3A_211 = arith.constant 0 : i32
      %dma_start3A_212 = arith.constant 0 : i32
      %dma_start3A_213 = tpu.memref_slice %arg8[%dma_start3A_210, %dma_start3A_211, %dma_start3A_212] : memref<3x120x128xf32, #tpu.memory_space<vmem>> -> memref<1x120x128xf32, #tpu.memory_space<vmem>>
      %dma_start3A_214 = tpu.memref_squeeze %dma_start3A_213 : memref<1x120x128xf32, #tpu.memory_space<vmem>> -> memref<120x128xf32, #tpu.memory_space<vmem>>
      %dma_start3A_215 = arith.constant 0 : i32
      %dma_start3A_216 = tpu.memref_slice %arg6[%dma_start3A_208, %dma_start3A_209, %dma_start3A_215] : memref<4x3x120xi32, #tpu.memory_space<vmem>> -> memref<1x1x120xi32, #tpu.memory_space<vmem>>
      %dma_start3A_217 = tpu.memref_squeeze %dma_start3A_216 : memref<1x1x120xi32, #tpu.memory_space<vmem>> -> memref<120xi32, #tpu.memory_space<vmem>>
      %dma_start3A_218 = arith.constant 0 : i32
      %dma_start3A_219 = arith.constant 0 : i32
      %dma_start3A_220 = tpu.memref_slice %arg2[%dma_start3A_218, %dma_start3A_219] : memref<20000x128xf32, #tpu.memory_space<hbm>> -> memref<20000x128xf32, #tpu.memory_space<hbm>>
      tpu.enqueue_indirect_dma source(%dma_start3A_220 : memref<20000x128xf32, #tpu.memory_space<hbm>>) target(%dma_start3A_214 : memref<120x128xf32, #tpu.memory_space<vmem>>) offsets(%dma_start3A_217 : memref<120xi32, #tpu.memory_space<vmem>>) semaphore(%arg11 : memref<!tpu.dma_semaphore, #tpu.memory_space<semaphore_mem>>)
      %dma_start3A_221 = arith.constant 0 : i32
      %dma_start3A_222 = arith.constant 2 : i32
      %dma_start3A_223 = arith.constant 2 : i32
      %dma_start3A_224 = arith.constant 0 : i32
      %dma_start3A_225 = arith.constant 0 : i32
      %dma_start3A_226 = tpu.memref_slice %arg8[%dma_start3A_223, %dma_start3A_224, %dma_start3A_225] : memref<3x120x128xf32, #tpu.memory_space<vmem>> -> memref<1x120x128xf32, #tpu.memory_space<vmem>>
      %dma_start3A_227 = tpu.memref_squeeze %dma_start3A_226 : memref<1x120x128xf32, #tpu.memory_space<vmem>> -> memref<120x128xf32, #tpu.memory_space<vmem>>
      %dma_start3A_228 = arith.constant 0 : i32
      %dma_start3A_229 = tpu.memref_slice %arg6[%dma_start3A_221, %dma_start3A_222, %dma_start3A_228] : memref<4x3x120xi32, #tpu.memory_space<vmem>> -> memref<1x1x120xi32, #tpu.memory_space<vmem>>
      %dma_start3A_230 = tpu.memref_squeeze %dma_start3A_229 : memref<1x1x120xi32, #tpu.memory_space<vmem>> -> memref<120xi32, #tpu.memory_space<vmem>>
      %dma_start3A_231 = arith.constant 0 : i32
      %dma_start3A_232 = arith.constant 0 : i32
      %dma_start3A_233 = tpu.memref_slice %arg2[%dma_start3A_231, %dma_start3A_232] : memref<20000x128xf32, #tpu.memory_space<hbm>> -> memref<20000x128xf32, #tpu.memory_space<hbm>>
      tpu.enqueue_indirect_dma source(%dma_start3A_233 : memref<20000x128xf32, #tpu.memory_space<hbm>>) target(%dma_start3A_227 : memref<120x128xf32, #tpu.memory_space<vmem>>) offsets(%dma_start3A_230 : memref<120xi32, #tpu.memory_space<vmem>>) semaphore(%arg12 : memref<!tpu.dma_semaphore, #tpu.memory_space<semaphore_mem>>)
      %add3A_234 = arith.constant 3 : i32
      %add3A_235 = arith.addi %add3A_161, %add3A_234 : i32
      %lt3A = arith.constant 56 : i32
      %lt3A_236 = arith.cmpi slt, %add3A_235, %lt3A : i32
      %convert_element_type3A = arith.extui %lt3A_236 : i1 to i32
      %cond3A = arith.constant 0 : i32
      %cond3A_237 = arith.cmpi ne, %convert_element_type3A, %cond3A : i32
      scf.if %cond3A_237 {
        %add3A_958 = arith.constant 3 : i32
        %add3A_959 = arith.addi %add3A_161, %add3A_958 : i32
        %mul3A_960 = arith.constant 3 : i32
        %mul3A_961 = arith.muli %add3A_959, %mul3A_960 : i32
        %dma_start3A_962 = arith.constant 3 : i32
        %dma_start3A_963 = arith.constant 0 : i32
        %dma_start3A_964 = arith.constant 0 : i32
        %dma_start3A_965 = tpu.memref_slice %arg6[%dma_start3A_962, %dma_start3A_963, %dma_start3A_964] : memref<4x3x120xi32, #tpu.memory_space<vmem>> -> memref<1x3x120xi32, #tpu.memory_space<vmem>>
        %dma_start3A_966 = tpu.memref_squeeze %dma_start3A_965 : memref<1x3x120xi32, #tpu.memory_space<vmem>> -> memref<3x120xi32, #tpu.memory_space<vmem>>
        %dma_start3A_967 = arith.constant 0 : i32
        %dma_start3A_968 = tpu.memref_slice %arg3[%arg0, %arg1, %mul3A_961, %dma_start3A_967] : memref<2x16x168x120xi32, #tpu.memory_space<hbm>> -> memref<1x1x3x120xi32, #tpu.memory_space<hbm>>
        %dma_start3A_969 = tpu.memref_squeeze %dma_start3A_968 : memref<1x1x3x120xi32, #tpu.memory_space<hbm>> -> memref<3x120xi32, #tpu.memory_space<hbm>>
        %dma_start3A_970 = arith.constant 0 : i32
        %dma_start3A_971 = arith.constant 0 : i32
        %dma_start3A_972 = tpu.memref_slice %arg6[%dma_start3A_962, %dma_start3A_970, %dma_start3A_971] : memref<4x3x120xi32, #tpu.memory_space<vmem>> -> memref<1x3x120xi32, #tpu.memory_space<vmem>>
        %dma_start3A_973 = tpu.memref_squeeze %dma_start3A_972 : memref<1x3x120xi32, #tpu.memory_space<vmem>> -> memref<3x120xi32, #tpu.memory_space<vmem>>
        %dma_start3A_974 = arith.constant 0 : i32
        %dma_start3A_975 = tpu.memref_slice %arg3[%arg0, %arg1, %mul3A_961, %dma_start3A_974] : memref<2x16x168x120xi32, #tpu.memory_space<hbm>> -> memref<1x1x3x120xi32, #tpu.memory_space<hbm>>
        %dma_start3A_976 = tpu.memref_squeeze %dma_start3A_975 : memref<1x1x3x120xi32, #tpu.memory_space<hbm>> -> memref<3x120xi32, #tpu.memory_space<hbm>>
        tpu.enqueue_dma source(%dma_start3A_976 : memref<3x120xi32, #tpu.memory_space<hbm>>) target(%dma_start3A_973 : memref<3x120xi32, #tpu.memory_space<vmem>>) target_semaphore(%arg19 : memref<!tpu.dma_semaphore, #tpu.memory_space<semaphore_mem>>)
        %mul3A_977 = arith.constant 3 : i32
        %mul3A_978 = arith.muli %add3A_959, %mul3A_977 : i32
        %dma_start3A_979 = arith.constant 3 : i32
        %dma_start3A_980 = arith.constant 0 : i32
        %dma_start3A_981 = arith.constant 0 : i32
        %dma_start3A_982 = tpu.memref_slice %arg7[%dma_start3A_979, %dma_start3A_980, %dma_start3A_981] : memref<4x3x120xi32, #tpu.memory_space<vmem>> -> memref<1x3x120xi32, #tpu.memory_space<vmem>>
        %dma_start3A_983 = tpu.memref_squeeze %dma_start3A_982 : memref<1x3x120xi32, #tpu.memory_space<vmem>> -> memref<3x120xi32, #tpu.memory_space<vmem>>
        %dma_start3A_984 = arith.constant 0 : i32
        %dma_start3A_985 = tpu.memref_slice %arg4[%arg1, %mul3A_978, %dma_start3A_984] : memref<16x168x120xi32, #tpu.memory_space<hbm>> -> memref<1x3x120xi32, #tpu.memory_space<hbm>>
        %dma_start3A_986 = tpu.memref_squeeze %dma_start3A_985 : memref<1x3x120xi32, #tpu.memory_space<hbm>> -> memref<3x120xi32, #tpu.memory_space<hbm>>
        %dma_start3A_987 = arith.constant 0 : i32
        %dma_start3A_988 = arith.constant 0 : i32
        %dma_start3A_989 = tpu.memref_slice %arg7[%dma_start3A_979, %dma_start3A_987, %dma_start3A_988] : memref<4x3x120xi32, #tpu.memory_space<vmem>> -> memref<1x3x120xi32, #tpu.memory_space<vmem>>
        %dma_start3A_990 = tpu.memref_squeeze %dma_start3A_989 : memref<1x3x120xi32, #tpu.memory_space<vmem>> -> memref<3x120xi32, #tpu.memory_space<vmem>>
        %dma_start3A_991 = arith.constant 0 : i32
        %dma_start3A_992 = tpu.memref_slice %arg4[%arg1, %mul3A_978, %dma_start3A_991] : memref<16x168x120xi32, #tpu.memory_space<hbm>> -> memref<1x3x120xi32, #tpu.memory_space<hbm>>
        %dma_start3A_993 = tpu.memref_squeeze %dma_start3A_992 : memref<1x3x120xi32, #tpu.memory_space<hbm>> -> memref<3x120xi32, #tpu.memory_space<hbm>>
        tpu.enqueue_dma source(%dma_start3A_993 : memref<3x120xi32, #tpu.memory_space<hbm>>) target(%dma_start3A_990 : memref<3x120xi32, #tpu.memory_space<vmem>>) target_semaphore(%arg23 : memref<!tpu.dma_semaphore, #tpu.memory_space<semaphore_mem>>)
      } else {
      }
      %dma_wait3A_238 = arith.constant 0 : i32
      %dma_wait3A_239 = arith.constant 0 : i32
      %dma_wait3A_240 = arith.constant 0 : i32
      %dma_wait3A_241 = arith.constant 0 : i32
      %dma_wait3A_242 = arith.constant 0 : i32
      %dma_wait3A_243 = tpu.memref_slice %arg8[%dma_wait3A_240, %dma_wait3A_241, %dma_wait3A_242] : memref<3x120x128xf32, #tpu.memory_space<vmem>> -> memref<1x120x128xf32, #tpu.memory_space<vmem>>
      %dma_wait3A_244 = tpu.memref_squeeze %dma_wait3A_243 : memref<1x120x128xf32, #tpu.memory_space<vmem>> -> memref<120x128xf32, #tpu.memory_space<vmem>>
      %dma_wait3A_245 = arith.constant 0 : i32
      %dma_wait3A_246 = tpu.memref_slice %arg6[%dma_wait3A_238, %dma_wait3A_239, %dma_wait3A_245] : memref<4x3x120xi32, #tpu.memory_space<vmem>> -> memref<1x1x120xi32, #tpu.memory_space<vmem>>
      %dma_wait3A_247 = tpu.memref_squeeze %dma_wait3A_246 : memref<1x1x120xi32, #tpu.memory_space<vmem>> -> memref<120xi32, #tpu.memory_space<vmem>>
      %dma_wait3A_248 = arith.constant 0 : i32
      %dma_wait3A_249 = arith.constant 0 : i32
      %dma_wait3A_250 = tpu.memref_slice %arg2[%dma_wait3A_248, %dma_wait3A_249] : memref<20000x128xf32, #tpu.memory_space<hbm>> -> memref<20000x128xf32, #tpu.memory_space<hbm>>
      tpu.wait_indirect_dma semaphore(%arg10 : memref<!tpu.dma_semaphore, #tpu.memory_space<semaphore_mem>>) src(%dma_wait3A_250 : memref<20000x128xf32, #tpu.memory_space<hbm>>) dst(%dma_wait3A_244 : memref<120x128xf32, #tpu.memory_space<vmem>>)
      %dma_start3A_251 = arith.constant 0 : i32
      %dma_start3A_252 = arith.constant 0 : i32
      %dma_start3A_253 = arith.constant 0 : i32
      %dma_start3A_254 = arith.constant 0 : i32
      %dma_start3A_255 = arith.constant 0 : i32
      %dma_start3A_256 = tpu.memref_slice %arg8[%dma_start3A_251, %dma_start3A_254, %dma_start3A_255] : memref<3x120x128xf32, #tpu.memory_space<vmem>> -> memref<1x120x128xf32, #tpu.memory_space<vmem>>
      %dma_start3A_257 = tpu.memref_squeeze %dma_start3A_256 : memref<1x120x128xf32, #tpu.memory_space<vmem>> -> memref<120x128xf32, #tpu.memory_space<vmem>>
      %dma_start3A_258 = arith.constant 0 : i32
      %dma_start3A_259 = tpu.memref_slice %arg7[%dma_start3A_252, %dma_start3A_253, %dma_start3A_258] : memref<4x3x120xi32, #tpu.memory_space<vmem>> -> memref<1x1x120xi32, #tpu.memory_space<vmem>>
      %dma_start3A_260 = tpu.memref_squeeze %dma_start3A_259 : memref<1x1x120xi32, #tpu.memory_space<vmem>> -> memref<120xi32, #tpu.memory_space<vmem>>
      %dma_start3A_261 = arith.constant 0 : i32
      %dma_start3A_262 = arith.constant 0 : i32
      %dma_start3A_263 = tpu.memref_slice %arg9[%dma_start3A_261, %dma_start3A_262] : memref<10016x128xf32, #tpu.memory_space<vmem_shared>> -> memref<10016x128xf32, #tpu.memory_space<vmem_shared>>
      tpu.enqueue_indirect_dma source(%dma_start3A_257 : memref<120x128xf32, #tpu.memory_space<vmem>>) target(%dma_start3A_263 : memref<10016x128xf32, #tpu.memory_space<vmem_shared>>) offsets(%dma_start3A_260 : memref<120xi32, #tpu.memory_space<vmem>>) semaphore(%arg13 : memref<!tpu.dma_semaphore, #tpu.memory_space<semaphore_mem>>) {add = true}
      %dma_wait3A_264 = arith.constant 0 : i32
      %dma_wait3A_265 = arith.constant 1 : i32
      %dma_wait3A_266 = arith.constant 1 : i32
      %dma_wait3A_267 = arith.constant 0 : i32
      %dma_wait3A_268 = arith.constant 0 : i32
      %dma_wait3A_269 = tpu.memref_slice %arg8[%dma_wait3A_266, %dma_wait3A_267, %dma_wait3A_268] : memref<3x120x128xf32, #tpu.memory_space<vmem>> -> memref<1x120x128xf32, #tpu.memory_space<vmem>>
      %dma_wait3A_270 = tpu.memref_squeeze %dma_wait3A_269 : memref<1x120x128xf32, #tpu.memory_space<vmem>> -> memref<120x128xf32, #tpu.memory_space<vmem>>
      %dma_wait3A_271 = arith.constant 0 : i32
      %dma_wait3A_272 = tpu.memref_slice %arg6[%dma_wait3A_264, %dma_wait3A_265, %dma_wait3A_271] : memref<4x3x120xi32, #tpu.memory_space<vmem>> -> memref<1x1x120xi32, #tpu.memory_space<vmem>>
      %dma_wait3A_273 = tpu.memref_squeeze %dma_wait3A_272 : memref<1x1x120xi32, #tpu.memory_space<vmem>> -> memref<120xi32, #tpu.memory_space<vmem>>
      %dma_wait3A_274 = arith.constant 0 : i32
      %dma_wait3A_275 = arith.constant 0 : i32
      %dma_wait3A_276 = tpu.memref_slice %arg2[%dma_wait3A_274, %dma_wait3A_275] : memref<20000x128xf32, #tpu.memory_space<hbm>> -> memref<20000x128xf32, #tpu.memory_space<hbm>>
      tpu.wait_indirect_dma semaphore(%arg11 : memref<!tpu.dma_semaphore, #tpu.memory_space<semaphore_mem>>) src(%dma_wait3A_276 : memref<20000x128xf32, #tpu.memory_space<hbm>>) dst(%dma_wait3A_270 : memref<120x128xf32, #tpu.memory_space<vmem>>)
      %dma_start3A_277 = arith.constant 1 : i32
      %dma_start3A_278 = arith.constant 0 : i32
      %dma_start3A_279 = arith.constant 1 : i32
      %dma_start3A_280 = arith.constant 0 : i32
      %dma_start3A_281 = arith.constant 0 : i32
      %dma_start3A_282 = tpu.memref_slice %arg8[%dma_start3A_277, %dma_start3A_280, %dma_start3A_281] : memref<3x120x128xf32, #tpu.memory_space<vmem>> -> memref<1x120x128xf32, #tpu.memory_space<vmem>>
      %dma_start3A_283 = tpu.memref_squeeze %dma_start3A_282 : memref<1x120x128xf32, #tpu.memory_space<vmem>> -> memref<120x128xf32, #tpu.memory_space<vmem>>
      %dma_start3A_284 = arith.constant 0 : i32
      %dma_start3A_285 = tpu.memref_slice %arg7[%dma_start3A_278, %dma_start3A_279, %dma_start3A_284] : memref<4x3x120xi32, #tpu.memory_space<vmem>> -> memref<1x1x120xi32, #tpu.memory_space<vmem>>
      %dma_start3A_286 = tpu.memref_squeeze %dma_start3A_285 : memref<1x1x120xi32, #tpu.memory_space<vmem>> -> memref<120xi32, #tpu.memory_space<vmem>>
      %dma_start3A_287 = arith.constant 0 : i32
      %dma_start3A_288 = arith.constant 0 : i32
      %dma_start3A_289 = tpu.memref_slice %arg9[%dma_start3A_287, %dma_start3A_288] : memref<10016x128xf32, #tpu.memory_space<vmem_shared>> -> memref<10016x128xf32, #tpu.memory_space<vmem_shared>>
      tpu.enqueue_indirect_dma source(%dma_start3A_283 : memref<120x128xf32, #tpu.memory_space<vmem>>) target(%dma_start3A_289 : memref<10016x128xf32, #tpu.memory_space<vmem_shared>>) offsets(%dma_start3A_286 : memref<120xi32, #tpu.memory_space<vmem>>) semaphore(%arg14 : memref<!tpu.dma_semaphore, #tpu.memory_space<semaphore_mem>>) {add = true}
      %dma_wait3A_290 = arith.constant 0 : i32
      %dma_wait3A_291 = arith.constant 2 : i32
      %dma_wait3A_292 = arith.constant 2 : i32
      %dma_wait3A_293 = arith.constant 0 : i32
      %dma_wait3A_294 = arith.constant 0 : i32
      %dma_wait3A_295 = tpu.memref_slice %arg8[%dma_wait3A_292, %dma_wait3A_293, %dma_wait3A_294] : memref<3x120x128xf32, #tpu.memory_space<vmem>> -> memref<1x120x128xf32, #tpu.memory_space<vmem>>
      %dma_wait3A_296 = tpu.memref_squeeze %dma_wait3A_295 : memref<1x120x128xf32, #tpu.memory_space<vmem>> -> memref<120x128xf32, #tpu.memory_space<vmem>>
      %dma_wait3A_297 = arith.constant 0 : i32
      %dma_wait3A_298 = tpu.memref_slice %arg6[%dma_wait3A_290, %dma_wait3A_291, %dma_wait3A_297] : memref<4x3x120xi32, #tpu.memory_space<vmem>> -> memref<1x1x120xi32, #tpu.memory_space<vmem>>
      %dma_wait3A_299 = tpu.memref_squeeze %dma_wait3A_298 : memref<1x1x120xi32, #tpu.memory_space<vmem>> -> memref<120xi32, #tpu.memory_space<vmem>>
      %dma_wait3A_300 = arith.constant 0 : i32
      %dma_wait3A_301 = arith.constant 0 : i32
      %dma_wait3A_302 = tpu.memref_slice %arg2[%dma_wait3A_300, %dma_wait3A_301] : memref<20000x128xf32, #tpu.memory_space<hbm>> -> memref<20000x128xf32, #tpu.memory_space<hbm>>
      tpu.wait_indirect_dma semaphore(%arg12 : memref<!tpu.dma_semaphore, #tpu.memory_space<semaphore_mem>>) src(%dma_wait3A_302 : memref<20000x128xf32, #tpu.memory_space<hbm>>) dst(%dma_wait3A_296 : memref<120x128xf32, #tpu.memory_space<vmem>>)
      %dma_start3A_303 = arith.constant 2 : i32
      %dma_start3A_304 = arith.constant 0 : i32
      %dma_start3A_305 = arith.constant 2 : i32
      %dma_start3A_306 = arith.constant 0 : i32
      %dma_start3A_307 = arith.constant 0 : i32
      %dma_start3A_308 = tpu.memref_slice %arg8[%dma_start3A_303, %dma_start3A_306, %dma_start3A_307] : memref<3x120x128xf32, #tpu.memory_space<vmem>> -> memref<1x120x128xf32, #tpu.memory_space<vmem>>
      %dma_start3A_309 = tpu.memref_squeeze %dma_start3A_308 : memref<1x120x128xf32, #tpu.memory_space<vmem>> -> memref<120x128xf32, #tpu.memory_space<vmem>>
      %dma_start3A_310 = arith.constant 0 : i32
      %dma_start3A_311 = tpu.memref_slice %arg7[%dma_start3A_304, %dma_start3A_305, %dma_start3A_310] : memref<4x3x120xi32, #tpu.memory_space<vmem>> -> memref<1x1x120xi32, #tpu.memory_space<vmem>>
      %dma_start3A_312 = tpu.memref_squeeze %dma_start3A_311 : memref<1x1x120xi32, #tpu.memory_space<vmem>> -> memref<120xi32, #tpu.memory_space<vmem>>
      %dma_start3A_313 = arith.constant 0 : i32
      %dma_start3A_314 = arith.constant 0 : i32
      %dma_start3A_315 = tpu.memref_slice %arg9[%dma_start3A_313, %dma_start3A_314] : memref<10016x128xf32, #tpu.memory_space<vmem_shared>> -> memref<10016x128xf32, #tpu.memory_space<vmem_shared>>
      tpu.enqueue_indirect_dma source(%dma_start3A_309 : memref<120x128xf32, #tpu.memory_space<vmem>>) target(%dma_start3A_315 : memref<10016x128xf32, #tpu.memory_space<vmem_shared>>) offsets(%dma_start3A_312 : memref<120xi32, #tpu.memory_space<vmem>>) semaphore(%arg15 : memref<!tpu.dma_semaphore, #tpu.memory_space<semaphore_mem>>) {add = true}
      %dma_wait3A_316 = arith.constant 0 : i32
      %dma_wait3A_317 = arith.constant 0 : i32
      %dma_wait3A_318 = arith.constant 0 : i32
      %dma_wait3A_319 = arith.constant 0 : i32
      %dma_wait3A_320 = arith.constant 0 : i32
      %dma_wait3A_321 = tpu.memref_slice %arg8[%dma_wait3A_316, %dma_wait3A_319, %dma_wait3A_320] : memref<3x120x128xf32, #tpu.memory_space<vmem>> -> memref<1x120x128xf32, #tpu.memory_space<vmem>>
      %dma_wait3A_322 = tpu.memref_squeeze %dma_wait3A_321 : memref<1x120x128xf32, #tpu.memory_space<vmem>> -> memref<120x128xf32, #tpu.memory_space<vmem>>
      %dma_wait3A_323 = arith.constant 0 : i32
      %dma_wait3A_324 = tpu.memref_slice %arg7[%dma_wait3A_317, %dma_wait3A_318, %dma_wait3A_323] : memref<4x3x120xi32, #tpu.memory_space<vmem>> -> memref<1x1x120xi32, #tpu.memory_space<vmem>>
      %dma_wait3A_325 = tpu.memref_squeeze %dma_wait3A_324 : memref<1x1x120xi32, #tpu.memory_space<vmem>> -> memref<120xi32, #tpu.memory_space<vmem>>
      %dma_wait3A_326 = arith.constant 0 : i32
      %dma_wait3A_327 = arith.constant 0 : i32
      %dma_wait3A_328 = tpu.memref_slice %arg9[%dma_wait3A_326, %dma_wait3A_327] : memref<10016x128xf32, #tpu.memory_space<vmem_shared>> -> memref<10016x128xf32, #tpu.memory_space<vmem_shared>>
      tpu.wait_indirect_dma semaphore(%arg13 : memref<!tpu.dma_semaphore, #tpu.memory_space<semaphore_mem>>) src(%dma_wait3A_322 : memref<120x128xf32, #tpu.memory_space<vmem>>) dst(%dma_wait3A_328 : memref<10016x128xf32, #tpu.memory_space<vmem_shared>>)
      %dma_wait3A_329 = arith.constant 1 : i32
      %dma_wait3A_330 = arith.constant 0 : i32
      %dma_wait3A_331 = arith.constant 1 : i32
      %dma_wait3A_332 = arith.constant 0 : i32
      %dma_wait3A_333 = arith.constant 0 : i32
      %dma_wait3A_334 = tpu.memref_slice %arg8[%dma_wait3A_329, %dma_wait3A_332, %dma_wait3A_333] : memref<3x120x128xf32, #tpu.memory_space<vmem>> -> memref<1x120x128xf32, #tpu.memory_space<vmem>>
      %dma_wait3A_335 = tpu.memref_squeeze %dma_wait3A_334 : memref<1x120x128xf32, #tpu.memory_space<vmem>> -> memref<120x128xf32, #tpu.memory_space<vmem>>
      %dma_wait3A_336 = arith.constant 0 : i32
      %dma_wait3A_337 = tpu.memref_slice %arg7[%dma_wait3A_330, %dma_wait3A_331, %dma_wait3A_336] : memref<4x3x120xi32, #tpu.memory_space<vmem>> -> memref<1x1x120xi32, #tpu.memory_space<vmem>>
      %dma_wait3A_338 = tpu.memref_squeeze %dma_wait3A_337 : memref<1x1x120xi32, #tpu.memory_space<vmem>> -> memref<120xi32, #tpu.memory_space<vmem>>
      %dma_wait3A_339 = arith.constant 0 : i32
      %dma_wait3A_340 = arith.constant 0 : i32
      %dma_wait3A_341 = tpu.memref_slice %arg9[%dma_wait3A_339, %dma_wait3A_340] : memref<10016x128xf32, #tpu.memory_space<vmem_shared>> -> memref<10016x128xf32, #tpu.memory_space<vmem_shared>>
      tpu.wait_indirect_dma semaphore(%arg14 : memref<!tpu.dma_semaphore, #tpu.memory_space<semaphore_mem>>) src(%dma_wait3A_335 : memref<120x128xf32, #tpu.memory_space<vmem>>) dst(%dma_wait3A_341 : memref<10016x128xf32, #tpu.memory_space<vmem_shared>>)
      %dma_wait3A_342 = arith.constant 2 : i32
      %dma_wait3A_343 = arith.constant 0 : i32
      %dma_wait3A_344 = arith.constant 2 : i32
      %dma_wait3A_345 = arith.constant 0 : i32
      %dma_wait3A_346 = arith.constant 0 : i32
      %dma_wait3A_347 = tpu.memref_slice %arg8[%dma_wait3A_342, %dma_wait3A_345, %dma_wait3A_346] : memref<3x120x128xf32, #tpu.memory_space<vmem>> -> memref<1x120x128xf32, #tpu.memory_space<vmem>>
      %dma_wait3A_348 = tpu.memref_squeeze %dma_wait3A_347 : memref<1x120x128xf32, #tpu.memory_space<vmem>> -> memref<120x128xf32, #tpu.memory_space<vmem>>
      %dma_wait3A_349 = arith.constant 0 : i32
      %dma_wait3A_350 = tpu.memref_slice %arg7[%dma_wait3A_343, %dma_wait3A_344, %dma_wait3A_349] : memref<4x3x120xi32, #tpu.memory_space<vmem>> -> memref<1x1x120xi32, #tpu.memory_space<vmem>>
      %dma_wait3A_351 = tpu.memref_squeeze %dma_wait3A_350 : memref<1x1x120xi32, #tpu.memory_space<vmem>> -> memref<120xi32, #tpu.memory_space<vmem>>
      %dma_wait3A_352 = arith.constant 0 : i32
      %dma_wait3A_353 = arith.constant 0 : i32
      %dma_wait3A_354 = tpu.memref_slice %arg9[%dma_wait3A_352, %dma_wait3A_353] : memref<10016x128xf32, #tpu.memory_space<vmem_shared>> -> memref<10016x128xf32, #tpu.memory_space<vmem_shared>>
      tpu.wait_indirect_dma semaphore(%arg15 : memref<!tpu.dma_semaphore, #tpu.memory_space<semaphore_mem>>) src(%dma_wait3A_348 : memref<120x128xf32, #tpu.memory_space<vmem>>) dst(%dma_wait3A_354 : memref<10016x128xf32, #tpu.memory_space<vmem_shared>>)
      %mul3A_355 = arith.constant 4 : i32
      %mul3A_356 = arith.muli %mul3A_355, %scan3A_157 : i32
      %add3A_357 = arith.constant 1 : i32
      %add3A_358 = arith.addi %mul3A_356, %add3A_357 : i32
      %mul3A_359 = arith.constant 3 : i32
      %mul3A_360 = arith.muli %add3A_358, %mul3A_359 : i32
      %dma_wait3A_361 = arith.constant 1 : i32
      %dma_wait3A_362 = arith.constant 0 : i32
      %dma_wait3A_363 = arith.constant 0 : i32
      %dma_wait3A_364 = tpu.memref_slice %arg6[%dma_wait3A_361, %dma_wait3A_362, %dma_wait3A_363] : memref<4x3x120xi32, #tpu.memory_space<vmem>> -> memref<1x3x120xi32, #tpu.memory_space<vmem>>
      %dma_wait3A_365 = tpu.memref_squeeze %dma_wait3A_364 : memref<1x3x120xi32, #tpu.memory_space<vmem>> -> memref<3x120xi32, #tpu.memory_space<vmem>>
      %dma_wait3A_366 = arith.constant 0 : i32
      %dma_wait3A_367 = tpu.memref_slice %arg3[%arg0, %arg1, %mul3A_360, %dma_wait3A_366] : memref<2x16x168x120xi32, #tpu.memory_space<hbm>> -> memref<1x1x3x120xi32, #tpu.memory_space<hbm>>
      %dma_wait3A_368 = tpu.memref_squeeze %dma_wait3A_367 : memref<1x1x3x120xi32, #tpu.memory_space<hbm>> -> memref<3x120xi32, #tpu.memory_space<hbm>>
      %dma_wait3A_369 = arith.constant 0 : i32
      %dma_wait3A_370 = arith.constant 0 : i32
      %dma_wait3A_371 = tpu.memref_slice %arg6[%dma_wait3A_361, %dma_wait3A_369, %dma_wait3A_370] : memref<4x3x120xi32, #tpu.memory_space<vmem>> -> memref<1x3x120xi32, #tpu.memory_space<vmem>>
      %dma_wait3A_372 = tpu.memref_squeeze %dma_wait3A_371 : memref<1x3x120xi32, #tpu.memory_space<vmem>> -> memref<3x120xi32, #tpu.memory_space<vmem>>
      %dma_wait3A_373 = arith.constant 0 : i32
      %dma_wait3A_374 = tpu.memref_slice %arg3[%arg0, %arg1, %mul3A_360, %dma_wait3A_373] : memref<2x16x168x120xi32, #tpu.memory_space<hbm>> -> memref<1x1x3x120xi32, #tpu.memory_space<hbm>>
      %dma_wait3A_375 = tpu.memref_squeeze %dma_wait3A_374 : memref<1x1x3x120xi32, #tpu.memory_space<hbm>> -> memref<3x120xi32, #tpu.memory_space<hbm>>
      tpu.wait_dma2 semaphore(%arg17 : memref<!tpu.dma_semaphore, #tpu.memory_space<semaphore_mem>>) src(%dma_wait3A_375 : memref<3x120xi32, #tpu.memory_space<hbm>>) dst(%dma_wait3A_372 : memref<3x120xi32, #tpu.memory_space<vmem>>)
      %mul3A_376 = arith.constant 3 : i32
      %mul3A_377 = arith.muli %add3A_358, %mul3A_376 : i32
      %dma_wait3A_378 = arith.constant 1 : i32
      %dma_wait3A_379 = arith.constant 0 : i32
      %dma_wait3A_380 = arith.constant 0 : i32
      %dma_wait3A_381 = tpu.memref_slice %arg7[%dma_wait3A_378, %dma_wait3A_379, %dma_wait3A_380] : memref<4x3x120xi32, #tpu.memory_space<vmem>> -> memref<1x3x120xi32, #tpu.memory_space<vmem>>
      %dma_wait3A_382 = tpu.memref_squeeze %dma_wait3A_381 : memref<1x3x120xi32, #tpu.memory_space<vmem>> -> memref<3x120xi32, #tpu.memory_space<vmem>>
      %dma_wait3A_383 = arith.constant 0 : i32
      %dma_wait3A_384 = tpu.memref_slice %arg4[%arg1, %mul3A_377, %dma_wait3A_383] : memref<16x168x120xi32, #tpu.memory_space<hbm>> -> memref<1x3x120xi32, #tpu.memory_space<hbm>>
      %dma_wait3A_385 = tpu.memref_squeeze %dma_wait3A_384 : memref<1x3x120xi32, #tpu.memory_space<hbm>> -> memref<3x120xi32, #tpu.memory_space<hbm>>
      %dma_wait3A_386 = arith.constant 0 : i32
      %dma_wait3A_387 = arith.constant 0 : i32
      %dma_wait3A_388 = tpu.memref_slice %arg7[%dma_wait3A_378, %dma_wait3A_386, %dma_wait3A_387] : memref<4x3x120xi32, #tpu.memory_space<vmem>> -> memref<1x3x120xi32, #tpu.memory_space<vmem>>
      %dma_wait3A_389 = tpu.memref_squeeze %dma_wait3A_388 : memref<1x3x120xi32, #tpu.memory_space<vmem>> -> memref<3x120xi32, #tpu.memory_space<vmem>>
      %dma_wait3A_390 = arith.constant 0 : i32
      %dma_wait3A_391 = tpu.memref_slice %arg4[%arg1, %mul3A_377, %dma_wait3A_390] : memref<16x168x120xi32, #tpu.memory_space<hbm>> -> memref<1x3x120xi32, #tpu.memory_space<hbm>>
      %dma_wait3A_392 = tpu.memref_squeeze %dma_wait3A_391 : memref<1x3x120xi32, #tpu.memory_space<hbm>> -> memref<3x120xi32, #tpu.memory_space<hbm>>
      tpu.wait_dma2 semaphore(%arg21 : memref<!tpu.dma_semaphore, #tpu.memory_space<semaphore_mem>>) src(%dma_wait3A_392 : memref<3x120xi32, #tpu.memory_space<hbm>>) dst(%dma_wait3A_389 : memref<3x120xi32, #tpu.memory_space<vmem>>)
      %dma_start3A_393 = arith.constant 1 : i32
      %dma_start3A_394 = arith.constant 0 : i32
      %dma_start3A_395 = arith.constant 0 : i32
      %dma_start3A_396 = arith.constant 0 : i32
      %dma_start3A_397 = arith.constant 0 : i32
      %dma_start3A_398 = tpu.memref_slice %arg8[%dma_start3A_395, %dma_start3A_396, %dma_start3A_397] : memref<3x120x128xf32, #tpu.memory_space<vmem>> -> memref<1x120x128xf32, #tpu.memory_space<vmem>>
      %dma_start3A_399 = tpu.memref_squeeze %dma_start3A_398 : memref<1x120x128xf32, #tpu.memory_space<vmem>> -> memref<120x128xf32, #tpu.memory_space<vmem>>
      %dma_start3A_400 = arith.constant 0 : i32
      %dma_start3A_401 = tpu.memref_slice %arg6[%dma_start3A_393, %dma_start3A_394, %dma_start3A_400] : memref<4x3x120xi32, #tpu.memory_space<vmem>> -> memref<1x1x120xi32, #tpu.memory_space<vmem>>
      %dma_start3A_402 = tpu.memref_squeeze %dma_start3A_401 : memref<1x1x120xi32, #tpu.memory_space<vmem>> -> memref<120xi32, #tpu.memory_space<vmem>>
      %dma_start3A_403 = arith.constant 0 : i32
      %dma_start3A_404 = arith.constant 0 : i32
      %dma_start3A_405 = tpu.memref_slice %arg2[%dma_start3A_403, %dma_start3A_404] : memref<20000x128xf32, #tpu.memory_space<hbm>> -> memref<20000x128xf32, #tpu.memory_space<hbm>>
      tpu.enqueue_indirect_dma source(%dma_start3A_405 : memref<20000x128xf32, #tpu.memory_space<hbm>>) target(%dma_start3A_399 : memref<120x128xf32, #tpu.memory_space<vmem>>) offsets(%dma_start3A_402 : memref<120xi32, #tpu.memory_space<vmem>>) semaphore(%arg10 : memref<!tpu.dma_semaphore, #tpu.memory_space<semaphore_mem>>)
      %dma_start3A_406 = arith.constant 1 : i32
      %dma_start3A_407 = arith.constant 1 : i32
      %dma_start3A_408 = arith.constant 1 : i32
      %dma_start3A_409 = arith.constant 0 : i32
      %dma_start3A_410 = arith.constant 0 : i32
      %dma_start3A_411 = tpu.memref_slice %arg8[%dma_start3A_408, %dma_start3A_409, %dma_start3A_410] : memref<3x120x128xf32, #tpu.memory_space<vmem>> -> memref<1x120x128xf32, #tpu.memory_space<vmem>>
      %dma_start3A_412 = tpu.memref_squeeze %dma_start3A_411 : memref<1x120x128xf32, #tpu.memory_space<vmem>> -> memref<120x128xf32, #tpu.memory_space<vmem>>
      %dma_start3A_413 = arith.constant 0 : i32
      %dma_start3A_414 = tpu.memref_slice %arg6[%dma_start3A_406, %dma_start3A_407, %dma_start3A_413] : memref<4x3x120xi32, #tpu.memory_space<vmem>> -> memref<1x1x120xi32, #tpu.memory_space<vmem>>
      %dma_start3A_415 = tpu.memref_squeeze %dma_start3A_414 : memref<1x1x120xi32, #tpu.memory_space<vmem>> -> memref<120xi32, #tpu.memory_space<vmem>>
      %dma_start3A_416 = arith.constant 0 : i32
      %dma_start3A_417 = arith.constant 0 : i32
      %dma_start3A_418 = tpu.memref_slice %arg2[%dma_start3A_416, %dma_start3A_417] : memref<20000x128xf32, #tpu.memory_space<hbm>> -> memref<20000x128xf32, #tpu.memory_space<hbm>>
      tpu.enqueue_indirect_dma source(%dma_start3A_418 : memref<20000x128xf32, #tpu.memory_space<hbm>>) target(%dma_start3A_412 : memref<120x128xf32, #tpu.memory_space<vmem>>) offsets(%dma_start3A_415 : memref<120xi32, #tpu.memory_space<vmem>>) semaphore(%arg11 : memref<!tpu.dma_semaphore, #tpu.memory_space<semaphore_mem>>)
      %dma_start3A_419 = arith.constant 1 : i32
      %dma_start3A_420 = arith.constant 2 : i32
      %dma_start3A_421 = arith.constant 2 : i32
      %dma_start3A_422 = arith.constant 0 : i32
      %dma_start3A_423 = arith.constant 0 : i32
      %dma_start3A_424 = tpu.memref_slice %arg8[%dma_start3A_421, %dma_start3A_422, %dma_start3A_423] : memref<3x120x128xf32, #tpu.memory_space<vmem>> -> memref<1x120x128xf32, #tpu.memory_space<vmem>>
      %dma_start3A_425 = tpu.memref_squeeze %dma_start3A_424 : memref<1x120x128xf32, #tpu.memory_space<vmem>> -> memref<120x128xf32, #tpu.memory_space<vmem>>
      %dma_start3A_426 = arith.constant 0 : i32
      %dma_start3A_427 = tpu.memref_slice %arg6[%dma_start3A_419, %dma_start3A_420, %dma_start3A_426] : memref<4x3x120xi32, #tpu.memory_space<vmem>> -> memref<1x1x120xi32, #tpu.memory_space<vmem>>
      %dma_start3A_428 = tpu.memref_squeeze %dma_start3A_427 : memref<1x1x120xi32, #tpu.memory_space<vmem>> -> memref<120xi32, #tpu.memory_space<vmem>>
      %dma_start3A_429 = arith.constant 0 : i32
      %dma_start3A_430 = arith.constant 0 : i32
      %dma_start3A_431 = tpu.memref_slice %arg2[%dma_start3A_429, %dma_start3A_430] : memref<20000x128xf32, #tpu.memory_space<hbm>> -> memref<20000x128xf32, #tpu.memory_space<hbm>>
      tpu.enqueue_indirect_dma source(%dma_start3A_431 : memref<20000x128xf32, #tpu.memory_space<hbm>>) target(%dma_start3A_425 : memref<120x128xf32, #tpu.memory_space<vmem>>) offsets(%dma_start3A_428 : memref<120xi32, #tpu.memory_space<vmem>>) semaphore(%arg12 : memref<!tpu.dma_semaphore, #tpu.memory_space<semaphore_mem>>)
      %add3A_432 = arith.constant 3 : i32
      %add3A_433 = arith.addi %add3A_358, %add3A_432 : i32
      %lt3A_434 = arith.constant 56 : i32
      %lt3A_435 = arith.cmpi slt, %add3A_433, %lt3A_434 : i32
      %convert_element_type3A_436 = arith.extui %lt3A_435 : i1 to i32
      %cond3A_437 = arith.constant 0 : i32
      %cond3A_438 = arith.cmpi ne, %convert_element_type3A_436, %cond3A_437 : i32
      scf.if %cond3A_438 {
        %add3A_958 = arith.constant 3 : i32
        %add3A_959 = arith.addi %add3A_358, %add3A_958 : i32
        %mul3A_960 = arith.constant 3 : i32
        %mul3A_961 = arith.muli %add3A_959, %mul3A_960 : i32
        %dma_start3A_962 = arith.constant 0 : i32
        %dma_start3A_963 = arith.constant 0 : i32
        %dma_start3A_964 = arith.constant 0 : i32
        %dma_start3A_965 = tpu.memref_slice %arg6[%dma_start3A_962, %dma_start3A_963, %dma_start3A_964] : memref<4x3x120xi32, #tpu.memory_space<vmem>> -> memref<1x3x120xi32, #tpu.memory_space<vmem>>
        %dma_start3A_966 = tpu.memref_squeeze %dma_start3A_965 : memref<1x3x120xi32, #tpu.memory_space<vmem>> -> memref<3x120xi32, #tpu.memory_space<vmem>>
        %dma_start3A_967 = arith.constant 0 : i32
        %dma_start3A_968 = tpu.memref_slice %arg3[%arg0, %arg1, %mul3A_961, %dma_start3A_967] : memref<2x16x168x120xi32, #tpu.memory_space<hbm>> -> memref<1x1x3x120xi32, #tpu.memory_space<hbm>>
        %dma_start3A_969 = tpu.memref_squeeze %dma_start3A_968 : memref<1x1x3x120xi32, #tpu.memory_space<hbm>> -> memref<3x120xi32, #tpu.memory_space<hbm>>
        %dma_start3A_970 = arith.constant 0 : i32
        %dma_start3A_971 = arith.constant 0 : i32
        %dma_start3A_972 = tpu.memref_slice %arg6[%dma_start3A_962, %dma_start3A_970, %dma_start3A_971] : memref<4x3x120xi32, #tpu.memory_space<vmem>> -> memref<1x3x120xi32, #tpu.memory_space<vmem>>
        %dma_start3A_973 = tpu.memref_squeeze %dma_start3A_972 : memref<1x3x120xi32, #tpu.memory_space<vmem>> -> memref<3x120xi32, #tpu.memory_space<vmem>>
        %dma_start3A_974 = arith.constant 0 : i32
        %dma_start3A_975 = tpu.memref_slice %arg3[%arg0, %arg1, %mul3A_961, %dma_start3A_974] : memref<2x16x168x120xi32, #tpu.memory_space<hbm>> -> memref<1x1x3x120xi32, #tpu.memory_space<hbm>>
        %dma_start3A_976 = tpu.memref_squeeze %dma_start3A_975 : memref<1x1x3x120xi32, #tpu.memory_space<hbm>> -> memref<3x120xi32, #tpu.memory_space<hbm>>
        tpu.enqueue_dma source(%dma_start3A_976 : memref<3x120xi32, #tpu.memory_space<hbm>>) target(%dma_start3A_973 : memref<3x120xi32, #tpu.memory_space<vmem>>) target_semaphore(%arg16 : memref<!tpu.dma_semaphore, #tpu.memory_space<semaphore_mem>>)
        %mul3A_977 = arith.constant 3 : i32
        %mul3A_978 = arith.muli %add3A_959, %mul3A_977 : i32
        %dma_start3A_979 = arith.constant 0 : i32
        %dma_start3A_980 = arith.constant 0 : i32
        %dma_start3A_981 = arith.constant 0 : i32
        %dma_start3A_982 = tpu.memref_slice %arg7[%dma_start3A_979, %dma_start3A_980, %dma_start3A_981] : memref<4x3x120xi32, #tpu.memory_space<vmem>> -> memref<1x3x120xi32, #tpu.memory_space<vmem>>
        %dma_start3A_983 = tpu.memref_squeeze %dma_start3A_982 : memref<1x3x120xi32, #tpu.memory_space<vmem>> -> memref<3x120xi32, #tpu.memory_space<vmem>>
        %dma_start3A_984 = arith.constant 0 : i32
        %dma_start3A_985 = tpu.memref_slice %arg4[%arg1, %mul3A_978, %dma_start3A_984] : memref<16x168x120xi32, #tpu.memory_space<hbm>> -> memref<1x3x120xi32, #tpu.memory_space<hbm>>
        %dma_start3A_986 = tpu.memref_squeeze %dma_start3A_985 : memref<1x3x120xi32, #tpu.memory_space<hbm>> -> memref<3x120xi32, #tpu.memory_space<hbm>>
        %dma_start3A_987 = arith.constant 0 : i32
        %dma_start3A_988 = arith.constant 0 : i32
        %dma_start3A_989 = tpu.memref_slice %arg7[%dma_start3A_979, %dma_start3A_987, %dma_start3A_988] : memref<4x3x120xi32, #tpu.memory_space<vmem>> -> memref<1x3x120xi32, #tpu.memory_space<vmem>>
        %dma_start3A_990 = tpu.memref_squeeze %dma_start3A_989 : memref<1x3x120xi32, #tpu.memory_space<vmem>> -> memref<3x120xi32, #tpu.memory_space<vmem>>
        %dma_start3A_991 = arith.constant 0 : i32
        %dma_start3A_992 = tpu.memref_slice %arg4[%arg1, %mul3A_978, %dma_start3A_991] : memref<16x168x120xi32, #tpu.memory_space<hbm>> -> memref<1x3x120xi32, #tpu.memory_space<hbm>>
        %dma_start3A_993 = tpu.memref_squeeze %dma_start3A_992 : memref<1x3x120xi32, #tpu.memory_space<hbm>> -> memref<3x120xi32, #tpu.memory_space<hbm>>
        tpu.enqueue_dma source(%dma_start3A_993 : memref<3x120xi32, #tpu.memory_space<hbm>>) target(%dma_start3A_990 : memref<3x120xi32, #tpu.memory_space<vmem>>) target_semaphore(%arg20 : memref<!tpu.dma_semaphore, #tpu.memory_space<semaphore_mem>>)
      } else {
      }
      %dma_wait3A_439 = arith.constant 1 : i32
      %dma_wait3A_440 = arith.constant 0 : i32
      %dma_wait3A_441 = arith.constant 0 : i32
      %dma_wait3A_442 = arith.constant 0 : i32
      %dma_wait3A_443 = arith.constant 0 : i32
      %dma_wait3A_444 = tpu.memref_slice %arg8[%dma_wait3A_441, %dma_wait3A_442, %dma_wait3A_443] : memref<3x120x128xf32, #tpu.memory_space<vmem>> -> memref<1x120x128xf32, #tpu.memory_space<vmem>>
      %dma_wait3A_445 = tpu.memref_squeeze %dma_wait3A_444 : memref<1x120x128xf32, #tpu.memory_space<vmem>> -> memref<120x128xf32, #tpu.memory_space<vmem>>
      %dma_wait3A_446 = arith.constant 0 : i32
      %dma_wait3A_447 = tpu.memref_slice %arg6[%dma_wait3A_439, %dma_wait3A_440, %dma_wait3A_446] : memref<4x3x120xi32, #tpu.memory_space<vmem>> -> memref<1x1x120xi32, #tpu.memory_space<vmem>>
      %dma_wait3A_448 = tpu.memref_squeeze %dma_wait3A_447 : memref<1x1x120xi32, #tpu.memory_space<vmem>> -> memref<120xi32, #tpu.memory_space<vmem>>
      %dma_wait3A_449 = arith.constant 0 : i32
      %dma_wait3A_450 = arith.constant 0 : i32
      %dma_wait3A_451 = tpu.memref_slice %arg2[%dma_wait3A_449, %dma_wait3A_450] : memref<20000x128xf32, #tpu.memory_space<hbm>> -> memref<20000x128xf32, #tpu.memory_space<hbm>>
      tpu.wait_indirect_dma semaphore(%arg10 : memref<!tpu.dma_semaphore, #tpu.memory_space<semaphore_mem>>) src(%dma_wait3A_451 : memref<20000x128xf32, #tpu.memory_space<hbm>>) dst(%dma_wait3A_445 : memref<120x128xf32, #tpu.memory_space<vmem>>)
      %dma_start3A_452 = arith.constant 0 : i32
      %dma_start3A_453 = arith.constant 1 : i32
      %dma_start3A_454 = arith.constant 0 : i32
      %dma_start3A_455 = arith.constant 0 : i32
      %dma_start3A_456 = arith.constant 0 : i32
      %dma_start3A_457 = tpu.memref_slice %arg8[%dma_start3A_452, %dma_start3A_455, %dma_start3A_456] : memref<3x120x128xf32, #tpu.memory_space<vmem>> -> memref<1x120x128xf32, #tpu.memory_space<vmem>>
      %dma_start3A_458 = tpu.memref_squeeze %dma_start3A_457 : memref<1x120x128xf32, #tpu.memory_space<vmem>> -> memref<120x128xf32, #tpu.memory_space<vmem>>
      %dma_start3A_459 = arith.constant 0 : i32
      %dma_start3A_460 = tpu.memref_slice %arg7[%dma_start3A_453, %dma_start3A_454, %dma_start3A_459] : memref<4x3x120xi32, #tpu.memory_space<vmem>> -> memref<1x1x120xi32, #tpu.memory_space<vmem>>
      %dma_start3A_461 = tpu.memref_squeeze %dma_start3A_460 : memref<1x1x120xi32, #tpu.memory_space<vmem>> -> memref<120xi32, #tpu.memory_space<vmem>>
      %dma_start3A_462 = arith.constant 0 : i32
      %dma_start3A_463 = arith.constant 0 : i32
      %dma_start3A_464 = tpu.memref_slice %arg9[%dma_start3A_462, %dma_start3A_463] : memref<10016x128xf32, #tpu.memory_space<vmem_shared>> -> memref<10016x128xf32, #tpu.memory_space<vmem_shared>>
      tpu.enqueue_indirect_dma source(%dma_start3A_458 : memref<120x128xf32, #tpu.memory_space<vmem>>) target(%dma_start3A_464 : memref<10016x128xf32, #tpu.memory_space<vmem_shared>>) offsets(%dma_start3A_461 : memref<120xi32, #tpu.memory_space<vmem>>) semaphore(%arg13 : memref<!tpu.dma_semaphore, #tpu.memory_space<semaphore_mem>>) {add = true}
      %dma_wait3A_465 = arith.constant 1 : i32
      %dma_wait3A_466 = arith.constant 1 : i32
      %dma_wait3A_467 = arith.constant 1 : i32
      %dma_wait3A_468 = arith.constant 0 : i32
      %dma_wait3A_469 = arith.constant 0 : i32
      %dma_wait3A_470 = tpu.memref_slice %arg8[%dma_wait3A_467, %dma_wait3A_468, %dma_wait3A_469] : memref<3x120x128xf32, #tpu.memory_space<vmem>> -> memref<1x120x128xf32, #tpu.memory_space<vmem>>
      %dma_wait3A_471 = tpu.memref_squeeze %dma_wait3A_470 : memref<1x120x128xf32, #tpu.memory_space<vmem>> -> memref<120x128xf32, #tpu.memory_space<vmem>>
      %dma_wait3A_472 = arith.constant 0 : i32
      %dma_wait3A_473 = tpu.memref_slice %arg6[%dma_wait3A_465, %dma_wait3A_466, %dma_wait3A_472] : memref<4x3x120xi32, #tpu.memory_space<vmem>> -> memref<1x1x120xi32, #tpu.memory_space<vmem>>
      %dma_wait3A_474 = tpu.memref_squeeze %dma_wait3A_473 : memref<1x1x120xi32, #tpu.memory_space<vmem>> -> memref<120xi32, #tpu.memory_space<vmem>>
      %dma_wait3A_475 = arith.constant 0 : i32
      %dma_wait3A_476 = arith.constant 0 : i32
      %dma_wait3A_477 = tpu.memref_slice %arg2[%dma_wait3A_475, %dma_wait3A_476] : memref<20000x128xf32, #tpu.memory_space<hbm>> -> memref<20000x128xf32, #tpu.memory_space<hbm>>
      tpu.wait_indirect_dma semaphore(%arg11 : memref<!tpu.dma_semaphore, #tpu.memory_space<semaphore_mem>>) src(%dma_wait3A_477 : memref<20000x128xf32, #tpu.memory_space<hbm>>) dst(%dma_wait3A_471 : memref<120x128xf32, #tpu.memory_space<vmem>>)
      %dma_start3A_478 = arith.constant 1 : i32
      %dma_start3A_479 = arith.constant 1 : i32
      %dma_start3A_480 = arith.constant 1 : i32
      %dma_start3A_481 = arith.constant 0 : i32
      %dma_start3A_482 = arith.constant 0 : i32
      %dma_start3A_483 = tpu.memref_slice %arg8[%dma_start3A_478, %dma_start3A_481, %dma_start3A_482] : memref<3x120x128xf32, #tpu.memory_space<vmem>> -> memref<1x120x128xf32, #tpu.memory_space<vmem>>
      %dma_start3A_484 = tpu.memref_squeeze %dma_start3A_483 : memref<1x120x128xf32, #tpu.memory_space<vmem>> -> memref<120x128xf32, #tpu.memory_space<vmem>>
      %dma_start3A_485 = arith.constant 0 : i32
      %dma_start3A_486 = tpu.memref_slice %arg7[%dma_start3A_479, %dma_start3A_480, %dma_start3A_485] : memref<4x3x120xi32, #tpu.memory_space<vmem>> -> memref<1x1x120xi32, #tpu.memory_space<vmem>>
      %dma_start3A_487 = tpu.memref_squeeze %dma_start3A_486 : memref<1x1x120xi32, #tpu.memory_space<vmem>> -> memref<120xi32, #tpu.memory_space<vmem>>
      %dma_start3A_488 = arith.constant 0 : i32
      %dma_start3A_489 = arith.constant 0 : i32
      %dma_start3A_490 = tpu.memref_slice %arg9[%dma_start3A_488, %dma_start3A_489] : memref<10016x128xf32, #tpu.memory_space<vmem_shared>> -> memref<10016x128xf32, #tpu.memory_space<vmem_shared>>
      tpu.enqueue_indirect_dma source(%dma_start3A_484 : memref<120x128xf32, #tpu.memory_space<vmem>>) target(%dma_start3A_490 : memref<10016x128xf32, #tpu.memory_space<vmem_shared>>) offsets(%dma_start3A_487 : memref<120xi32, #tpu.memory_space<vmem>>) semaphore(%arg14 : memref<!tpu.dma_semaphore, #tpu.memory_space<semaphore_mem>>) {add = true}
      %dma_wait3A_491 = arith.constant 1 : i32
      %dma_wait3A_492 = arith.constant 2 : i32
      %dma_wait3A_493 = arith.constant 2 : i32
      %dma_wait3A_494 = arith.constant 0 : i32
      %dma_wait3A_495 = arith.constant 0 : i32
      %dma_wait3A_496 = tpu.memref_slice %arg8[%dma_wait3A_493, %dma_wait3A_494, %dma_wait3A_495] : memref<3x120x128xf32, #tpu.memory_space<vmem>> -> memref<1x120x128xf32, #tpu.memory_space<vmem>>
      %dma_wait3A_497 = tpu.memref_squeeze %dma_wait3A_496 : memref<1x120x128xf32, #tpu.memory_space<vmem>> -> memref<120x128xf32, #tpu.memory_space<vmem>>
      %dma_wait3A_498 = arith.constant 0 : i32
      %dma_wait3A_499 = tpu.memref_slice %arg6[%dma_wait3A_491, %dma_wait3A_492, %dma_wait3A_498] : memref<4x3x120xi32, #tpu.memory_space<vmem>> -> memref<1x1x120xi32, #tpu.memory_space<vmem>>
      %dma_wait3A_500 = tpu.memref_squeeze %dma_wait3A_499 : memref<1x1x120xi32, #tpu.memory_space<vmem>> -> memref<120xi32, #tpu.memory_space<vmem>>
      %dma_wait3A_501 = arith.constant 0 : i32
      %dma_wait3A_502 = arith.constant 0 : i32
      %dma_wait3A_503 = tpu.memref_slice %arg2[%dma_wait3A_501, %dma_wait3A_502] : memref<20000x128xf32, #tpu.memory_space<hbm>> -> memref<20000x128xf32, #tpu.memory_space<hbm>>
      tpu.wait_indirect_dma semaphore(%arg12 : memref<!tpu.dma_semaphore, #tpu.memory_space<semaphore_mem>>) src(%dma_wait3A_503 : memref<20000x128xf32, #tpu.memory_space<hbm>>) dst(%dma_wait3A_497 : memref<120x128xf32, #tpu.memory_space<vmem>>)
      %dma_start3A_504 = arith.constant 2 : i32
      %dma_start3A_505 = arith.constant 1 : i32
      %dma_start3A_506 = arith.constant 2 : i32
      %dma_start3A_507 = arith.constant 0 : i32
      %dma_start3A_508 = arith.constant 0 : i32
      %dma_start3A_509 = tpu.memref_slice %arg8[%dma_start3A_504, %dma_start3A_507, %dma_start3A_508] : memref<3x120x128xf32, #tpu.memory_space<vmem>> -> memref<1x120x128xf32, #tpu.memory_space<vmem>>
      %dma_start3A_510 = tpu.memref_squeeze %dma_start3A_509 : memref<1x120x128xf32, #tpu.memory_space<vmem>> -> memref<120x128xf32, #tpu.memory_space<vmem>>
      %dma_start3A_511 = arith.constant 0 : i32
      %dma_start3A_512 = tpu.memref_slice %arg7[%dma_start3A_505, %dma_start3A_506, %dma_start3A_511] : memref<4x3x120xi32, #tpu.memory_space<vmem>> -> memref<1x1x120xi32, #tpu.memory_space<vmem>>
      %dma_start3A_513 = tpu.memref_squeeze %dma_start3A_512 : memref<1x1x120xi32, #tpu.memory_space<vmem>> -> memref<120xi32, #tpu.memory_space<vmem>>
      %dma_start3A_514 = arith.constant 0 : i32
      %dma_start3A_515 = arith.constant 0 : i32
      %dma_start3A_516 = tpu.memref_slice %arg9[%dma_start3A_514, %dma_start3A_515] : memref<10016x128xf32, #tpu.memory_space<vmem_shared>> -> memref<10016x128xf32, #tpu.memory_space<vmem_shared>>
      tpu.enqueue_indirect_dma source(%dma_start3A_510 : memref<120x128xf32, #tpu.memory_space<vmem>>) target(%dma_start3A_516 : memref<10016x128xf32, #tpu.memory_space<vmem_shared>>) offsets(%dma_start3A_513 : memref<120xi32, #tpu.memory_space<vmem>>) semaphore(%arg15 : memref<!tpu.dma_semaphore, #tpu.memory_space<semaphore_mem>>) {add = true}
      %dma_wait3A_517 = arith.constant 0 : i32
      %dma_wait3A_518 = arith.constant 1 : i32
      %dma_wait3A_519 = arith.constant 0 : i32
      %dma_wait3A_520 = arith.constant 0 : i32
      %dma_wait3A_521 = arith.constant 0 : i32
      %dma_wait3A_522 = tpu.memref_slice %arg8[%dma_wait3A_517, %dma_wait3A_520, %dma_wait3A_521] : memref<3x120x128xf32, #tpu.memory_space<vmem>> -> memref<1x120x128xf32, #tpu.memory_space<vmem>>
      %dma_wait3A_523 = tpu.memref_squeeze %dma_wait3A_522 : memref<1x120x128xf32, #tpu.memory_space<vmem>> -> memref<120x128xf32, #tpu.memory_space<vmem>>
      %dma_wait3A_524 = arith.constant 0 : i32
      %dma_wait3A_525 = tpu.memref_slice %arg7[%dma_wait3A_518, %dma_wait3A_519, %dma_wait3A_524] : memref<4x3x120xi32, #tpu.memory_space<vmem>> -> memref<1x1x120xi32, #tpu.memory_space<vmem>>
      %dma_wait3A_526 = tpu.memref_squeeze %dma_wait3A_525 : memref<1x1x120xi32, #tpu.memory_space<vmem>> -> memref<120xi32, #tpu.memory_space<vmem>>
      %dma_wait3A_527 = arith.constant 0 : i32
      %dma_wait3A_528 = arith.constant 0 : i32
      %dma_wait3A_529 = tpu.memref_slice %arg9[%dma_wait3A_527, %dma_wait3A_528] : memref<10016x128xf32, #tpu.memory_space<vmem_shared>> -> memref<10016x128xf32, #tpu.memory_space<vmem_shared>>
      tpu.wait_indirect_dma semaphore(%arg13 : memref<!tpu.dma_semaphore, #tpu.memory_space<semaphore_mem>>) src(%dma_wait3A_523 : memref<120x128xf32, #tpu.memory_space<vmem>>) dst(%dma_wait3A_529 : memref<10016x128xf32, #tpu.memory_space<vmem_shared>>)
      %dma_wait3A_530 = arith.constant 1 : i32
      %dma_wait3A_531 = arith.constant 1 : i32
      %dma_wait3A_532 = arith.constant 1 : i32
      %dma_wait3A_533 = arith.constant 0 : i32
      %dma_wait3A_534 = arith.constant 0 : i32
      %dma_wait3A_535 = tpu.memref_slice %arg8[%dma_wait3A_530, %dma_wait3A_533, %dma_wait3A_534] : memref<3x120x128xf32, #tpu.memory_space<vmem>> -> memref<1x120x128xf32, #tpu.memory_space<vmem>>
      %dma_wait3A_536 = tpu.memref_squeeze %dma_wait3A_535 : memref<1x120x128xf32, #tpu.memory_space<vmem>> -> memref<120x128xf32, #tpu.memory_space<vmem>>
      %dma_wait3A_537 = arith.constant 0 : i32
      %dma_wait3A_538 = tpu.memref_slice %arg7[%dma_wait3A_531, %dma_wait3A_532, %dma_wait3A_537] : memref<4x3x120xi32, #tpu.memory_space<vmem>> -> memref<1x1x120xi32, #tpu.memory_space<vmem>>
      %dma_wait3A_539 = tpu.memref_squeeze %dma_wait3A_538 : memref<1x1x120xi32, #tpu.memory_space<vmem>> -> memref<120xi32, #tpu.memory_space<vmem>>
      %dma_wait3A_540 = arith.constant 0 : i32
      %dma_wait3A_541 = arith.constant 0 : i32
      %dma_wait3A_542 = tpu.memref_slice %arg9[%dma_wait3A_540, %dma_wait3A_541] : memref<10016x128xf32, #tpu.memory_space<vmem_shared>> -> memref<10016x128xf32, #tpu.memory_space<vmem_shared>>
      tpu.wait_indirect_dma semaphore(%arg14 : memref<!tpu.dma_semaphore, #tpu.memory_space<semaphore_mem>>) src(%dma_wait3A_536 : memref<120x128xf32, #tpu.memory_space<vmem>>) dst(%dma_wait3A_542 : memref<10016x128xf32, #tpu.memory_space<vmem_shared>>)
      %dma_wait3A_543 = arith.constant 2 : i32
      %dma_wait3A_544 = arith.constant 1 : i32
      %dma_wait3A_545 = arith.constant 2 : i32
      %dma_wait3A_546 = arith.constant 0 : i32
      %dma_wait3A_547 = arith.constant 0 : i32
      %dma_wait3A_548 = tpu.memref_slice %arg8[%dma_wait3A_543, %dma_wait3A_546, %dma_wait3A_547] : memref<3x120x128xf32, #tpu.memory_space<vmem>> -> memref<1x120x128xf32, #tpu.memory_space<vmem>>
      %dma_wait3A_549 = tpu.memref_squeeze %dma_wait3A_548 : memref<1x120x128xf32, #tpu.memory_space<vmem>> -> memref<120x128xf32, #tpu.memory_space<vmem>>
      %dma_wait3A_550 = arith.constant 0 : i32
      %dma_wait3A_551 = tpu.memref_slice %arg7[%dma_wait3A_544, %dma_wait3A_545, %dma_wait3A_550] : memref<4x3x120xi32, #tpu.memory_space<vmem>> -> memref<1x1x120xi32, #tpu.memory_space<vmem>>
      %dma_wait3A_552 = tpu.memref_squeeze %dma_wait3A_551 : memref<1x1x120xi32, #tpu.memory_space<vmem>> -> memref<120xi32, #tpu.memory_space<vmem>>
      %dma_wait3A_553 = arith.constant 0 : i32
      %dma_wait3A_554 = arith.constant 0 : i32
      %dma_wait3A_555 = tpu.memref_slice %arg9[%dma_wait3A_553, %dma_wait3A_554] : memref<10016x128xf32, #tpu.memory_space<vmem_shared>> -> memref<10016x128xf32, #tpu.memory_space<vmem_shared>>
      tpu.wait_indirect_dma semaphore(%arg15 : memref<!tpu.dma_semaphore, #tpu.memory_space<semaphore_mem>>) src(%dma_wait3A_549 : memref<120x128xf32, #tpu.memory_space<vmem>>) dst(%dma_wait3A_555 : memref<10016x128xf32, #tpu.memory_space<vmem_shared>>)
      %mul3A_556 = arith.constant 4 : i32
      %mul3A_557 = arith.muli %mul3A_556, %scan3A_157 : i32
      %add3A_558 = arith.constant 2 : i32
      %add3A_559 = arith.addi %mul3A_557, %add3A_558 : i32
      %mul3A_560 = arith.constant 3 : i32
      %mul3A_561 = arith.muli %add3A_559, %mul3A_560 : i32
      %dma_wait3A_562 = arith.constant 2 : i32
      %dma_wait3A_563 = arith.constant 0 : i32
      %dma_wait3A_564 = arith.constant 0 : i32
      %dma_wait3A_565 = tpu.memref_slice %arg6[%dma_wait3A_562, %dma_wait3A_563, %dma_wait3A_564] : memref<4x3x120xi32, #tpu.memory_space<vmem>> -> memref<1x3x120xi32, #tpu.memory_space<vmem>>
      %dma_wait3A_566 = tpu.memref_squeeze %dma_wait3A_565 : memref<1x3x120xi32, #tpu.memory_space<vmem>> -> memref<3x120xi32, #tpu.memory_space<vmem>>
      %dma_wait3A_567 = arith.constant 0 : i32
      %dma_wait3A_568 = tpu.memref_slice %arg3[%arg0, %arg1, %mul3A_561, %dma_wait3A_567] : memref<2x16x168x120xi32, #tpu.memory_space<hbm>> -> memref<1x1x3x120xi32, #tpu.memory_space<hbm>>
      %dma_wait3A_569 = tpu.memref_squeeze %dma_wait3A_568 : memref<1x1x3x120xi32, #tpu.memory_space<hbm>> -> memref<3x120xi32, #tpu.memory_space<hbm>>
      %dma_wait3A_570 = arith.constant 0 : i32
      %dma_wait3A_571 = arith.constant 0 : i32
      %dma_wait3A_572 = tpu.memref_slice %arg6[%dma_wait3A_562, %dma_wait3A_570, %dma_wait3A_571] : memref<4x3x120xi32, #tpu.memory_space<vmem>> -> memref<1x3x120xi32, #tpu.memory_space<vmem>>
      %dma_wait3A_573 = tpu.memref_squeeze %dma_wait3A_572 : memref<1x3x120xi32, #tpu.memory_space<vmem>> -> memref<3x120xi32, #tpu.memory_space<vmem>>
      %dma_wait3A_574 = arith.constant 0 : i32
      %dma_wait3A_575 = tpu.memref_slice %arg3[%arg0, %arg1, %mul3A_561, %dma_wait3A_574] : memref<2x16x168x120xi32, #tpu.memory_space<hbm>> -> memref<1x1x3x120xi32, #tpu.memory_space<hbm>>
      %dma_wait3A_576 = tpu.memref_squeeze %dma_wait3A_575 : memref<1x1x3x120xi32, #tpu.memory_space<hbm>> -> memref<3x120xi32, #tpu.memory_space<hbm>>
      tpu.wait_dma2 semaphore(%arg18 : memref<!tpu.dma_semaphore, #tpu.memory_space<semaphore_mem>>) src(%dma_wait3A_576 : memref<3x120xi32, #tpu.memory_space<hbm>>) dst(%dma_wait3A_573 : memref<3x120xi32, #tpu.memory_space<vmem>>)
      %mul3A_577 = arith.constant 3 : i32
      %mul3A_578 = arith.muli %add3A_559, %mul3A_577 : i32
      %dma_wait3A_579 = arith.constant 2 : i32
      %dma_wait3A_580 = arith.constant 0 : i32
      %dma_wait3A_581 = arith.constant 0 : i32
      %dma_wait3A_582 = tpu.memref_slice %arg7[%dma_wait3A_579, %dma_wait3A_580, %dma_wait3A_581] : memref<4x3x120xi32, #tpu.memory_space<vmem>> -> memref<1x3x120xi32, #tpu.memory_space<vmem>>
      %dma_wait3A_583 = tpu.memref_squeeze %dma_wait3A_582 : memref<1x3x120xi32, #tpu.memory_space<vmem>> -> memref<3x120xi32, #tpu.memory_space<vmem>>
      %dma_wait3A_584 = arith.constant 0 : i32
      %dma_wait3A_585 = tpu.memref_slice %arg4[%arg1, %mul3A_578, %dma_wait3A_584] : memref<16x168x120xi32, #tpu.memory_space<hbm>> -> memref<1x3x120xi32, #tpu.memory_space<hbm>>
      %dma_wait3A_586 = tpu.memref_squeeze %dma_wait3A_585 : memref<1x3x120xi32, #tpu.memory_space<hbm>> -> memref<3x120xi32, #tpu.memory_space<hbm>>
      %dma_wait3A_587 = arith.constant 0 : i32
      %dma_wait3A_588 = arith.constant 0 : i32
      %dma_wait3A_589 = tpu.memref_slice %arg7[%dma_wait3A_579, %dma_wait3A_587, %dma_wait3A_588] : memref<4x3x120xi32, #tpu.memory_space<vmem>> -> memref<1x3x120xi32, #tpu.memory_space<vmem>>
      %dma_wait3A_590 = tpu.memref_squeeze %dma_wait3A_589 : memref<1x3x120xi32, #tpu.memory_space<vmem>> -> memref<3x120xi32, #tpu.memory_space<vmem>>
      %dma_wait3A_591 = arith.constant 0 : i32
      %dma_wait3A_592 = tpu.memref_slice %arg4[%arg1, %mul3A_578, %dma_wait3A_591] : memref<16x168x120xi32, #tpu.memory_space<hbm>> -> memref<1x3x120xi32, #tpu.memory_space<hbm>>
      %dma_wait3A_593 = tpu.memref_squeeze %dma_wait3A_592 : memref<1x3x120xi32, #tpu.memory_space<hbm>> -> memref<3x120xi32, #tpu.memory_space<hbm>>
      tpu.wait_dma2 semaphore(%arg22 : memref<!tpu.dma_semaphore, #tpu.memory_space<semaphore_mem>>) src(%dma_wait3A_593 : memref<3x120xi32, #tpu.memory_space<hbm>>) dst(%dma_wait3A_590 : memref<3x120xi32, #tpu.memory_space<vmem>>)
      %dma_start3A_594 = arith.constant 2 : i32
      %dma_start3A_595 = arith.constant 0 : i32
      %dma_start3A_596 = arith.constant 0 : i32
      %dma_start3A_597 = arith.constant 0 : i32
      %dma_start3A_598 = arith.constant 0 : i32
      %dma_start3A_599 = tpu.memref_slice %arg8[%dma_start3A_596, %dma_start3A_597, %dma_start3A_598] : memref<3x120x128xf32, #tpu.memory_space<vmem>> -> memref<1x120x128xf32, #tpu.memory_space<vmem>>
      %dma_start3A_600 = tpu.memref_squeeze %dma_start3A_599 : memref<1x120x128xf32, #tpu.memory_space<vmem>> -> memref<120x128xf32, #tpu.memory_space<vmem>>
      %dma_start3A_601 = arith.constant 0 : i32
      %dma_start3A_602 = tpu.memref_slice %arg6[%dma_start3A_594, %dma_start3A_595, %dma_start3A_601] : memref<4x3x120xi32, #tpu.memory_space<vmem>> -> memref<1x1x120xi32, #tpu.memory_space<vmem>>
      %dma_start3A_603 = tpu.memref_squeeze %dma_start3A_602 : memref<1x1x120xi32, #tpu.memory_space<vmem>> -> memref<120xi32, #tpu.memory_space<vmem>>
      %dma_start3A_604 = arith.constant 0 : i32
      %dma_start3A_605 = arith.constant 0 : i32
      %dma_start3A_606 = tpu.memref_slice %arg2[%dma_start3A_604, %dma_start3A_605] : memref<20000x128xf32, #tpu.memory_space<hbm>> -> memref<20000x128xf32, #tpu.memory_space<hbm>>
      tpu.enqueue_indirect_dma source(%dma_start3A_606 : memref<20000x128xf32, #tpu.memory_space<hbm>>) target(%dma_start3A_600 : memref<120x128xf32, #tpu.memory_space<vmem>>) offsets(%dma_start3A_603 : memref<120xi32, #tpu.memory_space<vmem>>) semaphore(%arg10 : memref<!tpu.dma_semaphore, #tpu.memory_space<semaphore_mem>>)
      %dma_start3A_607 = arith.constant 2 : i32
      %dma_start3A_608 = arith.constant 1 : i32
      %dma_start3A_609 = arith.constant 1 : i32
      %dma_start3A_610 = arith.constant 0 : i32
      %dma_start3A_611 = arith.constant 0 : i32
      %dma_start3A_612 = tpu.memref_slice %arg8[%dma_start3A_609, %dma_start3A_610, %dma_start3A_611] : memref<3x120x128xf32, #tpu.memory_space<vmem>> -> memref<1x120x128xf32, #tpu.memory_space<vmem>>
      %dma_start3A_613 = tpu.memref_squeeze %dma_start3A_612 : memref<1x120x128xf32, #tpu.memory_space<vmem>> -> memref<120x128xf32, #tpu.memory_space<vmem>>
      %dma_start3A_614 = arith.constant 0 : i32
      %dma_start3A_615 = tpu.memref_slice %arg6[%dma_start3A_607, %dma_start3A_608, %dma_start3A_614] : memref<4x3x120xi32, #tpu.memory_space<vmem>> -> memref<1x1x120xi32, #tpu.memory_space<vmem>>
      %dma_start3A_616 = tpu.memref_squeeze %dma_start3A_615 : memref<1x1x120xi32, #tpu.memory_space<vmem>> -> memref<120xi32, #tpu.memory_space<vmem>>
      %dma_start3A_617 = arith.constant 0 : i32
      %dma_start3A_618 = arith.constant 0 : i32
      %dma_start3A_619 = tpu.memref_slice %arg2[%dma_start3A_617, %dma_start3A_618] : memref<20000x128xf32, #tpu.memory_space<hbm>> -> memref<20000x128xf32, #tpu.memory_space<hbm>>
      tpu.enqueue_indirect_dma source(%dma_start3A_619 : memref<20000x128xf32, #tpu.memory_space<hbm>>) target(%dma_start3A_613 : memref<120x128xf32, #tpu.memory_space<vmem>>) offsets(%dma_start3A_616 : memref<120xi32, #tpu.memory_space<vmem>>) semaphore(%arg11 : memref<!tpu.dma_semaphore, #tpu.memory_space<semaphore_mem>>)
      %dma_start3A_620 = arith.constant 2 : i32
      %dma_start3A_621 = arith.constant 2 : i32
      %dma_start3A_622 = arith.constant 2 : i32
      %dma_start3A_623 = arith.constant 0 : i32
      %dma_start3A_624 = arith.constant 0 : i32
      %dma_start3A_625 = tpu.memref_slice %arg8[%dma_start3A_622, %dma_start3A_623, %dma_start3A_624] : memref<3x120x128xf32, #tpu.memory_space<vmem>> -> memref<1x120x128xf32, #tpu.memory_space<vmem>>
      %dma_start3A_626 = tpu.memref_squeeze %dma_start3A_625 : memref<1x120x128xf32, #tpu.memory_space<vmem>> -> memref<120x128xf32, #tpu.memory_space<vmem>>
      %dma_start3A_627 = arith.constant 0 : i32
      %dma_start3A_628 = tpu.memref_slice %arg6[%dma_start3A_620, %dma_start3A_621, %dma_start3A_627] : memref<4x3x120xi32, #tpu.memory_space<vmem>> -> memref<1x1x120xi32, #tpu.memory_space<vmem>>
      %dma_start3A_629 = tpu.memref_squeeze %dma_start3A_628 : memref<1x1x120xi32, #tpu.memory_space<vmem>> -> memref<120xi32, #tpu.memory_space<vmem>>
      %dma_start3A_630 = arith.constant 0 : i32
      %dma_start3A_631 = arith.constant 0 : i32
      %dma_start3A_632 = tpu.memref_slice %arg2[%dma_start3A_630, %dma_start3A_631] : memref<20000x128xf32, #tpu.memory_space<hbm>> -> memref<20000x128xf32, #tpu.memory_space<hbm>>
      tpu.enqueue_indirect_dma source(%dma_start3A_632 : memref<20000x128xf32, #tpu.memory_space<hbm>>) target(%dma_start3A_626 : memref<120x128xf32, #tpu.memory_space<vmem>>) offsets(%dma_start3A_629 : memref<120xi32, #tpu.memory_space<vmem>>) semaphore(%arg12 : memref<!tpu.dma_semaphore, #tpu.memory_space<semaphore_mem>>)
      %add3A_633 = arith.constant 3 : i32
      %add3A_634 = arith.addi %add3A_559, %add3A_633 : i32
      %lt3A_635 = arith.constant 56 : i32
      %lt3A_636 = arith.cmpi slt, %add3A_634, %lt3A_635 : i32
      %convert_element_type3A_637 = arith.extui %lt3A_636 : i1 to i32
      %cond3A_638 = arith.constant 0 : i32
      %cond3A_639 = arith.cmpi ne, %convert_element_type3A_637, %cond3A_638 : i32
      scf.if %cond3A_639 {
        %add3A_958 = arith.constant 3 : i32
        %add3A_959 = arith.addi %add3A_559, %add3A_958 : i32
        %mul3A_960 = arith.constant 3 : i32
        %mul3A_961 = arith.muli %add3A_959, %mul3A_960 : i32
        %dma_start3A_962 = arith.constant 1 : i32
        %dma_start3A_963 = arith.constant 0 : i32
        %dma_start3A_964 = arith.constant 0 : i32
        %dma_start3A_965 = tpu.memref_slice %arg6[%dma_start3A_962, %dma_start3A_963, %dma_start3A_964] : memref<4x3x120xi32, #tpu.memory_space<vmem>> -> memref<1x3x120xi32, #tpu.memory_space<vmem>>
        %dma_start3A_966 = tpu.memref_squeeze %dma_start3A_965 : memref<1x3x120xi32, #tpu.memory_space<vmem>> -> memref<3x120xi32, #tpu.memory_space<vmem>>
        %dma_start3A_967 = arith.constant 0 : i32
        %dma_start3A_968 = tpu.memref_slice %arg3[%arg0, %arg1, %mul3A_961, %dma_start3A_967] : memref<2x16x168x120xi32, #tpu.memory_space<hbm>> -> memref<1x1x3x120xi32, #tpu.memory_space<hbm>>
        %dma_start3A_969 = tpu.memref_squeeze %dma_start3A_968 : memref<1x1x3x120xi32, #tpu.memory_space<hbm>> -> memref<3x120xi32, #tpu.memory_space<hbm>>
        %dma_start3A_970 = arith.constant 0 : i32
        %dma_start3A_971 = arith.constant 0 : i32
        %dma_start3A_972 = tpu.memref_slice %arg6[%dma_start3A_962, %dma_start3A_970, %dma_start3A_971] : memref<4x3x120xi32, #tpu.memory_space<vmem>> -> memref<1x3x120xi32, #tpu.memory_space<vmem>>
        %dma_start3A_973 = tpu.memref_squeeze %dma_start3A_972 : memref<1x3x120xi32, #tpu.memory_space<vmem>> -> memref<3x120xi32, #tpu.memory_space<vmem>>
        %dma_start3A_974 = arith.constant 0 : i32
        %dma_start3A_975 = tpu.memref_slice %arg3[%arg0, %arg1, %mul3A_961, %dma_start3A_974] : memref<2x16x168x120xi32, #tpu.memory_space<hbm>> -> memref<1x1x3x120xi32, #tpu.memory_space<hbm>>
        %dma_start3A_976 = tpu.memref_squeeze %dma_start3A_975 : memref<1x1x3x120xi32, #tpu.memory_space<hbm>> -> memref<3x120xi32, #tpu.memory_space<hbm>>
        tpu.enqueue_dma source(%dma_start3A_976 : memref<3x120xi32, #tpu.memory_space<hbm>>) target(%dma_start3A_973 : memref<3x120xi32, #tpu.memory_space<vmem>>) target_semaphore(%arg17 : memref<!tpu.dma_semaphore, #tpu.memory_space<semaphore_mem>>)
        %mul3A_977 = arith.constant 3 : i32
        %mul3A_978 = arith.muli %add3A_959, %mul3A_977 : i32
        %dma_start3A_979 = arith.constant 1 : i32
        %dma_start3A_980 = arith.constant 0 : i32
        %dma_start3A_981 = arith.constant 0 : i32
        %dma_start3A_982 = tpu.memref_slice %arg7[%dma_start3A_979, %dma_start3A_980, %dma_start3A_981] : memref<4x3x120xi32, #tpu.memory_space<vmem>> -> memref<1x3x120xi32, #tpu.memory_space<vmem>>
        %dma_start3A_983 = tpu.memref_squeeze %dma_start3A_982 : memref<1x3x120xi32, #tpu.memory_space<vmem>> -> memref<3x120xi32, #tpu.memory_space<vmem>>
        %dma_start3A_984 = arith.constant 0 : i32
        %dma_start3A_985 = tpu.memref_slice %arg4[%arg1, %mul3A_978, %dma_start3A_984] : memref<16x168x120xi32, #tpu.memory_space<hbm>> -> memref<1x3x120xi32, #tpu.memory_space<hbm>>
        %dma_start3A_986 = tpu.memref_squeeze %dma_start3A_985 : memref<1x3x120xi32, #tpu.memory_space<hbm>> -> memref<3x120xi32, #tpu.memory_space<hbm>>
        %dma_start3A_987 = arith.constant 0 : i32
        %dma_start3A_988 = arith.constant 0 : i32
        %dma_start3A_989 = tpu.memref_slice %arg7[%dma_start3A_979, %dma_start3A_987, %dma_start3A_988] : memref<4x3x120xi32, #tpu.memory_space<vmem>> -> memref<1x3x120xi32, #tpu.memory_space<vmem>>
        %dma_start3A_990 = tpu.memref_squeeze %dma_start3A_989 : memref<1x3x120xi32, #tpu.memory_space<vmem>> -> memref<3x120xi32, #tpu.memory_space<vmem>>
        %dma_start3A_991 = arith.constant 0 : i32
        %dma_start3A_992 = tpu.memref_slice %arg4[%arg1, %mul3A_978, %dma_start3A_991] : memref<16x168x120xi32, #tpu.memory_space<hbm>> -> memref<1x3x120xi32, #tpu.memory_space<hbm>>
        %dma_start3A_993 = tpu.memref_squeeze %dma_start3A_992 : memref<1x3x120xi32, #tpu.memory_space<hbm>> -> memref<3x120xi32, #tpu.memory_space<hbm>>
        tpu.enqueue_dma source(%dma_start3A_993 : memref<3x120xi32, #tpu.memory_space<hbm>>) target(%dma_start3A_990 : memref<3x120xi32, #tpu.memory_space<vmem>>) target_semaphore(%arg21 : memref<!tpu.dma_semaphore, #tpu.memory_space<semaphore_mem>>)
      } else {
      }
      %dma_wait3A_640 = arith.constant 2 : i32
      %dma_wait3A_641 = arith.constant 0 : i32
      %dma_wait3A_642 = arith.constant 0 : i32
      %dma_wait3A_643 = arith.constant 0 : i32
      %dma_wait3A_644 = arith.constant 0 : i32
      %dma_wait3A_645 = tpu.memref_slice %arg8[%dma_wait3A_642, %dma_wait3A_643, %dma_wait3A_644] : memref<3x120x128xf32, #tpu.memory_space<vmem>> -> memref<1x120x128xf32, #tpu.memory_space<vmem>>
      %dma_wait3A_646 = tpu.memref_squeeze %dma_wait3A_645 : memref<1x120x128xf32, #tpu.memory_space<vmem>> -> memref<120x128xf32, #tpu.memory_space<vmem>>
      %dma_wait3A_647 = arith.constant 0 : i32
      %dma_wait3A_648 = tpu.memref_slice %arg6[%dma_wait3A_640, %dma_wait3A_641, %dma_wait3A_647] : memref<4x3x120xi32, #tpu.memory_space<vmem>> -> memref<1x1x120xi32, #tpu.memory_space<vmem>>
      %dma_wait3A_649 = tpu.memref_squeeze %dma_wait3A_648 : memref<1x1x120xi32, #tpu.memory_space<vmem>> -> memref<120xi32, #tpu.memory_space<vmem>>
      %dma_wait3A_650 = arith.constant 0 : i32
      %dma_wait3A_651 = arith.constant 0 : i32
      %dma_wait3A_652 = tpu.memref_slice %arg2[%dma_wait3A_650, %dma_wait3A_651] : memref<20000x128xf32, #tpu.memory_space<hbm>> -> memref<20000x128xf32, #tpu.memory_space<hbm>>
      tpu.wait_indirect_dma semaphore(%arg10 : memref<!tpu.dma_semaphore, #tpu.memory_space<semaphore_mem>>) src(%dma_wait3A_652 : memref<20000x128xf32, #tpu.memory_space<hbm>>) dst(%dma_wait3A_646 : memref<120x128xf32, #tpu.memory_space<vmem>>)
      %dma_start3A_653 = arith.constant 0 : i32
      %dma_start3A_654 = arith.constant 2 : i32
      %dma_start3A_655 = arith.constant 0 : i32
      %dma_start3A_656 = arith.constant 0 : i32
      %dma_start3A_657 = arith.constant 0 : i32
      %dma_start3A_658 = tpu.memref_slice %arg8[%dma_start3A_653, %dma_start3A_656, %dma_start3A_657] : memref<3x120x128xf32, #tpu.memory_space<vmem>> -> memref<1x120x128xf32, #tpu.memory_space<vmem>>
      %dma_start3A_659 = tpu.memref_squeeze %dma_start3A_658 : memref<1x120x128xf32, #tpu.memory_space<vmem>> -> memref<120x128xf32, #tpu.memory_space<vmem>>
      %dma_start3A_660 = arith.constant 0 : i32
      %dma_start3A_661 = tpu.memref_slice %arg7[%dma_start3A_654, %dma_start3A_655, %dma_start3A_660] : memref<4x3x120xi32, #tpu.memory_space<vmem>> -> memref<1x1x120xi32, #tpu.memory_space<vmem>>
      %dma_start3A_662 = tpu.memref_squeeze %dma_start3A_661 : memref<1x1x120xi32, #tpu.memory_space<vmem>> -> memref<120xi32, #tpu.memory_space<vmem>>
      %dma_start3A_663 = arith.constant 0 : i32
      %dma_start3A_664 = arith.constant 0 : i32
      %dma_start3A_665 = tpu.memref_slice %arg9[%dma_start3A_663, %dma_start3A_664] : memref<10016x128xf32, #tpu.memory_space<vmem_shared>> -> memref<10016x128xf32, #tpu.memory_space<vmem_shared>>
      tpu.enqueue_indirect_dma source(%dma_start3A_659 : memref<120x128xf32, #tpu.memory_space<vmem>>) target(%dma_start3A_665 : memref<10016x128xf32, #tpu.memory_space<vmem_shared>>) offsets(%dma_start3A_662 : memref<120xi32, #tpu.memory_space<vmem>>) semaphore(%arg13 : memref<!tpu.dma_semaphore, #tpu.memory_space<semaphore_mem>>) {add = true}
      %dma_wait3A_666 = arith.constant 2 : i32
      %dma_wait3A_667 = arith.constant 1 : i32
      %dma_wait3A_668 = arith.constant 1 : i32
      %dma_wait3A_669 = arith.constant 0 : i32
      %dma_wait3A_670 = arith.constant 0 : i32
      %dma_wait3A_671 = tpu.memref_slice %arg8[%dma_wait3A_668, %dma_wait3A_669, %dma_wait3A_670] : memref<3x120x128xf32, #tpu.memory_space<vmem>> -> memref<1x120x128xf32, #tpu.memory_space<vmem>>
      %dma_wait3A_672 = tpu.memref_squeeze %dma_wait3A_671 : memref<1x120x128xf32, #tpu.memory_space<vmem>> -> memref<120x128xf32, #tpu.memory_space<vmem>>
      %dma_wait3A_673 = arith.constant 0 : i32
      %dma_wait3A_674 = tpu.memref_slice %arg6[%dma_wait3A_666, %dma_wait3A_667, %dma_wait3A_673] : memref<4x3x120xi32, #tpu.memory_space<vmem>> -> memref<1x1x120xi32, #tpu.memory_space<vmem>>
      %dma_wait3A_675 = tpu.memref_squeeze %dma_wait3A_674 : memref<1x1x120xi32, #tpu.memory_space<vmem>> -> memref<120xi32, #tpu.memory_space<vmem>>
      %dma_wait3A_676 = arith.constant 0 : i32
      %dma_wait3A_677 = arith.constant 0 : i32
      %dma_wait3A_678 = tpu.memref_slice %arg2[%dma_wait3A_676, %dma_wait3A_677] : memref<20000x128xf32, #tpu.memory_space<hbm>> -> memref<20000x128xf32, #tpu.memory_space<hbm>>
      tpu.wait_indirect_dma semaphore(%arg11 : memref<!tpu.dma_semaphore, #tpu.memory_space<semaphore_mem>>) src(%dma_wait3A_678 : memref<20000x128xf32, #tpu.memory_space<hbm>>) dst(%dma_wait3A_672 : memref<120x128xf32, #tpu.memory_space<vmem>>)
      %dma_start3A_679 = arith.constant 1 : i32
      %dma_start3A_680 = arith.constant 2 : i32
      %dma_start3A_681 = arith.constant 1 : i32
      %dma_start3A_682 = arith.constant 0 : i32
      %dma_start3A_683 = arith.constant 0 : i32
      %dma_start3A_684 = tpu.memref_slice %arg8[%dma_start3A_679, %dma_start3A_682, %dma_start3A_683] : memref<3x120x128xf32, #tpu.memory_space<vmem>> -> memref<1x120x128xf32, #tpu.memory_space<vmem>>
      %dma_start3A_685 = tpu.memref_squeeze %dma_start3A_684 : memref<1x120x128xf32, #tpu.memory_space<vmem>> -> memref<120x128xf32, #tpu.memory_space<vmem>>
      %dma_start3A_686 = arith.constant 0 : i32
      %dma_start3A_687 = tpu.memref_slice %arg7[%dma_start3A_680, %dma_start3A_681, %dma_start3A_686] : memref<4x3x120xi32, #tpu.memory_space<vmem>> -> memref<1x1x120xi32, #tpu.memory_space<vmem>>
      %dma_start3A_688 = tpu.memref_squeeze %dma_start3A_687 : memref<1x1x120xi32, #tpu.memory_space<vmem>> -> memref<120xi32, #tpu.memory_space<vmem>>
      %dma_start3A_689 = arith.constant 0 : i32
      %dma_start3A_690 = arith.constant 0 : i32
      %dma_start3A_691 = tpu.memref_slice %arg9[%dma_start3A_689, %dma_start3A_690] : memref<10016x128xf32, #tpu.memory_space<vmem_shared>> -> memref<10016x128xf32, #tpu.memory_space<vmem_shared>>
      tpu.enqueue_indirect_dma source(%dma_start3A_685 : memref<120x128xf32, #tpu.memory_space<vmem>>) target(%dma_start3A_691 : memref<10016x128xf32, #tpu.memory_space<vmem_shared>>) offsets(%dma_start3A_688 : memref<120xi32, #tpu.memory_space<vmem>>) semaphore(%arg14 : memref<!tpu.dma_semaphore, #tpu.memory_space<semaphore_mem>>) {add = true}
      %dma_wait3A_692 = arith.constant 2 : i32
      %dma_wait3A_693 = arith.constant 2 : i32
      %dma_wait3A_694 = arith.constant 2 : i32
      %dma_wait3A_695 = arith.constant 0 : i32
      %dma_wait3A_696 = arith.constant 0 : i32
      %dma_wait3A_697 = tpu.memref_slice %arg8[%dma_wait3A_694, %dma_wait3A_695, %dma_wait3A_696] : memref<3x120x128xf32, #tpu.memory_space<vmem>> -> memref<1x120x128xf32, #tpu.memory_space<vmem>>
      %dma_wait3A_698 = tpu.memref_squeeze %dma_wait3A_697 : memref<1x120x128xf32, #tpu.memory_space<vmem>> -> memref<120x128xf32, #tpu.memory_space<vmem>>
      %dma_wait3A_699 = arith.constant 0 : i32
      %dma_wait3A_700 = tpu.memref_slice %arg6[%dma_wait3A_692, %dma_wait3A_693, %dma_wait3A_699] : memref<4x3x120xi32, #tpu.memory_space<vmem>> -> memref<1x1x120xi32, #tpu.memory_space<vmem>>
      %dma_wait3A_701 = tpu.memref_squeeze %dma_wait3A_700 : memref<1x1x120xi32, #tpu.memory_space<vmem>> -> memref<120xi32, #tpu.memory_space<vmem>>
      %dma_wait3A_702 = arith.constant 0 : i32
      %dma_wait3A_703 = arith.constant 0 : i32
      %dma_wait3A_704 = tpu.memref_slice %arg2[%dma_wait3A_702, %dma_wait3A_703] : memref<20000x128xf32, #tpu.memory_space<hbm>> -> memref<20000x128xf32, #tpu.memory_space<hbm>>
      tpu.wait_indirect_dma semaphore(%arg12 : memref<!tpu.dma_semaphore, #tpu.memory_space<semaphore_mem>>) src(%dma_wait3A_704 : memref<20000x128xf32, #tpu.memory_space<hbm>>) dst(%dma_wait3A_698 : memref<120x128xf32, #tpu.memory_space<vmem>>)
      %dma_start3A_705 = arith.constant 2 : i32
      %dma_start3A_706 = arith.constant 2 : i32
      %dma_start3A_707 = arith.constant 2 : i32
      %dma_start3A_708 = arith.constant 0 : i32
      %dma_start3A_709 = arith.constant 0 : i32
      %dma_start3A_710 = tpu.memref_slice %arg8[%dma_start3A_705, %dma_start3A_708, %dma_start3A_709] : memref<3x120x128xf32, #tpu.memory_space<vmem>> -> memref<1x120x128xf32, #tpu.memory_space<vmem>>
      %dma_start3A_711 = tpu.memref_squeeze %dma_start3A_710 : memref<1x120x128xf32, #tpu.memory_space<vmem>> -> memref<120x128xf32, #tpu.memory_space<vmem>>
      %dma_start3A_712 = arith.constant 0 : i32
      %dma_start3A_713 = tpu.memref_slice %arg7[%dma_start3A_706, %dma_start3A_707, %dma_start3A_712] : memref<4x3x120xi32, #tpu.memory_space<vmem>> -> memref<1x1x120xi32, #tpu.memory_space<vmem>>
      %dma_start3A_714 = tpu.memref_squeeze %dma_start3A_713 : memref<1x1x120xi32, #tpu.memory_space<vmem>> -> memref<120xi32, #tpu.memory_space<vmem>>
      %dma_start3A_715 = arith.constant 0 : i32
      %dma_start3A_716 = arith.constant 0 : i32
      %dma_start3A_717 = tpu.memref_slice %arg9[%dma_start3A_715, %dma_start3A_716] : memref<10016x128xf32, #tpu.memory_space<vmem_shared>> -> memref<10016x128xf32, #tpu.memory_space<vmem_shared>>
      tpu.enqueue_indirect_dma source(%dma_start3A_711 : memref<120x128xf32, #tpu.memory_space<vmem>>) target(%dma_start3A_717 : memref<10016x128xf32, #tpu.memory_space<vmem_shared>>) offsets(%dma_start3A_714 : memref<120xi32, #tpu.memory_space<vmem>>) semaphore(%arg15 : memref<!tpu.dma_semaphore, #tpu.memory_space<semaphore_mem>>) {add = true}
      %dma_wait3A_718 = arith.constant 0 : i32
      %dma_wait3A_719 = arith.constant 2 : i32
      %dma_wait3A_720 = arith.constant 0 : i32
      %dma_wait3A_721 = arith.constant 0 : i32
      %dma_wait3A_722 = arith.constant 0 : i32
      %dma_wait3A_723 = tpu.memref_slice %arg8[%dma_wait3A_718, %dma_wait3A_721, %dma_wait3A_722] : memref<3x120x128xf32, #tpu.memory_space<vmem>> -> memref<1x120x128xf32, #tpu.memory_space<vmem>>
      %dma_wait3A_724 = tpu.memref_squeeze %dma_wait3A_723 : memref<1x120x128xf32, #tpu.memory_space<vmem>> -> memref<120x128xf32, #tpu.memory_space<vmem>>
      %dma_wait3A_725 = arith.constant 0 : i32
      %dma_wait3A_726 = tpu.memref_slice %arg7[%dma_wait3A_719, %dma_wait3A_720, %dma_wait3A_725] : memref<4x3x120xi32, #tpu.memory_space<vmem>> -> memref<1x1x120xi32, #tpu.memory_space<vmem>>
      %dma_wait3A_727 = tpu.memref_squeeze %dma_wait3A_726 : memref<1x1x120xi32, #tpu.memory_space<vmem>> -> memref<120xi32, #tpu.memory_space<vmem>>
      %dma_wait3A_728 = arith.constant 0 : i32
      %dma_wait3A_729 = arith.constant 0 : i32
      %dma_wait3A_730 = tpu.memref_slice %arg9[%dma_wait3A_728, %dma_wait3A_729] : memref<10016x128xf32, #tpu.memory_space<vmem_shared>> -> memref<10016x128xf32, #tpu.memory_space<vmem_shared>>
      tpu.wait_indirect_dma semaphore(%arg13 : memref<!tpu.dma_semaphore, #tpu.memory_space<semaphore_mem>>) src(%dma_wait3A_724 : memref<120x128xf32, #tpu.memory_space<vmem>>) dst(%dma_wait3A_730 : memref<10016x128xf32, #tpu.memory_space<vmem_shared>>)
      %dma_wait3A_731 = arith.constant 1 : i32
      %dma_wait3A_732 = arith.constant 2 : i32
      %dma_wait3A_733 = arith.constant 1 : i32
      %dma_wait3A_734 = arith.constant 0 : i32
      %dma_wait3A_735 = arith.constant 0 : i32
      %dma_wait3A_736 = tpu.memref_slice %arg8[%dma_wait3A_731, %dma_wait3A_734, %dma_wait3A_735] : memref<3x120x128xf32, #tpu.memory_space<vmem>> -> memref<1x120x128xf32, #tpu.memory_space<vmem>>
      %dma_wait3A_737 = tpu.memref_squeeze %dma_wait3A_736 : memref<1x120x128xf32, #tpu.memory_space<vmem>> -> memref<120x128xf32, #tpu.memory_space<vmem>>
      %dma_wait3A_738 = arith.constant 0 : i32
      %dma_wait3A_739 = tpu.memref_slice %arg7[%dma_wait3A_732, %dma_wait3A_733, %dma_wait3A_738] : memref<4x3x120xi32, #tpu.memory_space<vmem>> -> memref<1x1x120xi32, #tpu.memory_space<vmem>>
      %dma_wait3A_740 = tpu.memref_squeeze %dma_wait3A_739 : memref<1x1x120xi32, #tpu.memory_space<vmem>> -> memref<120xi32, #tpu.memory_space<vmem>>
      %dma_wait3A_741 = arith.constant 0 : i32
      %dma_wait3A_742 = arith.constant 0 : i32
      %dma_wait3A_743 = tpu.memref_slice %arg9[%dma_wait3A_741, %dma_wait3A_742] : memref<10016x128xf32, #tpu.memory_space<vmem_shared>> -> memref<10016x128xf32, #tpu.memory_space<vmem_shared>>
      tpu.wait_indirect_dma semaphore(%arg14 : memref<!tpu.dma_semaphore, #tpu.memory_space<semaphore_mem>>) src(%dma_wait3A_737 : memref<120x128xf32, #tpu.memory_space<vmem>>) dst(%dma_wait3A_743 : memref<10016x128xf32, #tpu.memory_space<vmem_shared>>)
      %dma_wait3A_744 = arith.constant 2 : i32
      %dma_wait3A_745 = arith.constant 2 : i32
      %dma_wait3A_746 = arith.constant 2 : i32
      %dma_wait3A_747 = arith.constant 0 : i32
      %dma_wait3A_748 = arith.constant 0 : i32
      %dma_wait3A_749 = tpu.memref_slice %arg8[%dma_wait3A_744, %dma_wait3A_747, %dma_wait3A_748] : memref<3x120x128xf32, #tpu.memory_space<vmem>> -> memref<1x120x128xf32, #tpu.memory_space<vmem>>
      %dma_wait3A_750 = tpu.memref_squeeze %dma_wait3A_749 : memref<1x120x128xf32, #tpu.memory_space<vmem>> -> memref<120x128xf32, #tpu.memory_space<vmem>>
      %dma_wait3A_751 = arith.constant 0 : i32
      %dma_wait3A_752 = tpu.memref_slice %arg7[%dma_wait3A_745, %dma_wait3A_746, %dma_wait3A_751] : memref<4x3x120xi32, #tpu.memory_space<vmem>> -> memref<1x1x120xi32, #tpu.memory_space<vmem>>
      %dma_wait3A_753 = tpu.memref_squeeze %dma_wait3A_752 : memref<1x1x120xi32, #tpu.memory_space<vmem>> -> memref<120xi32, #tpu.memory_space<vmem>>
      %dma_wait3A_754 = arith.constant 0 : i32
      %dma_wait3A_755 = arith.constant 0 : i32
      %dma_wait3A_756 = tpu.memref_slice %arg9[%dma_wait3A_754, %dma_wait3A_755] : memref<10016x128xf32, #tpu.memory_space<vmem_shared>> -> memref<10016x128xf32, #tpu.memory_space<vmem_shared>>
      tpu.wait_indirect_dma semaphore(%arg15 : memref<!tpu.dma_semaphore, #tpu.memory_space<semaphore_mem>>) src(%dma_wait3A_750 : memref<120x128xf32, #tpu.memory_space<vmem>>) dst(%dma_wait3A_756 : memref<10016x128xf32, #tpu.memory_space<vmem_shared>>)
      %mul3A_757 = arith.constant 4 : i32
      %mul3A_758 = arith.muli %mul3A_757, %scan3A_157 : i32
      %add3A_759 = arith.constant 3 : i32
      %add3A_760 = arith.addi %mul3A_758, %add3A_759 : i32
      %mul3A_761 = arith.constant 3 : i32
      %mul3A_762 = arith.muli %add3A_760, %mul3A_761 : i32
      %dma_wait3A_763 = arith.constant 3 : i32
      %dma_wait3A_764 = arith.constant 0 : i32
      %dma_wait3A_765 = arith.constant 0 : i32
      %dma_wait3A_766 = tpu.memref_slice %arg6[%dma_wait3A_763, %dma_wait3A_764, %dma_wait3A_765] : memref<4x3x120xi32, #tpu.memory_space<vmem>> -> memref<1x3x120xi32, #tpu.memory_space<vmem>>
      %dma_wait3A_767 = tpu.memref_squeeze %dma_wait3A_766 : memref<1x3x120xi32, #tpu.memory_space<vmem>> -> memref<3x120xi32, #tpu.memory_space<vmem>>
      %dma_wait3A_768 = arith.constant 0 : i32
      %dma_wait3A_769 = tpu.memref_slice %arg3[%arg0, %arg1, %mul3A_762, %dma_wait3A_768] : memref<2x16x168x120xi32, #tpu.memory_space<hbm>> -> memref<1x1x3x120xi32, #tpu.memory_space<hbm>>
      %dma_wait3A_770 = tpu.memref_squeeze %dma_wait3A_769 : memref<1x1x3x120xi32, #tpu.memory_space<hbm>> -> memref<3x120xi32, #tpu.memory_space<hbm>>
      %dma_wait3A_771 = arith.constant 0 : i32
      %dma_wait3A_772 = arith.constant 0 : i32
      %dma_wait3A_773 = tpu.memref_slice %arg6[%dma_wait3A_763, %dma_wait3A_771, %dma_wait3A_772] : memref<4x3x120xi32, #tpu.memory_space<vmem>> -> memref<1x3x120xi32, #tpu.memory_space<vmem>>
      %dma_wait3A_774 = tpu.memref_squeeze %dma_wait3A_773 : memref<1x3x120xi32, #tpu.memory_space<vmem>> -> memref<3x120xi32, #tpu.memory_space<vmem>>
      %dma_wait3A_775 = arith.constant 0 : i32
      %dma_wait3A_776 = tpu.memref_slice %arg3[%arg0, %arg1, %mul3A_762, %dma_wait3A_775] : memref<2x16x168x120xi32, #tpu.memory_space<hbm>> -> memref<1x1x3x120xi32, #tpu.memory_space<hbm>>
      %dma_wait3A_777 = tpu.memref_squeeze %dma_wait3A_776 : memref<1x1x3x120xi32, #tpu.memory_space<hbm>> -> memref<3x120xi32, #tpu.memory_space<hbm>>
      tpu.wait_dma2 semaphore(%arg19 : memref<!tpu.dma_semaphore, #tpu.memory_space<semaphore_mem>>) src(%dma_wait3A_777 : memref<3x120xi32, #tpu.memory_space<hbm>>) dst(%dma_wait3A_774 : memref<3x120xi32, #tpu.memory_space<vmem>>)
      %mul3A_778 = arith.constant 3 : i32
      %mul3A_779 = arith.muli %add3A_760, %mul3A_778 : i32
      %dma_wait3A_780 = arith.constant 3 : i32
      %dma_wait3A_781 = arith.constant 0 : i32
      %dma_wait3A_782 = arith.constant 0 : i32
      %dma_wait3A_783 = tpu.memref_slice %arg7[%dma_wait3A_780, %dma_wait3A_781, %dma_wait3A_782] : memref<4x3x120xi32, #tpu.memory_space<vmem>> -> memref<1x3x120xi32, #tpu.memory_space<vmem>>
      %dma_wait3A_784 = tpu.memref_squeeze %dma_wait3A_783 : memref<1x3x120xi32, #tpu.memory_space<vmem>> -> memref<3x120xi32, #tpu.memory_space<vmem>>
      %dma_wait3A_785 = arith.constant 0 : i32
      %dma_wait3A_786 = tpu.memref_slice %arg4[%arg1, %mul3A_779, %dma_wait3A_785] : memref<16x168x120xi32, #tpu.memory_space<hbm>> -> memref<1x3x120xi32, #tpu.memory_space<hbm>>
      %dma_wait3A_787 = tpu.memref_squeeze %dma_wait3A_786 : memref<1x3x120xi32, #tpu.memory_space<hbm>> -> memref<3x120xi32, #tpu.memory_space<hbm>>
      %dma_wait3A_788 = arith.constant 0 : i32
      %dma_wait3A_789 = arith.constant 0 : i32
      %dma_wait3A_790 = tpu.memref_slice %arg7[%dma_wait3A_780, %dma_wait3A_788, %dma_wait3A_789] : memref<4x3x120xi32, #tpu.memory_space<vmem>> -> memref<1x3x120xi32, #tpu.memory_space<vmem>>
      %dma_wait3A_791 = tpu.memref_squeeze %dma_wait3A_790 : memref<1x3x120xi32, #tpu.memory_space<vmem>> -> memref<3x120xi32, #tpu.memory_space<vmem>>
      %dma_wait3A_792 = arith.constant 0 : i32
      %dma_wait3A_793 = tpu.memref_slice %arg4[%arg1, %mul3A_779, %dma_wait3A_792] : memref<16x168x120xi32, #tpu.memory_space<hbm>> -> memref<1x3x120xi32, #tpu.memory_space<hbm>>
      %dma_wait3A_794 = tpu.memref_squeeze %dma_wait3A_793 : memref<1x3x120xi32, #tpu.memory_space<hbm>> -> memref<3x120xi32, #tpu.memory_space<hbm>>
      tpu.wait_dma2 semaphore(%arg23 : memref<!tpu.dma_semaphore, #tpu.memory_space<semaphore_mem>>) src(%dma_wait3A_794 : memref<3x120xi32, #tpu.memory_space<hbm>>) dst(%dma_wait3A_791 : memref<3x120xi32, #tpu.memory_space<vmem>>)
      %dma_start3A_795 = arith.constant 3 : i32
      %dma_start3A_796 = arith.constant 0 : i32
      %dma_start3A_797 = arith.constant 0 : i32
      %dma_start3A_798 = arith.constant 0 : i32
      %dma_start3A_799 = arith.constant 0 : i32
      %dma_start3A_800 = tpu.memref_slice %arg8[%dma_start3A_797, %dma_start3A_798, %dma_start3A_799] : memref<3x120x128xf32, #tpu.memory_space<vmem>> -> memref<1x120x128xf32, #tpu.memory_space<vmem>>
      %dma_start3A_801 = tpu.memref_squeeze %dma_start3A_800 : memref<1x120x128xf32, #tpu.memory_space<vmem>> -> memref<120x128xf32, #tpu.memory_space<vmem>>
      %dma_start3A_802 = arith.constant 0 : i32
      %dma_start3A_803 = tpu.memref_slice %arg6[%dma_start3A_795, %dma_start3A_796, %dma_start3A_802] : memref<4x3x120xi32, #tpu.memory_space<vmem>> -> memref<1x1x120xi32, #tpu.memory_space<vmem>>
      %dma_start3A_804 = tpu.memref_squeeze %dma_start3A_803 : memref<1x1x120xi32, #tpu.memory_space<vmem>> -> memref<120xi32, #tpu.memory_space<vmem>>
      %dma_start3A_805 = arith.constant 0 : i32
      %dma_start3A_806 = arith.constant 0 : i32
      %dma_start3A_807 = tpu.memref_slice %arg2[%dma_start3A_805, %dma_start3A_806] : memref<20000x128xf32, #tpu.memory_space<hbm>> -> memref<20000x128xf32, #tpu.memory_space<hbm>>
      tpu.enqueue_indirect_dma source(%dma_start3A_807 : memref<20000x128xf32, #tpu.memory_space<hbm>>) target(%dma_start3A_801 : memref<120x128xf32, #tpu.memory_space<vmem>>) offsets(%dma_start3A_804 : memref<120xi32, #tpu.memory_space<vmem>>) semaphore(%arg10 : memref<!tpu.dma_semaphore, #tpu.memory_space<semaphore_mem>>)
      %dma_start3A_808 = arith.constant 3 : i32
      %dma_start3A_809 = arith.constant 1 : i32
      %dma_start3A_810 = arith.constant 1 : i32
      %dma_start3A_811 = arith.constant 0 : i32
      %dma_start3A_812 = arith.constant 0 : i32
      %dma_start3A_813 = tpu.memref_slice %arg8[%dma_start3A_810, %dma_start3A_811, %dma_start3A_812] : memref<3x120x128xf32, #tpu.memory_space<vmem>> -> memref<1x120x128xf32, #tpu.memory_space<vmem>>
      %dma_start3A_814 = tpu.memref_squeeze %dma_start3A_813 : memref<1x120x128xf32, #tpu.memory_space<vmem>> -> memref<120x128xf32, #tpu.memory_space<vmem>>
      %dma_start3A_815 = arith.constant 0 : i32
      %dma_start3A_816 = tpu.memref_slice %arg6[%dma_start3A_808, %dma_start3A_809, %dma_start3A_815] : memref<4x3x120xi32, #tpu.memory_space<vmem>> -> memref<1x1x120xi32, #tpu.memory_space<vmem>>
      %dma_start3A_817 = tpu.memref_squeeze %dma_start3A_816 : memref<1x1x120xi32, #tpu.memory_space<vmem>> -> memref<120xi32, #tpu.memory_space<vmem>>
      %dma_start3A_818 = arith.constant 0 : i32
      %dma_start3A_819 = arith.constant 0 : i32
      %dma_start3A_820 = tpu.memref_slice %arg2[%dma_start3A_818, %dma_start3A_819] : memref<20000x128xf32, #tpu.memory_space<hbm>> -> memref<20000x128xf32, #tpu.memory_space<hbm>>
      tpu.enqueue_indirect_dma source(%dma_start3A_820 : memref<20000x128xf32, #tpu.memory_space<hbm>>) target(%dma_start3A_814 : memref<120x128xf32, #tpu.memory_space<vmem>>) offsets(%dma_start3A_817 : memref<120xi32, #tpu.memory_space<vmem>>) semaphore(%arg11 : memref<!tpu.dma_semaphore, #tpu.memory_space<semaphore_mem>>)
      %dma_start3A_821 = arith.constant 3 : i32
      %dma_start3A_822 = arith.constant 2 : i32
      %dma_start3A_823 = arith.constant 2 : i32
      %dma_start3A_824 = arith.constant 0 : i32
      %dma_start3A_825 = arith.constant 0 : i32
      %dma_start3A_826 = tpu.memref_slice %arg8[%dma_start3A_823, %dma_start3A_824, %dma_start3A_825] : memref<3x120x128xf32, #tpu.memory_space<vmem>> -> memref<1x120x128xf32, #tpu.memory_space<vmem>>
      %dma_start3A_827 = tpu.memref_squeeze %dma_start3A_826 : memref<1x120x128xf32, #tpu.memory_space<vmem>> -> memref<120x128xf32, #tpu.memory_space<vmem>>
      %dma_start3A_828 = arith.constant 0 : i32
      %dma_start3A_829 = tpu.memref_slice %arg6[%dma_start3A_821, %dma_start3A_822, %dma_start3A_828] : memref<4x3x120xi32, #tpu.memory_space<vmem>> -> memref<1x1x120xi32, #tpu.memory_space<vmem>>
      %dma_start3A_830 = tpu.memref_squeeze %dma_start3A_829 : memref<1x1x120xi32, #tpu.memory_space<vmem>> -> memref<120xi32, #tpu.memory_space<vmem>>
      %dma_start3A_831 = arith.constant 0 : i32
      %dma_start3A_832 = arith.constant 0 : i32
      %dma_start3A_833 = tpu.memref_slice %arg2[%dma_start3A_831, %dma_start3A_832] : memref<20000x128xf32, #tpu.memory_space<hbm>> -> memref<20000x128xf32, #tpu.memory_space<hbm>>
      tpu.enqueue_indirect_dma source(%dma_start3A_833 : memref<20000x128xf32, #tpu.memory_space<hbm>>) target(%dma_start3A_827 : memref<120x128xf32, #tpu.memory_space<vmem>>) offsets(%dma_start3A_830 : memref<120xi32, #tpu.memory_space<vmem>>) semaphore(%arg12 : memref<!tpu.dma_semaphore, #tpu.memory_space<semaphore_mem>>)
      %add3A_834 = arith.constant 3 : i32
      %add3A_835 = arith.addi %add3A_760, %add3A_834 : i32
      %lt3A_836 = arith.constant 56 : i32
      %lt3A_837 = arith.cmpi slt, %add3A_835, %lt3A_836 : i32
      %convert_element_type3A_838 = arith.extui %lt3A_837 : i1 to i32
      %cond3A_839 = arith.constant 0 : i32
      %cond3A_840 = arith.cmpi ne, %convert_element_type3A_838, %cond3A_839 : i32
      scf.if %cond3A_840 {
        %add3A_958 = arith.constant 3 : i32
        %add3A_959 = arith.addi %add3A_760, %add3A_958 : i32
        %mul3A_960 = arith.constant 3 : i32
        %mul3A_961 = arith.muli %add3A_959, %mul3A_960 : i32
        %dma_start3A_962 = arith.constant 2 : i32
        %dma_start3A_963 = arith.constant 0 : i32
        %dma_start3A_964 = arith.constant 0 : i32
        %dma_start3A_965 = tpu.memref_slice %arg6[%dma_start3A_962, %dma_start3A_963, %dma_start3A_964] : memref<4x3x120xi32, #tpu.memory_space<vmem>> -> memref<1x3x120xi32, #tpu.memory_space<vmem>>
        %dma_start3A_966 = tpu.memref_squeeze %dma_start3A_965 : memref<1x3x120xi32, #tpu.memory_space<vmem>> -> memref<3x120xi32, #tpu.memory_space<vmem>>
        %dma_start3A_967 = arith.constant 0 : i32
        %dma_start3A_968 = tpu.memref_slice %arg3[%arg0, %arg1, %mul3A_961, %dma_start3A_967] : memref<2x16x168x120xi32, #tpu.memory_space<hbm>> -> memref<1x1x3x120xi32, #tpu.memory_space<hbm>>
        %dma_start3A_969 = tpu.memref_squeeze %dma_start3A_968 : memref<1x1x3x120xi32, #tpu.memory_space<hbm>> -> memref<3x120xi32, #tpu.memory_space<hbm>>
        %dma_start3A_970 = arith.constant 0 : i32
        %dma_start3A_971 = arith.constant 0 : i32
        %dma_start3A_972 = tpu.memref_slice %arg6[%dma_start3A_962, %dma_start3A_970, %dma_start3A_971] : memref<4x3x120xi32, #tpu.memory_space<vmem>> -> memref<1x3x120xi32, #tpu.memory_space<vmem>>
        %dma_start3A_973 = tpu.memref_squeeze %dma_start3A_972 : memref<1x3x120xi32, #tpu.memory_space<vmem>> -> memref<3x120xi32, #tpu.memory_space<vmem>>
        %dma_start3A_974 = arith.constant 0 : i32
        %dma_start3A_975 = tpu.memref_slice %arg3[%arg0, %arg1, %mul3A_961, %dma_start3A_974] : memref<2x16x168x120xi32, #tpu.memory_space<hbm>> -> memref<1x1x3x120xi32, #tpu.memory_space<hbm>>
        %dma_start3A_976 = tpu.memref_squeeze %dma_start3A_975 : memref<1x1x3x120xi32, #tpu.memory_space<hbm>> -> memref<3x120xi32, #tpu.memory_space<hbm>>
        tpu.enqueue_dma source(%dma_start3A_976 : memref<3x120xi32, #tpu.memory_space<hbm>>) target(%dma_start3A_973 : memref<3x120xi32, #tpu.memory_space<vmem>>) target_semaphore(%arg18 : memref<!tpu.dma_semaphore, #tpu.memory_space<semaphore_mem>>)
        %mul3A_977 = arith.constant 3 : i32
        %mul3A_978 = arith.muli %add3A_959, %mul3A_977 : i32
        %dma_start3A_979 = arith.constant 2 : i32
        %dma_start3A_980 = arith.constant 0 : i32
        %dma_start3A_981 = arith.constant 0 : i32
        %dma_start3A_982 = tpu.memref_slice %arg7[%dma_start3A_979, %dma_start3A_980, %dma_start3A_981] : memref<4x3x120xi32, #tpu.memory_space<vmem>> -> memref<1x3x120xi32, #tpu.memory_space<vmem>>
        %dma_start3A_983 = tpu.memref_squeeze %dma_start3A_982 : memref<1x3x120xi32, #tpu.memory_space<vmem>> -> memref<3x120xi32, #tpu.memory_space<vmem>>
        %dma_start3A_984 = arith.constant 0 : i32
        %dma_start3A_985 = tpu.memref_slice %arg4[%arg1, %mul3A_978, %dma_start3A_984] : memref<16x168x120xi32, #tpu.memory_space<hbm>> -> memref<1x3x120xi32, #tpu.memory_space<hbm>>
        %dma_start3A_986 = tpu.memref_squeeze %dma_start3A_985 : memref<1x3x120xi32, #tpu.memory_space<hbm>> -> memref<3x120xi32, #tpu.memory_space<hbm>>
        %dma_start3A_987 = arith.constant 0 : i32
        %dma_start3A_988 = arith.constant 0 : i32
        %dma_start3A_989 = tpu.memref_slice %arg7[%dma_start3A_979, %dma_start3A_987, %dma_start3A_988] : memref<4x3x120xi32, #tpu.memory_space<vmem>> -> memref<1x3x120xi32, #tpu.memory_space<vmem>>
        %dma_start3A_990 = tpu.memref_squeeze %dma_start3A_989 : memref<1x3x120xi32, #tpu.memory_space<vmem>> -> memref<3x120xi32, #tpu.memory_space<vmem>>
        %dma_start3A_991 = arith.constant 0 : i32
        %dma_start3A_992 = tpu.memref_slice %arg4[%arg1, %mul3A_978, %dma_start3A_991] : memref<16x168x120xi32, #tpu.memory_space<hbm>> -> memref<1x3x120xi32, #tpu.memory_space<hbm>>
        %dma_start3A_993 = tpu.memref_squeeze %dma_start3A_992 : memref<1x3x120xi32, #tpu.memory_space<hbm>> -> memref<3x120xi32, #tpu.memory_space<hbm>>
        tpu.enqueue_dma source(%dma_start3A_993 : memref<3x120xi32, #tpu.memory_space<hbm>>) target(%dma_start3A_990 : memref<3x120xi32, #tpu.memory_space<vmem>>) target_semaphore(%arg22 : memref<!tpu.dma_semaphore, #tpu.memory_space<semaphore_mem>>)
      } else {
      }
      %dma_wait3A_841 = arith.constant 3 : i32
      %dma_wait3A_842 = arith.constant 0 : i32
      %dma_wait3A_843 = arith.constant 0 : i32
      %dma_wait3A_844 = arith.constant 0 : i32
      %dma_wait3A_845 = arith.constant 0 : i32
      %dma_wait3A_846 = tpu.memref_slice %arg8[%dma_wait3A_843, %dma_wait3A_844, %dma_wait3A_845] : memref<3x120x128xf32, #tpu.memory_space<vmem>> -> memref<1x120x128xf32, #tpu.memory_space<vmem>>
      %dma_wait3A_847 = tpu.memref_squeeze %dma_wait3A_846 : memref<1x120x128xf32, #tpu.memory_space<vmem>> -> memref<120x128xf32, #tpu.memory_space<vmem>>
      %dma_wait3A_848 = arith.constant 0 : i32
      %dma_wait3A_849 = tpu.memref_slice %arg6[%dma_wait3A_841, %dma_wait3A_842, %dma_wait3A_848] : memref<4x3x120xi32, #tpu.memory_space<vmem>> -> memref<1x1x120xi32, #tpu.memory_space<vmem>>
      %dma_wait3A_850 = tpu.memref_squeeze %dma_wait3A_849 : memref<1x1x120xi32, #tpu.memory_space<vmem>> -> memref<120xi32, #tpu.memory_space<vmem>>
      %dma_wait3A_851 = arith.constant 0 : i32
      %dma_wait3A_852 = arith.constant 0 : i32
      %dma_wait3A_853 = tpu.memref_slice %arg2[%dma_wait3A_851, %dma_wait3A_852] : memref<20000x128xf32, #tpu.memory_space<hbm>> -> memref<20000x128xf32, #tpu.memory_space<hbm>>
      tpu.wait_indirect_dma semaphore(%arg10 : memref<!tpu.dma_semaphore, #tpu.memory_space<semaphore_mem>>) src(%dma_wait3A_853 : memref<20000x128xf32, #tpu.memory_space<hbm>>) dst(%dma_wait3A_847 : memref<120x128xf32, #tpu.memory_space<vmem>>)
      %dma_start3A_854 = arith.constant 0 : i32
      %dma_start3A_855 = arith.constant 3 : i32
      %dma_start3A_856 = arith.constant 0 : i32
      %dma_start3A_857 = arith.constant 0 : i32
      %dma_start3A_858 = arith.constant 0 : i32
      %dma_start3A_859 = tpu.memref_slice %arg8[%dma_start3A_854, %dma_start3A_857, %dma_start3A_858] : memref<3x120x128xf32, #tpu.memory_space<vmem>> -> memref<1x120x128xf32, #tpu.memory_space<vmem>>
      %dma_start3A_860 = tpu.memref_squeeze %dma_start3A_859 : memref<1x120x128xf32, #tpu.memory_space<vmem>> -> memref<120x128xf32, #tpu.memory_space<vmem>>
      %dma_start3A_861 = arith.constant 0 : i32
      %dma_start3A_862 = tpu.memref_slice %arg7[%dma_start3A_855, %dma_start3A_856, %dma_start3A_861] : memref<4x3x120xi32, #tpu.memory_space<vmem>> -> memref<1x1x120xi32, #tpu.memory_space<vmem>>
      %dma_start3A_863 = tpu.memref_squeeze %dma_start3A_862 : memref<1x1x120xi32, #tpu.memory_space<vmem>> -> memref<120xi32, #tpu.memory_space<vmem>>
      %dma_start3A_864 = arith.constant 0 : i32
      %dma_start3A_865 = arith.constant 0 : i32
      %dma_start3A_866 = tpu.memref_slice %arg9[%dma_start3A_864, %dma_start3A_865] : memref<10016x128xf32, #tpu.memory_space<vmem_shared>> -> memref<10016x128xf32, #tpu.memory_space<vmem_shared>>
      tpu.enqueue_indirect_dma source(%dma_start3A_860 : memref<120x128xf32, #tpu.memory_space<vmem>>) target(%dma_start3A_866 : memref<10016x128xf32, #tpu.memory_space<vmem_shared>>) offsets(%dma_start3A_863 : memref<120xi32, #tpu.memory_space<vmem>>) semaphore(%arg13 : memref<!tpu.dma_semaphore, #tpu.memory_space<semaphore_mem>>) {add = true}
      %dma_wait3A_867 = arith.constant 3 : i32
      %dma_wait3A_868 = arith.constant 1 : i32
      %dma_wait3A_869 = arith.constant 1 : i32
      %dma_wait3A_870 = arith.constant 0 : i32
      %dma_wait3A_871 = arith.constant 0 : i32
      %dma_wait3A_872 = tpu.memref_slice %arg8[%dma_wait3A_869, %dma_wait3A_870, %dma_wait3A_871] : memref<3x120x128xf32, #tpu.memory_space<vmem>> -> memref<1x120x128xf32, #tpu.memory_space<vmem>>
      %dma_wait3A_873 = tpu.memref_squeeze %dma_wait3A_872 : memref<1x120x128xf32, #tpu.memory_space<vmem>> -> memref<120x128xf32, #tpu.memory_space<vmem>>
      %dma_wait3A_874 = arith.constant 0 : i32
      %dma_wait3A_875 = tpu.memref_slice %arg6[%dma_wait3A_867, %dma_wait3A_868, %dma_wait3A_874] : memref<4x3x120xi32, #tpu.memory_space<vmem>> -> memref<1x1x120xi32, #tpu.memory_space<vmem>>
      %dma_wait3A_876 = tpu.memref_squeeze %dma_wait3A_875 : memref<1x1x120xi32, #tpu.memory_space<vmem>> -> memref<120xi32, #tpu.memory_space<vmem>>
      %dma_wait3A_877 = arith.constant 0 : i32
      %dma_wait3A_878 = arith.constant 0 : i32
      %dma_wait3A_879 = tpu.memref_slice %arg2[%dma_wait3A_877, %dma_wait3A_878] : memref<20000x128xf32, #tpu.memory_space<hbm>> -> memref<20000x128xf32, #tpu.memory_space<hbm>>
      tpu.wait_indirect_dma semaphore(%arg11 : memref<!tpu.dma_semaphore, #tpu.memory_space<semaphore_mem>>) src(%dma_wait3A_879 : memref<20000x128xf32, #tpu.memory_space<hbm>>) dst(%dma_wait3A_873 : memref<120x128xf32, #tpu.memory_space<vmem>>)
      %dma_start3A_880 = arith.constant 1 : i32
      %dma_start3A_881 = arith.constant 3 : i32
      %dma_start3A_882 = arith.constant 1 : i32
      %dma_start3A_883 = arith.constant 0 : i32
      %dma_start3A_884 = arith.constant 0 : i32
      %dma_start3A_885 = tpu.memref_slice %arg8[%dma_start3A_880, %dma_start3A_883, %dma_start3A_884] : memref<3x120x128xf32, #tpu.memory_space<vmem>> -> memref<1x120x128xf32, #tpu.memory_space<vmem>>
      %dma_start3A_886 = tpu.memref_squeeze %dma_start3A_885 : memref<1x120x128xf32, #tpu.memory_space<vmem>> -> memref<120x128xf32, #tpu.memory_space<vmem>>
      %dma_start3A_887 = arith.constant 0 : i32
      %dma_start3A_888 = tpu.memref_slice %arg7[%dma_start3A_881, %dma_start3A_882, %dma_start3A_887] : memref<4x3x120xi32, #tpu.memory_space<vmem>> -> memref<1x1x120xi32, #tpu.memory_space<vmem>>
      %dma_start3A_889 = tpu.memref_squeeze %dma_start3A_888 : memref<1x1x120xi32, #tpu.memory_space<vmem>> -> memref<120xi32, #tpu.memory_space<vmem>>
      %dma_start3A_890 = arith.constant 0 : i32
      %dma_start3A_891 = arith.constant 0 : i32
      %dma_start3A_892 = tpu.memref_slice %arg9[%dma_start3A_890, %dma_start3A_891] : memref<10016x128xf32, #tpu.memory_space<vmem_shared>> -> memref<10016x128xf32, #tpu.memory_space<vmem_shared>>
      tpu.enqueue_indirect_dma source(%dma_start3A_886 : memref<120x128xf32, #tpu.memory_space<vmem>>) target(%dma_start3A_892 : memref<10016x128xf32, #tpu.memory_space<vmem_shared>>) offsets(%dma_start3A_889 : memref<120xi32, #tpu.memory_space<vmem>>) semaphore(%arg14 : memref<!tpu.dma_semaphore, #tpu.memory_space<semaphore_mem>>) {add = true}
      %dma_wait3A_893 = arith.constant 3 : i32
      %dma_wait3A_894 = arith.constant 2 : i32
      %dma_wait3A_895 = arith.constant 2 : i32
      %dma_wait3A_896 = arith.constant 0 : i32
      %dma_wait3A_897 = arith.constant 0 : i32
      %dma_wait3A_898 = tpu.memref_slice %arg8[%dma_wait3A_895, %dma_wait3A_896, %dma_wait3A_897] : memref<3x120x128xf32, #tpu.memory_space<vmem>> -> memref<1x120x128xf32, #tpu.memory_space<vmem>>
      %dma_wait3A_899 = tpu.memref_squeeze %dma_wait3A_898 : memref<1x120x128xf32, #tpu.memory_space<vmem>> -> memref<120x128xf32, #tpu.memory_space<vmem>>
      %dma_wait3A_900 = arith.constant 0 : i32
      %dma_wait3A_901 = tpu.memref_slice %arg6[%dma_wait3A_893, %dma_wait3A_894, %dma_wait3A_900] : memref<4x3x120xi32, #tpu.memory_space<vmem>> -> memref<1x1x120xi32, #tpu.memory_space<vmem>>
      %dma_wait3A_902 = tpu.memref_squeeze %dma_wait3A_901 : memref<1x1x120xi32, #tpu.memory_space<vmem>> -> memref<120xi32, #tpu.memory_space<vmem>>
      %dma_wait3A_903 = arith.constant 0 : i32
      %dma_wait3A_904 = arith.constant 0 : i32
      %dma_wait3A_905 = tpu.memref_slice %arg2[%dma_wait3A_903, %dma_wait3A_904] : memref<20000x128xf32, #tpu.memory_space<hbm>> -> memref<20000x128xf32, #tpu.memory_space<hbm>>
      tpu.wait_indirect_dma semaphore(%arg12 : memref<!tpu.dma_semaphore, #tpu.memory_space<semaphore_mem>>) src(%dma_wait3A_905 : memref<20000x128xf32, #tpu.memory_space<hbm>>) dst(%dma_wait3A_899 : memref<120x128xf32, #tpu.memory_space<vmem>>)
      %dma_start3A_906 = arith.constant 2 : i32
      %dma_start3A_907 = arith.constant 3 : i32
      %dma_start3A_908 = arith.constant 2 : i32
      %dma_start3A_909 = arith.constant 0 : i32
      %dma_start3A_910 = arith.constant 0 : i32
      %dma_start3A_911 = tpu.memref_slice %arg8[%dma_start3A_906, %dma_start3A_909, %dma_start3A_910] : memref<3x120x128xf32, #tpu.memory_space<vmem>> -> memref<1x120x128xf32, #tpu.memory_space<vmem>>
      %dma_start3A_912 = tpu.memref_squeeze %dma_start3A_911 : memref<1x120x128xf32, #tpu.memory_space<vmem>> -> memref<120x128xf32, #tpu.memory_space<vmem>>
      %dma_start3A_913 = arith.constant 0 : i32
      %dma_start3A_914 = tpu.memref_slice %arg7[%dma_start3A_907, %dma_start3A_908, %dma_start3A_913] : memref<4x3x120xi32, #tpu.memory_space<vmem>> -> memref<1x1x120xi32, #tpu.memory_space<vmem>>
      %dma_start3A_915 = tpu.memref_squeeze %dma_start3A_914 : memref<1x1x120xi32, #tpu.memory_space<vmem>> -> memref<120xi32, #tpu.memory_space<vmem>>
      %dma_start3A_916 = arith.constant 0 : i32
      %dma_start3A_917 = arith.constant 0 : i32
      %dma_start3A_918 = tpu.memref_slice %arg9[%dma_start3A_916, %dma_start3A_917] : memref<10016x128xf32, #tpu.memory_space<vmem_shared>> -> memref<10016x128xf32, #tpu.memory_space<vmem_shared>>
      tpu.enqueue_indirect_dma source(%dma_start3A_912 : memref<120x128xf32, #tpu.memory_space<vmem>>) target(%dma_start3A_918 : memref<10016x128xf32, #tpu.memory_space<vmem_shared>>) offsets(%dma_start3A_915 : memref<120xi32, #tpu.memory_space<vmem>>) semaphore(%arg15 : memref<!tpu.dma_semaphore, #tpu.memory_space<semaphore_mem>>) {add = true}
      %dma_wait3A_919 = arith.constant 0 : i32
      %dma_wait3A_920 = arith.constant 3 : i32
      %dma_wait3A_921 = arith.constant 0 : i32
      %dma_wait3A_922 = arith.constant 0 : i32
      %dma_wait3A_923 = arith.constant 0 : i32
      %dma_wait3A_924 = tpu.memref_slice %arg8[%dma_wait3A_919, %dma_wait3A_922, %dma_wait3A_923] : memref<3x120x128xf32, #tpu.memory_space<vmem>> -> memref<1x120x128xf32, #tpu.memory_space<vmem>>
      %dma_wait3A_925 = tpu.memref_squeeze %dma_wait3A_924 : memref<1x120x128xf32, #tpu.memory_space<vmem>> -> memref<120x128xf32, #tpu.memory_space<vmem>>
      %dma_wait3A_926 = arith.constant 0 : i32
      %dma_wait3A_927 = tpu.memref_slice %arg7[%dma_wait3A_920, %dma_wait3A_921, %dma_wait3A_926] : memref<4x3x120xi32, #tpu.memory_space<vmem>> -> memref<1x1x120xi32, #tpu.memory_space<vmem>>
      %dma_wait3A_928 = tpu.memref_squeeze %dma_wait3A_927 : memref<1x1x120xi32, #tpu.memory_space<vmem>> -> memref<120xi32, #tpu.memory_space<vmem>>
      %dma_wait3A_929 = arith.constant 0 : i32
      %dma_wait3A_930 = arith.constant 0 : i32
      %dma_wait3A_931 = tpu.memref_slice %arg9[%dma_wait3A_929, %dma_wait3A_930] : memref<10016x128xf32, #tpu.memory_space<vmem_shared>> -> memref<10016x128xf32, #tpu.memory_space<vmem_shared>>
      tpu.wait_indirect_dma semaphore(%arg13 : memref<!tpu.dma_semaphore, #tpu.memory_space<semaphore_mem>>) src(%dma_wait3A_925 : memref<120x128xf32, #tpu.memory_space<vmem>>) dst(%dma_wait3A_931 : memref<10016x128xf32, #tpu.memory_space<vmem_shared>>)
      %dma_wait3A_932 = arith.constant 1 : i32
      %dma_wait3A_933 = arith.constant 3 : i32
      %dma_wait3A_934 = arith.constant 1 : i32
      %dma_wait3A_935 = arith.constant 0 : i32
      %dma_wait3A_936 = arith.constant 0 : i32
      %dma_wait3A_937 = tpu.memref_slice %arg8[%dma_wait3A_932, %dma_wait3A_935, %dma_wait3A_936] : memref<3x120x128xf32, #tpu.memory_space<vmem>> -> memref<1x120x128xf32, #tpu.memory_space<vmem>>
      %dma_wait3A_938 = tpu.memref_squeeze %dma_wait3A_937 : memref<1x120x128xf32, #tpu.memory_space<vmem>> -> memref<120x128xf32, #tpu.memory_space<vmem>>
      %dma_wait3A_939 = arith.constant 0 : i32
      %dma_wait3A_940 = tpu.memref_slice %arg7[%dma_wait3A_933, %dma_wait3A_934, %dma_wait3A_939] : memref<4x3x120xi32, #tpu.memory_space<vmem>> -> memref<1x1x120xi32, #tpu.memory_space<vmem>>
      %dma_wait3A_941 = tpu.memref_squeeze %dma_wait3A_940 : memref<1x1x120xi32, #tpu.memory_space<vmem>> -> memref<120xi32, #tpu.memory_space<vmem>>
      %dma_wait3A_942 = arith.constant 0 : i32
      %dma_wait3A_943 = arith.constant 0 : i32
      %dma_wait3A_944 = tpu.memref_slice %arg9[%dma_wait3A_942, %dma_wait3A_943] : memref<10016x128xf32, #tpu.memory_space<vmem_shared>> -> memref<10016x128xf32, #tpu.memory_space<vmem_shared>>
      tpu.wait_indirect_dma semaphore(%arg14 : memref<!tpu.dma_semaphore, #tpu.memory_space<semaphore_mem>>) src(%dma_wait3A_938 : memref<120x128xf32, #tpu.memory_space<vmem>>) dst(%dma_wait3A_944 : memref<10016x128xf32, #tpu.memory_space<vmem_shared>>)
      %dma_wait3A_945 = arith.constant 2 : i32
      %dma_wait3A_946 = arith.constant 3 : i32
      %dma_wait3A_947 = arith.constant 2 : i32
      %dma_wait3A_948 = arith.constant 0 : i32
      %dma_wait3A_949 = arith.constant 0 : i32
      %dma_wait3A_950 = tpu.memref_slice %arg8[%dma_wait3A_945, %dma_wait3A_948, %dma_wait3A_949] : memref<3x120x128xf32, #tpu.memory_space<vmem>> -> memref<1x120x128xf32, #tpu.memory_space<vmem>>
      %dma_wait3A_951 = tpu.memref_squeeze %dma_wait3A_950 : memref<1x120x128xf32, #tpu.memory_space<vmem>> -> memref<120x128xf32, #tpu.memory_space<vmem>>
      %dma_wait3A_952 = arith.constant 0 : i32
      %dma_wait3A_953 = tpu.memref_slice %arg7[%dma_wait3A_946, %dma_wait3A_947, %dma_wait3A_952] : memref<4x3x120xi32, #tpu.memory_space<vmem>> -> memref<1x1x120xi32, #tpu.memory_space<vmem>>
      %dma_wait3A_954 = tpu.memref_squeeze %dma_wait3A_953 : memref<1x1x120xi32, #tpu.memory_space<vmem>> -> memref<120xi32, #tpu.memory_space<vmem>>
      %dma_wait3A_955 = arith.constant 0 : i32
      %dma_wait3A_956 = arith.constant 0 : i32
      %dma_wait3A_957 = tpu.memref_slice %arg9[%dma_wait3A_955, %dma_wait3A_956] : memref<10016x128xf32, #tpu.memory_space<vmem_shared>> -> memref<10016x128xf32, #tpu.memory_space<vmem_shared>>
      tpu.wait_indirect_dma semaphore(%arg15 : memref<!tpu.dma_semaphore, #tpu.memory_space<semaphore_mem>>) src(%dma_wait3A_951 : memref<120x128xf32, #tpu.memory_space<vmem>>) dst(%dma_wait3A_957 : memref<10016x128xf32, #tpu.memory_space<vmem_shared>>)
    }
    %scan3A_153 = arith.constant 14 : i32
    %barrier3A_154 = arith.constant 0 : index
    tpu.barrier barrier_id(%barrier3A_154)
    %mul3A_155 = arith.constant 625 : i32
    %mul3A_156 = arith.muli %arg1, %mul3A_155 : i32
    "tpu.region"() ({
      %run_scoped3A_157 = tpu.sem_alloc : memref<!tpu.dma_semaphore, #tpu.memory_space<semaphore_mem>>
      %dma_start3A_158 = arith.constant 0 : i32
      %dma_start3A_159 = arith.constant 0 : i32
      %dma_start3A_160 = tpu.memref_slice %arg5[%arg0, %arg1, %dma_start3A_158, %dma_start3A_159] : memref<2x16x625x128xf32, #tpu.memory_space<hbm>> -> memref<1x1x625x128xf32, #tpu.memory_space<hbm>>
      %dma_start3A_161 = tpu.memref_squeeze %dma_start3A_160 : memref<1x1x625x128xf32, #tpu.memory_space<hbm>> -> memref<625x128xf32, #tpu.memory_space<hbm>>
      %dma_start3A_162 = arith.constant 0 : i32
      %dma_start3A_163 = tpu.memref_slice %arg9[%mul3A_156, %dma_start3A_162] : memref<10016x128xf32, #tpu.memory_space<vmem_shared>> -> memref<625x128xf32, #tpu.memory_space<vmem_shared>>
      tpu.enqueue_dma source(%dma_start3A_163 : memref<625x128xf32, #tpu.memory_space<vmem_shared>>) target(%dma_start3A_161 : memref<625x128xf32, #tpu.memory_space<hbm>>) target_semaphore(%run_scoped3A_157 : memref<!tpu.dma_semaphore, #tpu.memory_space<semaphore_mem>>)
      %dma_wait3A = arith.constant 0 : i32
      %dma_wait3A_164 = arith.constant 0 : i32
      %dma_wait3A_165 = tpu.memref_slice %arg5[%arg0, %arg1, %dma_wait3A, %dma_wait3A_164] : memref<2x16x625x128xf32, #tpu.memory_space<hbm>> -> memref<1x1x625x128xf32, #tpu.memory_space<hbm>>
      %dma_wait3A_166 = tpu.memref_squeeze %dma_wait3A_165 : memref<1x1x625x128xf32, #tpu.memory_space<hbm>> -> memref<625x128xf32, #tpu.memory_space<hbm>>
      %dma_wait3A_167 = arith.constant 0 : i32
      %dma_wait3A_168 = tpu.memref_slice %arg9[%mul3A_156, %dma_wait3A_167] : memref<10016x128xf32, #tpu.memory_space<vmem_shared>> -> memref<625x128xf32, #tpu.memory_space<vmem_shared>>
      tpu.wait_dma2 semaphore(%run_scoped3A_157 : memref<!tpu.dma_semaphore, #tpu.memory_space<semaphore_mem>>) src(%dma_wait3A_168 : memref<625x128xf32, #tpu.memory_space<vmem_shared>>) dst(%dma_wait3A_166 : memref<625x128xf32, #tpu.memory_space<hbm>>)
      tpu.yield
    }) : () -> ()
    return
  }
}

module attributes {stable_mosaic.version = 14 : i64} {
  func.func @_xstats_body(%arg0: i32, %arg1: memref<2000x128xf32, #tpu.memory_space<vmem>>, %arg2: memref<128x128xf32, #tpu.memory_space<vmem>>, %arg3: memref<8x128xf32, #tpu.memory_space<vmem>>) attributes {dimension_semantics = [#tpu.dimension_semantics<arbitrary>], iteration_bounds = array<i64: 5>, scalar_prefetch = 0 : i64, scratch_operands = 0 : i64, tpu.core_type = #tpu.core_type<tc>, window_params = [{transform_indices = @transform_0, window_bounds = array<i64: 2000, 128>}, {pipeline_mode = #tpu.pipeline_mode<synchronous>, transform_indices = @transform_1, window_bounds = array<i64: 128, 128>}, {pipeline_mode = #tpu.pipeline_mode<synchronous>, transform_indices = @transform_2, window_bounds = array<i64: 8, 128>}]} {
    %get3A = arith.constant 0 : index
    %get3A_0 = arith.constant 0 : index
    %get3A_1 = vector.load %arg1[%get3A, %get3A_0] : memref<2000x128xf32, #tpu.memory_space<vmem>>, vector<2000x128xf32>
    %dot_general3A = arith.constant dense<0.000000e+00> : vector<128x128xf32>
    %dot_general3A_2 = tpu.matmul %get3A_1, %get3A_1, %dot_general3A {dimension_numbers = #tpu.dot_dimension_numbers<[0], [0], [1], [1], [0, 1, 1, 1], [], []>, transpose_lhs_hint = false} : vector<2000x128xf32>, vector<2000x128xf32>, vector<128x128xf32> -> vector<128x128xf32>
    %reduce_sum3A = arith.constant dense<0.000000e+00> : vector<128xf32>
    %reduce_sum3A_3 = vector.multi_reduction <add>, %get3A_1, %reduce_sum3A [0] : vector<2000x128xf32> to vector<128xf32>
    %broadcast_in_dim3A = vector.shape_cast %reduce_sum3A_3 : vector<128xf32> to vector<1x128xf32>
    %eq3A = arith.constant 0 : i32
    %eq3A_4 = arith.cmpi eq, %arg0, %eq3A : i32
    %convert_element_type3A = arith.extui %eq3A_4 : i1 to i32
    %cond3A = arith.constant 0 : i32
    %cond3A_5 = arith.cmpi ne, %convert_element_type3A, %cond3A : i32
    scf.if %cond3A_5 {
      %swap3A = arith.constant 0 : index
      %swap3A_10 = arith.constant 0 : index
      %swap3A_11 = vector.load %arg2[%swap3A, %swap3A_10] : memref<128x128xf32, #tpu.memory_space<vmem>>, vector<128x128xf32>
      tpu.vector_store %arg2[%swap3A, %swap3A_10], %dot_general3A_2 {strides = array<i32>} : memref<128x128xf32, #tpu.memory_space<vmem>>, vector<128x128xf32>,
      %broadcast_in_dim3A_12 = arith.constant 0.000000e+00 : f32
      %broadcast_in_dim3A_13 = vector.broadcast %broadcast_in_dim3A_12 : f32 to vector<8x128xf32>
      %swap3A_14 = arith.constant 0 : index
      %swap3A_15 = arith.constant 0 : index
      %swap3A_16 = vector.load %arg3[%swap3A_14, %swap3A_15] : memref<8x128xf32, #tpu.memory_space<vmem>>, vector<8x128xf32>
      tpu.vector_store %arg3[%swap3A_14, %swap3A_15], %broadcast_in_dim3A_13 {strides = array<i32>} : memref<8x128xf32, #tpu.memory_space<vmem>>, vector<8x128xf32>,
      %swap3A_17 = arith.constant 0 : index
      %swap3A_18 = arith.constant 0 : index
      %swap3A_19 = vector.load %arg3[%swap3A_17, %swap3A_18] : memref<8x128xf32, #tpu.memory_space<vmem>>, vector<1x128xf32>
      tpu.vector_store %arg3[%swap3A_17, %swap3A_18], %broadcast_in_dim3A {strides = array<i32>} : memref<8x128xf32, #tpu.memory_space<vmem>>, vector<1x128xf32>,
    } else {
    }
    %gt3A = arith.constant 0 : i32
    %gt3A_6 = arith.cmpi sgt, %arg0, %gt3A : i32
    %convert_element_type3A_7 = arith.extui %gt3A_6 : i1 to i32
    %cond3A_8 = arith.constant 0 : i32
    %cond3A_9 = arith.cmpi ne, %convert_element_type3A_7, %cond3A_8 : i32
    scf.if %cond3A_9 {
      %get3A_10 = arith.constant 0 : index
      %get3A_11 = arith.constant 0 : index
      %get3A_12 = vector.load %arg2[%get3A_10, %get3A_11] : memref<128x128xf32, #tpu.memory_space<vmem>>, vector<128x128xf32>
      %add3A = arith.addf %get3A_12, %dot_general3A_2 : vector<128x128xf32>
      %swap3A = arith.constant 0 : index
      %swap3A_13 = arith.constant 0 : index
      %swap3A_14 = vector.load %arg2[%swap3A, %swap3A_13] : memref<128x128xf32, #tpu.memory_space<vmem>>, vector<128x128xf32>
      tpu.vector_store %arg2[%swap3A, %swap3A_13], %add3A {strides = array<i32>} : memref<128x128xf32, #tpu.memory_space<vmem>>, vector<128x128xf32>,
      %get3A_15 = arith.constant 0 : index
      %get3A_16 = arith.constant 0 : index
      %get3A_17 = vector.load %arg3[%get3A_15, %get3A_16] : memref<8x128xf32, #tpu.memory_space<vmem>>, vector<1x128xf32>
      %add3A_18 = arith.addf %get3A_17, %broadcast_in_dim3A : vector<1x128xf32>
      %swap3A_19 = arith.constant 0 : index
      %swap3A_20 = arith.constant 0 : index
      %swap3A_21 = vector.load %arg3[%swap3A_19, %swap3A_20] : memref<8x128xf32, #tpu.memory_space<vmem>>, vector<1x128xf32>
      tpu.vector_store %arg3[%swap3A_19, %swap3A_20], %add3A_18 {strides = array<i32>} : memref<8x128xf32, #tpu.memory_space<vmem>>, vector<1x128xf32>,
    } else {
    }
    return
  }
  func.func @transform_0(%arg0: i32) -> (i32, i32) {
    %c0_i32 = arith.constant 0 : i32
    %c0_i32_0 = arith.constant 0 : i32
    return %arg0, %c0_i32 : i32, i32
  }
  func.func @transform_1(%arg0: i32) -> (i32, i32) {
    %c0_i32 = arith.constant 0 : i32
    %c0_i32_0 = arith.constant 0 : i32
    %c0_i32_1 = arith.constant 0 : i32
    return %c0_i32, %c0_i32_0 : i32, i32
  }
  func.func @transform_2(%arg0: i32) -> (i32, i32) {
    %c0_i32 = arith.constant 0 : i32
    %c0_i32_0 = arith.constant 0 : i32
    %c0_i32_1 = arith.constant 0 : i32
    return %c0_i32, %c0_i32_0 : i32, i32
  }
}

module attributes {stable_mosaic.version = 14 : i64} {
  func.func @_h1_body(%arg0: i32, %arg1: memref<128x128xf32, #tpu.memory_space<vmem>>, %arg2: memref<8x128xf32, #tpu.memory_space<vmem>>, %arg3: memref<128x256xf32, #tpu.memory_space<vmem>>, %arg4: memref<1x256xf32, #tpu.memory_space<vmem>>, %arg5: memref<1x256xf32, #tpu.memory_space<vmem>>, %arg6: memref<2000x128xf32, #tpu.memory_space<vmem>>, %arg7: memref<2x2000x128xf32, #tpu.memory_space<vmem>>, %arg8: memref<8x256xf32, #tpu.memory_space<vmem>>) attributes {dimension_semantics = [#tpu.dimension_semantics<arbitrary>], iteration_bounds = array<i64: 5>, scalar_prefetch = 0 : i64, scratch_operands = 1 : i64, tpu.core_type = #tpu.core_type<tc>, window_params = [{pipeline_mode = #tpu.pipeline_mode<synchronous>, transform_indices = @transform_0, window_bounds = array<i64: 128, 128>}, {pipeline_mode = #tpu.pipeline_mode<synchronous>, transform_indices = @transform_1, window_bounds = array<i64: 8, 128>}, {pipeline_mode = #tpu.pipeline_mode<synchronous>, transform_indices = @transform_2, window_bounds = array<i64: 128, 256>}, {pipeline_mode = #tpu.pipeline_mode<synchronous>, transform_indices = @transform_3, window_bounds = array<i64: 1, 256>}, {pipeline_mode = #tpu.pipeline_mode<synchronous>, transform_indices = @transform_4, window_bounds = array<i64: 1, 256>}, {transform_indices = @transform_5, window_bounds = array<i64: 2000, 128>}, {transform_indices = @transform_6, window_bounds = array<i64: 2, 2000, 128>}]} {
    %eq3A = arith.constant 0 : i32
    %eq3A_0 = arith.cmpi eq, %arg0, %eq3A : i32
    %convert_element_type3A = arith.extui %eq3A_0 : i1 to i32
    %cond3A = arith.constant 0 : i32
    %cond3A_1 = arith.cmpi ne, %convert_element_type3A, %cond3A : i32
    scf.if %cond3A_1 {
      %get3A_28 = arith.constant 0 : index
      %get3A_29 = arith.constant 0 : index
      %get3A_30 = vector.load %arg3[%get3A_28, %get3A_29] : memref<128x256xf32, #tpu.memory_space<vmem>>, vector<128x256xf32>
      %get3A_31 = arith.constant 0 : index
      %get3A_32 = arith.constant 0 : index
      %get3A_33 = vector.load %arg1[%get3A_31, %get3A_32] : memref<128x128xf32, #tpu.memory_space<vmem>>, vector<128x128xf32>
      %dot_general3A_34 = arith.constant dense<0.000000e+00> : vector<128x256xf32>
      %dot_general3A_35 = tpu.matmul %get3A_33, %get3A_30, %dot_general3A_34 {dimension_numbers = #tpu.dot_dimension_numbers<[1], [0], [0], [1], [0, 0, 1, 1], [], []>, transpose_lhs_hint = false} : vector<128x128xf32>, vector<128x256xf32>, vector<128x256xf32> -> vector<128x256xf32>
      %mul3A_36 = arith.mulf %get3A_30, %dot_general3A_35 : vector<128x256xf32>
      %reduce_sum3A = arith.constant dense<0.000000e+00> : vector<256xf32>
      %reduce_sum3A_37 = vector.multi_reduction <add>, %mul3A_36, %reduce_sum3A [0] : vector<128x256xf32> to vector<256xf32>
      %broadcast_in_dim3A = vector.shape_cast %reduce_sum3A_37 : vector<256xf32> to vector<1x256xf32>
      %div3A = arith.constant 1.000000e+04 : f32
      %div3A_38 = vector.broadcast %div3A : f32 to vector<1x256xf32>
      %div3A_39 = arith.divf %broadcast_in_dim3A, %div3A_38 : vector<1x256xf32>
      %get3A_40 = arith.constant 0 : index
      %get3A_41 = arith.constant 0 : index
      %get3A_42 = vector.load %arg2[%get3A_40, %get3A_41] : memref<8x128xf32, #tpu.memory_space<vmem>>, vector<1x128xf32>
      %dot_general3A_43 = arith.constant dense<0.000000e+00> : vector<1x256xf32>
      %dot_general3A_44 = tpu.matmul %get3A_42, %get3A_30, %dot_general3A_43 {dimension_numbers = #tpu.dot_dimension_numbers<[1], [0], [0], [1], [0, 0, 1, 1], [], []>, transpose_lhs_hint = false} : vector<1x128xf32>, vector<128x256xf32>, vector<1x256xf32> -> vector<1x256xf32>
      %div3A_45 = arith.constant 1.000000e+04 : f32
      %div3A_46 = vector.broadcast %div3A_45 : f32 to vector<1x256xf32>
      %div3A_47 = arith.divf %dot_general3A_44, %div3A_46 : vector<1x256xf32>
      %mul3A_48 = arith.mulf %div3A_47, %div3A_47 : vector<1x256xf32>
      %sub3A = arith.subf %div3A_39, %mul3A_48 : vector<1x256xf32>
      %get3A_49 = arith.constant 0 : index
      %get3A_50 = arith.constant 0 : index
      %get3A_51 = vector.load %arg4[%get3A_49, %get3A_50] : memref<1x256xf32, #tpu.memory_space<vmem>>, vector<1x256xf32>
      %add3A_52 = arith.constant 9.99999974E-6 : f32
      %add3A_53 = vector.broadcast %add3A_52 : f32 to vector<1x256xf32>
      %add3A_54 = arith.addf %sub3A, %add3A_53 : vector<1x256xf32>
      %rsqrt3A = math.rsqrt %add3A_54 : vector<1x256xf32>
      %mul3A_55 = arith.mulf %get3A_51, %rsqrt3A : vector<1x256xf32>
      %swap3A_56 = arith.constant 0 : index
      %swap3A_57 = arith.constant 0 : index
      %swap3A_58 = vector.load %arg8[%swap3A_56, %swap3A_57] : memref<8x256xf32, #tpu.memory_space<vmem>>, vector<1x256xf32>
      tpu.vector_store %arg8[%swap3A_56, %swap3A_57], %mul3A_55 {strides = array<i32>} : memref<8x256xf32, #tpu.memory_space<vmem>>, vector<1x256xf32>,
      %get3A_59 = arith.constant 0 : index
      %get3A_60 = arith.constant 0 : index
      %get3A_61 = vector.load %arg5[%get3A_59, %get3A_60] : memref<1x256xf32, #tpu.memory_space<vmem>>, vector<1x256xf32>
      %mul3A_62 = arith.mulf %mul3A_55, %div3A_47 : vector<1x256xf32>
      %sub3A_63 = arith.subf %get3A_61, %mul3A_62 : vector<1x256xf32>
      %swap3A_64 = arith.constant 1 : index
      %swap3A_65 = arith.constant 0 : index
      %swap3A_66 = vector.load %arg8[%swap3A_64, %swap3A_65] : memref<8x256xf32, #tpu.memory_space<vmem>>, vector<1x256xf32>
      tpu.vector_store %arg8[%swap3A_64, %swap3A_65], %sub3A_63 {strides = array<i32>} : memref<8x256xf32, #tpu.memory_space<vmem>>, vector<1x256xf32>,
    } else {
    }
    %get3A = arith.constant 0 : index
    %get3A_2 = arith.constant 0 : index
    %get3A_3 = vector.load %arg6[%get3A, %get3A_2] : memref<2000x128xf32, #tpu.memory_space<vmem>>, vector<2000x128xf32>
    %get3A_4 = arith.constant 0 : index
    %get3A_5 = arith.constant 0 : index
    %get3A_6 = vector.load %arg3[%get3A_4, %get3A_5] : memref<128x256xf32, #tpu.memory_space<vmem>>, vector<128x256xf32>
    %dot_general3A = arith.constant dense<0.000000e+00> : vector<2000x256xf32>
    %dot_general3A_7 = tpu.matmul %get3A_3, %get3A_6, %dot_general3A {dimension_numbers = #tpu.dot_dimension_numbers<[1], [0], [0], [1], [0, 0, 1, 1], [], []>, transpose_lhs_hint = false} : vector<2000x128xf32>, vector<128x256xf32>, vector<2000x256xf32> -> vector<2000x256xf32>
    %get3A_8 = arith.constant 0 : index
    %get3A_9 = arith.constant 0 : index
    %get3A_10 = vector.load %arg8[%get3A_8, %get3A_9] : memref<8x256xf32, #tpu.memory_space<vmem>>, vector<1x256xf32>
    %mul3A = vector.broadcast %get3A_10 : vector<1x256xf32> to vector<2000x256xf32>
    %mul3A_11 = arith.mulf %mul3A, %dot_general3A_7 : vector<2000x256xf32>
    %get3A_12 = arith.constant 1 : index
    %get3A_13 = arith.constant 0 : index
    %get3A_14 = vector.load %arg8[%get3A_12, %get3A_13] : memref<8x256xf32, #tpu.memory_space<vmem>>, vector<1x256xf32>
    %add3A = vector.broadcast %get3A_14 : vector<1x256xf32> to vector<2000x256xf32>
    %add3A_15 = arith.addf %mul3A_11, %add3A : vector<2000x256xf32>
    %slice3A = vector.extract_strided_slice %add3A_15 {offsets = [0, 0], sizes = [2000, 128], strides = [1, 1]} : vector<2000x256xf32> to vector<2000x128xf32>
    %swap3A = arith.constant 0 : index
    %swap3A_16 = arith.constant 0 : index
    %swap3A_17 = arith.constant 0 : index
    %swap3A_18 = vector.load %arg7[%swap3A, %swap3A_16, %swap3A_17] : memref<2x2000x128xf32, #tpu.memory_space<vmem>>, vector<1x2000x128xf32>
    %swap3A_19 = vector.shape_cast %swap3A_18 : vector<1x2000x128xf32> to vector<2000x128xf32>
    %swap3A_20 = vector.shape_cast %slice3A : vector<2000x128xf32> to vector<1x2000x128xf32>
    tpu.vector_store %arg7[%swap3A, %swap3A_16, %swap3A_17], %swap3A_20 {strides = array<i32>} : memref<2x2000x128xf32, #tpu.memory_space<vmem>>, vector<1x2000x128xf32>,
    %slice3A_21 = vector.extract_strided_slice %add3A_15 {offsets = [0, 128], sizes = [2000, 128], strides = [1, 1]} : vector<2000x256xf32> to vector<2000x128xf32>
    %swap3A_22 = arith.constant 1 : index
    %swap3A_23 = arith.constant 0 : index
    %swap3A_24 = arith.constant 0 : index
    %swap3A_25 = vector.load %arg7[%swap3A_22, %swap3A_23, %swap3A_24] : memref<2x2000x128xf32, #tpu.memory_space<vmem>>, vector<1x2000x128xf32>
    %swap3A_26 = vector.shape_cast %swap3A_25 : vector<1x2000x128xf32> to vector<2000x128xf32>
    %swap3A_27 = vector.shape_cast %slice3A_21 : vector<2000x128xf32> to vector<1x2000x128xf32>
    tpu.vector_store %arg7[%swap3A_22, %swap3A_23, %swap3A_24], %swap3A_27 {strides = array<i32>} : memref<2x2000x128xf32, #tpu.memory_space<vmem>>, vector<1x2000x128xf32>,
    return
  }
  func.func @transform_0(%arg0: i32) -> (i32, i32) {
    %c0_i32 = arith.constant 0 : i32
    %c0_i32_0 = arith.constant 0 : i32
    %c0_i32_1 = arith.constant 0 : i32
    return %c0_i32, %c0_i32_0 : i32, i32
  }
  func.func @transform_1(%arg0: i32) -> (i32, i32) {
    %c0_i32 = arith.constant 0 : i32
    %c0_i32_0 = arith.constant 0 : i32
    %c0_i32_1 = arith.constant 0 : i32
    return %c0_i32, %c0_i32_0 : i32, i32
  }
  func.func @transform_2(%arg0: i32) -> (i32, i32) {
    %c0_i32 = arith.constant 0 : i32
    %c0_i32_0 = arith.constant 0 : i32
    %c0_i32_1 = arith.constant 0 : i32
    return %c0_i32, %c0_i32_0 : i32, i32
  }
  func.func @transform_3(%arg0: i32) -> (i32, i32) {
    %c0_i32 = arith.constant 0 : i32
    %c0_i32_0 = arith.constant 0 : i32
    %c0_i32_1 = arith.constant 0 : i32
    return %c0_i32, %c0_i32_0 : i32, i32
  }
  func.func @transform_4(%arg0: i32) -> (i32, i32) {
    %c0_i32 = arith.constant 0 : i32
    %c0_i32_0 = arith.constant 0 : i32
    %c0_i32_1 = arith.constant 0 : i32
    return %c0_i32, %c0_i32_0 : i32, i32
  }
  func.func @transform_5(%arg0: i32) -> (i32, i32) {
    %c0_i32 = arith.constant 0 : i32
    %c0_i32_0 = arith.constant 0 : i32
    return %arg0, %c0_i32 : i32, i32
  }
  func.func @transform_6(%arg0: i32) -> (i32, i32, i32) {
    %c0_i32 = arith.constant 0 : i32
    %c0_i32_0 = arith.constant 0 : i32
    %c0_i32_1 = arith.constant 0 : i32
    return %c0_i32, %arg0, %c0_i32_0 : i32, i32, i32
  }
}

module attributes {stable_mosaic.version = 14 : i64} {
  func.func @_h2_body(%arg0: i32, %arg1: memref<2x2000x128xf32, #tpu.memory_space<vmem>>, %arg2: memref<2x2000x128xf32, #tpu.memory_space<vmem>>, %arg3: memref<2x128x512xf32, #tpu.memory_space<vmem>>, %arg4: memref<2x128x512xf32, #tpu.memory_space<vmem>>, %arg5: memref<1x512xf32, #tpu.memory_space<vmem>>, %arg6: memref<512x128xf32, #tpu.memory_space<vmem>>, %arg7: memref<1x128xf32, #tpu.memory_space<vmem>>, %arg8: memref<2000x128xf32, #tpu.memory_space<vmem>>, %arg9: memref<8x128xf32, #tpu.memory_space<vmem>>) attributes {dimension_semantics = [#tpu.dimension_semantics<arbitrary>], iteration_bounds = array<i64: 5>, scalar_prefetch = 0 : i64, scratch_operands = 0 : i64, tpu.core_type = #tpu.core_type<tc>, window_params = [{transform_indices = @transform_0, window_bounds = array<i64: 2, 2000, 128>}, {transform_indices = @transform_1, window_bounds = array<i64: 2, 2000, 128>}, {pipeline_mode = #tpu.pipeline_mode<synchronous>, transform_indices = @transform_2, window_bounds = array<i64: 2, 128, 512>}, {pipeline_mode = #tpu.pipeline_mode<synchronous>, transform_indices = @transform_3, window_bounds = array<i64: 2, 128, 512>}, {pipeline_mode = #tpu.pipeline_mode<synchronous>, transform_indices = @transform_4, window_bounds = array<i64: 1, 512>}, {pipeline_mode = #tpu.pipeline_mode<synchronous>, transform_indices = @transform_5, window_bounds = array<i64: 512, 128>}, {pipeline_mode = #tpu.pipeline_mode<synchronous>, transform_indices = @transform_6, window_bounds = array<i64: 1, 128>}, {transform_indices = @transform_7, window_bounds = array<i64: 2000, 128>}, {pipeline_mode = #tpu.pipeline_mode<synchronous>, transform_indices = @transform_8, window_bounds = array<i64: 8, 128>}]} {
    %get3A = arith.constant 0 : index
    %get3A_0 = arith.constant 0 : index
    %get3A_1 = vector.load %arg5[%get3A, %get3A_0] : memref<1x512xf32, #tpu.memory_space<vmem>>, vector<1x512xf32>
    %get3A_2 = arith.constant 0 : index
    %get3A_3 = arith.constant 0 : index
    %get3A_4 = arith.constant 0 : index
    %get3A_5 = vector.load %arg1[%get3A_2, %get3A_3, %get3A_4] : memref<2x2000x128xf32, #tpu.memory_space<vmem>>, vector<1x2000x128xf32>
    %get3A_6 = vector.shape_cast %get3A_5 : vector<1x2000x128xf32> to vector<2000x128xf32>
    %get3A_7 = arith.constant 0 : index
    %get3A_8 = arith.constant 0 : index
    %get3A_9 = arith.constant 0 : index
    %get3A_10 = vector.load %arg3[%get3A_7, %get3A_8, %get3A_9] : memref<2x128x512xf32, #tpu.memory_space<vmem>>, vector<1x128x512xf32>
    %get3A_11 = vector.shape_cast %get3A_10 : vector<1x128x512xf32> to vector<128x512xf32>
    %dot_general3A = arith.constant dense<0.000000e+00> : vector<2000x512xf32>
    %dot_general3A_12 = tpu.matmul %get3A_6, %get3A_11, %dot_general3A {dimension_numbers = #tpu.dot_dimension_numbers<[1], [0], [0], [1], [0, 0, 1, 1], [], []>, transpose_lhs_hint = false} : vector<2000x128xf32>, vector<128x512xf32>, vector<2000x512xf32> -> vector<2000x512xf32>
    %add3A = vector.broadcast %get3A_1 : vector<1x512xf32> to vector<2000x512xf32>
    %add3A_13 = arith.addf %add3A, %dot_general3A_12 : vector<2000x512xf32>
    %get3A_14 = arith.constant 0 : index
    %get3A_15 = arith.constant 0 : index
    %get3A_16 = arith.constant 0 : index
    %get3A_17 = vector.load %arg2[%get3A_14, %get3A_15, %get3A_16] : memref<2x2000x128xf32, #tpu.memory_space<vmem>>, vector<1x2000x128xf32>
    %get3A_18 = vector.shape_cast %get3A_17 : vector<1x2000x128xf32> to vector<2000x128xf32>
    %get3A_19 = arith.constant 0 : index
    %get3A_20 = arith.constant 0 : index
    %get3A_21 = arith.constant 0 : index
    %get3A_22 = vector.load %arg4[%get3A_19, %get3A_20, %get3A_21] : memref<2x128x512xf32, #tpu.memory_space<vmem>>, vector<1x128x512xf32>
    %get3A_23 = vector.shape_cast %get3A_22 : vector<1x128x512xf32> to vector<128x512xf32>
    %dot_general3A_24 = arith.constant dense<0.000000e+00> : vector<2000x512xf32>
    %dot_general3A_25 = tpu.matmul %get3A_18, %get3A_23, %dot_general3A_24 {dimension_numbers = #tpu.dot_dimension_numbers<[1], [0], [0], [1], [0, 0, 1, 1], [], []>, transpose_lhs_hint = false} : vector<2000x128xf32>, vector<128x512xf32>, vector<2000x512xf32> -> vector<2000x512xf32>
    %add3A_26 = arith.addf %add3A_13, %dot_general3A_25 : vector<2000x512xf32>
    %get3A_27 = arith.constant 1 : index
    %get3A_28 = arith.constant 0 : index
    %get3A_29 = arith.constant 0 : index
    %get3A_30 = vector.load %arg1[%get3A_27, %get3A_28, %get3A_29] : memref<2x2000x128xf32, #tpu.memory_space<vmem>>, vector<1x2000x128xf32>
    %get3A_31 = vector.shape_cast %get3A_30 : vector<1x2000x128xf32> to vector<2000x128xf32>
    %get3A_32 = arith.constant 1 : index
    %get3A_33 = arith.constant 0 : index
    %get3A_34 = arith.constant 0 : index
    %get3A_35 = vector.load %arg3[%get3A_32, %get3A_33, %get3A_34] : memref<2x128x512xf32, #tpu.memory_space<vmem>>, vector<1x128x512xf32>
    %get3A_36 = vector.shape_cast %get3A_35 : vector<1x128x512xf32> to vector<128x512xf32>
    %dot_general3A_37 = arith.constant dense<0.000000e+00> : vector<2000x512xf32>
    %dot_general3A_38 = tpu.matmul %get3A_31, %get3A_36, %dot_general3A_37 {dimension_numbers = #tpu.dot_dimension_numbers<[1], [0], [0], [1], [0, 0, 1, 1], [], []>, transpose_lhs_hint = false} : vector<2000x128xf32>, vector<128x512xf32>, vector<2000x512xf32> -> vector<2000x512xf32>
    %add3A_39 = arith.addf %add3A_26, %dot_general3A_38 : vector<2000x512xf32>
    %get3A_40 = arith.constant 1 : index
    %get3A_41 = arith.constant 0 : index
    %get3A_42 = arith.constant 0 : index
    %get3A_43 = vector.load %arg2[%get3A_40, %get3A_41, %get3A_42] : memref<2x2000x128xf32, #tpu.memory_space<vmem>>, vector<1x2000x128xf32>
    %get3A_44 = vector.shape_cast %get3A_43 : vector<1x2000x128xf32> to vector<2000x128xf32>
    %get3A_45 = arith.constant 1 : index
    %get3A_46 = arith.constant 0 : index
    %get3A_47 = arith.constant 0 : index
    %get3A_48 = vector.load %arg4[%get3A_45, %get3A_46, %get3A_47] : memref<2x128x512xf32, #tpu.memory_space<vmem>>, vector<1x128x512xf32>
    %get3A_49 = vector.shape_cast %get3A_48 : vector<1x128x512xf32> to vector<128x512xf32>
    %dot_general3A_50 = arith.constant dense<0.000000e+00> : vector<2000x512xf32>
    %dot_general3A_51 = tpu.matmul %get3A_44, %get3A_49, %dot_general3A_50 {dimension_numbers = #tpu.dot_dimension_numbers<[1], [0], [0], [1], [0, 0, 1, 1], [], []>, transpose_lhs_hint = false} : vector<2000x128xf32>, vector<128x512xf32>, vector<2000x512xf32> -> vector<2000x512xf32>
    %add3A_52 = arith.addf %add3A_39, %dot_general3A_51 : vector<2000x512xf32>
    %get3A_53 = arith.constant 0 : index
    %get3A_54 = arith.constant 0 : index
    %get3A_55 = vector.load %arg6[%get3A_53, %get3A_54] : memref<512x128xf32, #tpu.memory_space<vmem>>, vector<512x128xf32>
    %dot_general3A_56 = arith.constant dense<0.000000e+00> : vector<2000x128xf32>
    %dot_general3A_57 = tpu.matmul %add3A_52, %get3A_55, %dot_general3A_56 {dimension_numbers = #tpu.dot_dimension_numbers<[1], [0], [0], [1], [0, 0, 1, 1], [], []>, transpose_lhs_hint = false} : vector<2000x512xf32>, vector<512x128xf32>, vector<2000x128xf32> -> vector<2000x128xf32>
    %get3A_58 = arith.constant 0 : index
    %get3A_59 = arith.constant 0 : index
    %get3A_60 = vector.load %arg7[%get3A_58, %get3A_59] : memref<1x128xf32, #tpu.memory_space<vmem>>, vector<1x128xf32>
    %add3A_61 = vector.broadcast %get3A_60 : vector<1x128xf32> to vector<2000x128xf32>
    %add3A_62 = arith.addf %dot_general3A_57, %add3A_61 : vector<2000x128xf32>
    %swap3A = arith.constant 0 : index
    %swap3A_63 = arith.constant 0 : index
    %swap3A_64 = vector.load %arg8[%swap3A, %swap3A_63] : memref<2000x128xf32, #tpu.memory_space<vmem>>, vector<2000x128xf32>
    tpu.vector_store %arg8[%swap3A, %swap3A_63], %add3A_62 {strides = array<i32>} : memref<2000x128xf32, #tpu.memory_space<vmem>>, vector<2000x128xf32>,
    %reduce_sum3A = arith.constant dense<0.000000e+00> : vector<128xf32>
    %reduce_sum3A_65 = vector.multi_reduction <add>, %add3A_62, %reduce_sum3A [0] : vector<2000x128xf32> to vector<128xf32>
    %broadcast_in_dim3A = vector.shape_cast %reduce_sum3A_65 : vector<128xf32> to vector<1x128xf32>
    %mul3A = arith.mulf %add3A_62, %add3A_62 : vector<2000x128xf32>
    %reduce_sum3A_66 = arith.constant dense<0.000000e+00> : vector<128xf32>
    %reduce_sum3A_67 = vector.multi_reduction <add>, %mul3A, %reduce_sum3A_66 [0] : vector<2000x128xf32> to vector<128xf32>
    %broadcast_in_dim3A_68 = vector.shape_cast %reduce_sum3A_67 : vector<128xf32> to vector<1x128xf32>
    %eq3A = arith.constant 0 : i32
    %eq3A_69 = arith.cmpi eq, %arg0, %eq3A : i32
    %convert_element_type3A = arith.extui %eq3A_69 : i1 to i32
    %cond3A = arith.constant 0 : i32
    %cond3A_70 = arith.cmpi ne, %convert_element_type3A, %cond3A : i32
    scf.if %cond3A_70 {
      %broadcast_in_dim3A_75 = arith.constant 0.000000e+00 : f32
      %broadcast_in_dim3A_76 = vector.broadcast %broadcast_in_dim3A_75 : f32 to vector<8x128xf32>
      %swap3A_77 = arith.constant 0 : index
      %swap3A_78 = arith.constant 0 : index
      %swap3A_79 = vector.load %arg9[%swap3A_77, %swap3A_78] : memref<8x128xf32, #tpu.memory_space<vmem>>, vector<8x128xf32>
      tpu.vector_store %arg9[%swap3A_77, %swap3A_78], %broadcast_in_dim3A_76 {strides = array<i32>} : memref<8x128xf32, #tpu.memory_space<vmem>>, vector<8x128xf32>,
      %swap3A_80 = arith.constant 0 : index
      %swap3A_81 = arith.constant 0 : index
      %swap3A_82 = vector.load %arg9[%swap3A_80, %swap3A_81] : memref<8x128xf32, #tpu.memory_space<vmem>>, vector<1x128xf32>
      tpu.vector_store %arg9[%swap3A_80, %swap3A_81], %broadcast_in_dim3A {strides = array<i32>} : memref<8x128xf32, #tpu.memory_space<vmem>>, vector<1x128xf32>,
      %swap3A_83 = arith.constant 1 : index
      %swap3A_84 = arith.constant 0 : index
      %swap3A_85 = vector.load %arg9[%swap3A_83, %swap3A_84] : memref<8x128xf32, #tpu.memory_space<vmem>>, vector<1x128xf32>
      tpu.vector_store %arg9[%swap3A_83, %swap3A_84], %broadcast_in_dim3A_68 {strides = array<i32>} : memref<8x128xf32, #tpu.memory_space<vmem>>, vector<1x128xf32>,
    } else {
    }
    %gt3A = arith.constant 0 : i32
    %gt3A_71 = arith.cmpi sgt, %arg0, %gt3A : i32
    %convert_element_type3A_72 = arith.extui %gt3A_71 : i1 to i32
    %cond3A_73 = arith.constant 0 : i32
    %cond3A_74 = arith.cmpi ne, %convert_element_type3A_72, %cond3A_73 : i32
    scf.if %cond3A_74 {
      %get3A_75 = arith.constant 0 : index
      %get3A_76 = arith.constant 0 : index
      %get3A_77 = vector.load %arg9[%get3A_75, %get3A_76] : memref<8x128xf32, #tpu.memory_space<vmem>>, vector<1x128xf32>
      %add3A_78 = arith.addf %get3A_77, %broadcast_in_dim3A : vector<1x128xf32>
      %swap3A_79 = arith.constant 0 : index
      %swap3A_80 = arith.constant 0 : index
      %swap3A_81 = vector.load %arg9[%swap3A_79, %swap3A_80] : memref<8x128xf32, #tpu.memory_space<vmem>>, vector<1x128xf32>
      tpu.vector_store %arg9[%swap3A_79, %swap3A_80], %add3A_78 {strides = array<i32>} : memref<8x128xf32, #tpu.memory_space<vmem>>, vector<1x128xf32>,
      %get3A_82 = arith.constant 1 : index
      %get3A_83 = arith.constant 0 : index
      %get3A_84 = vector.load %arg9[%get3A_82, %get3A_83] : memref<8x128xf32, #tpu.memory_space<vmem>>, vector<1x128xf32>
      %add3A_85 = arith.addf %get3A_84, %broadcast_in_dim3A_68 : vector<1x128xf32>
      %swap3A_86 = arith.constant 1 : index
      %swap3A_87 = arith.constant 0 : index
      %swap3A_88 = vector.load %arg9[%swap3A_86, %swap3A_87] : memref<8x128xf32, #tpu.memory_space<vmem>>, vector<1x128xf32>
      tpu.vector_store %arg9[%swap3A_86, %swap3A_87], %add3A_85 {strides = array<i32>} : memref<8x128xf32, #tpu.memory_space<vmem>>, vector<1x128xf32>,
    } else {
    }
    return
  }
  func.func @transform_0(%arg0: i32) -> (i32, i32, i32) {
    %c0_i32 = arith.constant 0 : i32
    %c0_i32_0 = arith.constant 0 : i32
    %c0_i32_1 = arith.constant 0 : i32
    return %c0_i32, %arg0, %c0_i32_0 : i32, i32, i32
  }
  func.func @transform_1(%arg0: i32) -> (i32, i32, i32) {
    %c0_i32 = arith.constant 0 : i32
    %c0_i32_0 = arith.constant 0 : i32
    %c0_i32_1 = arith.constant 0 : i32
    return %c0_i32, %arg0, %c0_i32_0 : i32, i32, i32
  }
  func.func @transform_2(%arg0: i32) -> (i32, i32, i32) {
    %c0_i32 = arith.constant 0 : i32
    %c0_i32_0 = arith.constant 0 : i32
    %c0_i32_1 = arith.constant 0 : i32
    %c0_i32_2 = arith.constant 0 : i32
    return %c0_i32, %c0_i32_0, %c0_i32_1 : i32, i32, i32
  }
  func.func @transform_3(%arg0: i32) -> (i32, i32, i32) {
    %c0_i32 = arith.constant 0 : i32
    %c0_i32_0 = arith.constant 0 : i32
    %c0_i32_1 = arith.constant 0 : i32
    %c0_i32_2 = arith.constant 0 : i32
    return %c0_i32, %c0_i32_0, %c0_i32_1 : i32, i32, i32
  }
  func.func @transform_4(%arg0: i32) -> (i32, i32) {
    %c0_i32 = arith.constant 0 : i32
    %c0_i32_0 = arith.constant 0 : i32
    %c0_i32_1 = arith.constant 0 : i32
    return %c0_i32, %c0_i32_0 : i32, i32
  }
  func.func @transform_5(%arg0: i32) -> (i32, i32) {
    %c0_i32 = arith.constant 0 : i32
    %c0_i32_0 = arith.constant 0 : i32
    %c0_i32_1 = arith.constant 0 : i32
    return %c0_i32, %c0_i32_0 : i32, i32
  }
  func.func @transform_6(%arg0: i32) -> (i32, i32) {
    %c0_i32 = arith.constant 0 : i32
    %c0_i32_0 = arith.constant 0 : i32
    %c0_i32_1 = arith.constant 0 : i32
    return %c0_i32, %c0_i32_0 : i32, i32
  }
  func.func @transform_7(%arg0: i32) -> (i32, i32) {
    %c0_i32 = arith.constant 0 : i32
    %c0_i32_0 = arith.constant 0 : i32
    return %arg0, %c0_i32 : i32, i32
  }
  func.func @transform_8(%arg0: i32) -> (i32, i32) {
    %c0_i32 = arith.constant 0 : i32
    %c0_i32_0 = arith.constant 0 : i32
    %c0_i32_1 = arith.constant 0 : i32
    return %c0_i32, %c0_i32_0 : i32, i32
  }
}

module attributes {stable_mosaic.version = 14 : i64} {
  func.func @_final_body(%arg0: i32, %arg1: memref<8x128xf32, #tpu.memory_space<vmem>>, %arg2: memref<1x128xf32, #tpu.memory_space<vmem>>, %arg3: memref<1x128xf32, #tpu.memory_space<vmem>>, %arg4: memref<2000x128xf32, #tpu.memory_space<vmem>>, %arg5: memref<2000x128xf32, #tpu.memory_space<vmem>>, %arg6: memref<2000x128xf32, #tpu.memory_space<vmem>>) attributes {dimension_semantics = [#tpu.dimension_semantics<arbitrary>], iteration_bounds = array<i64: 5>, scalar_prefetch = 0 : i64, scratch_operands = 0 : i64, tpu.core_type = #tpu.core_type<tc>, window_params = [{pipeline_mode = #tpu.pipeline_mode<synchronous>, transform_indices = @transform_0, window_bounds = array<i64: 8, 128>}, {pipeline_mode = #tpu.pipeline_mode<synchronous>, transform_indices = @transform_1, window_bounds = array<i64: 1, 128>}, {pipeline_mode = #tpu.pipeline_mode<synchronous>, transform_indices = @transform_2, window_bounds = array<i64: 1, 128>}, {transform_indices = @transform_3, window_bounds = array<i64: 2000, 128>}, {transform_indices = @transform_4, window_bounds = array<i64: 2000, 128>}, {transform_indices = @transform_5, window_bounds = array<i64: 2000, 128>}]} {
    %get3A = arith.constant 0 : index
    %get3A_0 = arith.constant 0 : index
    %get3A_1 = vector.load %arg1[%get3A, %get3A_0] : memref<8x128xf32, #tpu.memory_space<vmem>>, vector<1x128xf32>
    %div3A = arith.constant 1.000000e+04 : f32
    %div3A_2 = vector.broadcast %div3A : f32 to vector<1x128xf32>
    %div3A_3 = arith.divf %get3A_1, %div3A_2 : vector<1x128xf32>
    %get3A_4 = arith.constant 1 : index
    %get3A_5 = arith.constant 0 : index
    %get3A_6 = vector.load %arg1[%get3A_4, %get3A_5] : memref<8x128xf32, #tpu.memory_space<vmem>>, vector<1x128xf32>
    %div3A_7 = arith.constant 1.000000e+04 : f32
    %div3A_8 = vector.broadcast %div3A_7 : f32 to vector<1x128xf32>
    %div3A_9 = arith.divf %get3A_6, %div3A_8 : vector<1x128xf32>
    %mul3A = arith.mulf %div3A_3, %div3A_3 : vector<1x128xf32>
    %sub3A = arith.subf %div3A_9, %mul3A : vector<1x128xf32>
    %get3A_10 = arith.constant 0 : index
    %get3A_11 = arith.constant 0 : index
    %get3A_12 = vector.load %arg2[%get3A_10, %get3A_11] : memref<1x128xf32, #tpu.memory_space<vmem>>, vector<1x128xf32>
    %add3A = arith.constant 9.99999974E-6 : f32
    %add3A_13 = vector.broadcast %add3A : f32 to vector<1x128xf32>
    %add3A_14 = arith.addf %sub3A, %add3A_13 : vector<1x128xf32>
    %rsqrt3A = math.rsqrt %add3A_14 : vector<1x128xf32>
    %mul3A_15 = arith.mulf %get3A_12, %rsqrt3A : vector<1x128xf32>
    %get3A_16 = arith.constant 0 : index
    %get3A_17 = arith.constant 0 : index
    %get3A_18 = vector.load %arg3[%get3A_16, %get3A_17] : memref<1x128xf32, #tpu.memory_space<vmem>>, vector<1x128xf32>
    %mul3A_19 = arith.mulf %mul3A_15, %div3A_3 : vector<1x128xf32>
    %sub3A_20 = arith.subf %get3A_18, %mul3A_19 : vector<1x128xf32>
    %get3A_21 = arith.constant 0 : index
    %get3A_22 = arith.constant 0 : index
    %get3A_23 = vector.load %arg4[%get3A_21, %get3A_22] : memref<2000x128xf32, #tpu.memory_space<vmem>>, vector<2000x128xf32>
    %mul3A_24 = vector.broadcast %mul3A_15 : vector<1x128xf32> to vector<2000x128xf32>
    %mul3A_25 = arith.mulf %mul3A_24, %get3A_23 : vector<2000x128xf32>
    %add3A_26 = vector.broadcast %sub3A_20 : vector<1x128xf32> to vector<2000x128xf32>
    %add3A_27 = arith.addf %mul3A_25, %add3A_26 : vector<2000x128xf32>
    %get3A_28 = arith.constant 0 : index
    %get3A_29 = arith.constant 0 : index
    %get3A_30 = vector.load %arg5[%get3A_28, %get3A_29] : memref<2000x128xf32, #tpu.memory_space<vmem>>, vector<2000x128xf32>
    %add3A_31 = arith.addf %add3A_27, %get3A_30 : vector<2000x128xf32>
    %swap3A = arith.constant 0 : index
    %swap3A_32 = arith.constant 0 : index
    %swap3A_33 = vector.load %arg6[%swap3A, %swap3A_32] : memref<2000x128xf32, #tpu.memory_space<vmem>>, vector<2000x128xf32>
    tpu.vector_store %arg6[%swap3A, %swap3A_32], %add3A_31 {strides = array<i32>} : memref<2000x128xf32, #tpu.memory_space<vmem>>, vector<2000x128xf32>,
    return
  }
  func.func @transform_0(%arg0: i32) -> (i32, i32) {
    %c0_i32 = arith.constant 0 : i32
    %c0_i32_0 = arith.constant 0 : i32
    %c0_i32_1 = arith.constant 0 : i32
    return %c0_i32, %c0_i32_0 : i32, i32
  }
  func.func @transform_1(%arg0: i32) -> (i32, i32) {
    %c0_i32 = arith.constant 0 : i32
    %c0_i32_0 = arith.constant 0 : i32
    %c0_i32_1 = arith.constant 0 : i32
    return %c0_i32, %c0_i32_0 : i32, i32
  }
  func.func @transform_2(%arg0: i32) -> (i32, i32) {
    %c0_i32 = arith.constant 0 : i32
    %c0_i32_0 = arith.constant 0 : i32
    %c0_i32_1 = arith.constant 0 : i32
    return %c0_i32, %c0_i32_0 : i32, i32
  }
  func.func @transform_3(%arg0: i32) -> (i32, i32) {
    %c0_i32 = arith.constant 0 : i32
    %c0_i32_0 = arith.constant 0 : i32
    return %arg0, %c0_i32 : i32, i32
  }
  func.func @transform_4(%arg0: i32) -> (i32, i32) {
    %c0_i32 = arith.constant 0 : i32
    %c0_i32_0 = arith.constant 0 : i32
    return %arg0, %c0_i32 : i32, i32
  }
  func.func @transform_5(%arg0: i32) -> (i32, i32) {
    %c0_i32 = arith.constant 0 : i32
    %c0_i32_0 = arith.constant 0 : i32
    return %arg0, %c0_i32 : i32, i32
  }
}

</mosaic_0001>

<sc_bundles>
// kernel: kernel.7.cloned.1.call-start
scs
__scs_entry_jumppad:
0x0: {  	(pc) =	sbr.rel $0x88, $3  }
0x1: {  	(tag) =	ssettag $0x0;
	lr =	simm.s32 $0x1  }
0x2: {  	[smem:$0x3F95] =	sst lr;
	_ =	strace $0xD0000000  }
0x3: {  	_ = 	snop  }
0x4: {  	_ = 	snop  }
0x5: {  	_ = 	snop  }
0x6: {  	_ = 	snop  }
0x7: {  	_ = 	snop  }
__scs_overlays_trampoline_lowered:
0x8: {  	[smem:$0x3FA4] =	sst s0  }
0x9: {  	[smem:$0x3FA5] =	sst s1  }
0xa: {  	[smem:$0x3FA6] =	sst s2  }
0xb: {  	[smem:$0x3FA7] =	sst s3  }
0xc: {  	[smem:$0x3FA8] =	sst s4  }
0xd: {  	[smem:$0x3FA9] =	sst s5  }
0xe: {  	[smem:$0x3FAA] =	sst s6  }
0xf: {  	[smem:$0x3FAB] =	sst s7  }
0x10: {  	[smem:$0x3FAC] =	sst s8  }
0x11: {  	[smem:$0x3FAD] =	sst s9;
	s0 =	simm.s32 @!p0 $0x0  }
0x12: {  	s1 =	sld [smem:$0x3F93];
	s0 =	simm.s32 @p0 $0x1  }
0x13: {  	[smem:$0x3FAE] =	sst s0;
	s0 =	simm.s32 @!p1 $0x0  }
0x14: {  	s2 =	sld [smem:$0x3F92];
	s0 =	simm.s32 @p1 $0x1  }
0x15: {  	[smem:$0x3FAF] =	sst s0;
	s0 =	simm.s32 @!p2 $0x0  }
0x16: {  	s3 =	sld [smem:$0x3FDB];
	s0 =	simm.s32 @p2 $0x1  }
0x17: {  	s4 =	simm.s32 $0x1BF5;
	[smem:$0x3FB1] =	sst s0  }
0x18: {  	s0 =	sld [smem:$0x3F94];
	_ =	swait.ge [sflag:s4], $0x0  }
0x19: {  	s7 =	sld [smem:$0x3F95]  }
0x1a: {  	s8 =	sadd.s32 $0xFFFFE003, lr  }
0x1b: {  	s9 =	sadd.s32 $0xFFFFFEF7, lr;
	s5 =	simm.s32 $0xFFFFFFFF;
	p2 =	slt.u32 s8, $0xFFFFF086  }
0x1c: {  	p1 =	slt.u32 s9, $0xF7A;
	s5 =	simm.s32 @!p2 $0x0  }
0x1d: {  	s5 =	simm.s32 @p1 $0x1;
	p0 =	seq.s32 s7, s2  }
0x1e: {  	s7 =	smul.u32 @!p0 $0xF7A, s2;
	p2 =	seq.s32 @!p0 s5, $0x0  }
0x1f: {  	s9 =	smul.u32 $0xF7A, s1;
	s8 =	simm.s32 @!p0 $0x1BF5;
	p2 =	por !p2, p0  }
0x20: {  	[sflag:s8] =	ssyncset.s32 @!p0 $0xFFFFF086;
	s6 =	sadd.s32 @!p0 s3, s7;
	s7 =	simm.s32 @!p0 $0x108  }
0x21: {  	s3 =	sadd.s32 s3, s9;
	s6 =	sadd.s32 @!p0 $0x88, s6;
	s7 =	simm.s32 @p2 $0x1082  }
0x22: {  	[simem:s7], [sflag:s8] =	dma.local @!p0 [hbm:s6], $0xF7A  }
0x23: {  	s9 =	sor.u32 $0xD0000000, s2;
	s6 =	simm.s32 $0x108;
	_ =	swait.ge @!p0 [sflag:s8], $0x0  }
0x24: {  	s3 =	sadd.s32 $0x88, s3;
	s6 =	simm.s32 @!p1 $0x1082;
	[sflag:s4] =	ssyncset.s32 $0xFFFFF086  }
0x25: {  	[simem:s6], [sflag:s4] =	dma.local [hbm:s3], $0xF7A  }
0x26: {  	[smem:$0x3F95] =	sst s1;
	(tag) =	ssettag s2;
	_ =	strace s9  }
0x27: {  	s1 =	sld [smem:$0x3FA5]  }
0x28: {  	s2 =	sld [smem:$0x3FA6]  }
0x29: {  	s4 =	sld [smem:$0x3FA8]  }
0x2a: {  	p0 =	seq.s32 s5, $0x0;
	s5 =	sld [smem:$0x3FA9]  }
0x2b: {  	s6 =	sld [smem:$0x3FAA]  }
0x2c: {  	s7 =	sld [smem:$0x3FAB]  }
0x2d: {  	s3 =	simm.s32 $0x108;
	s8 =	sld [smem:$0x3FAC]  }
0x2e: {  	s3 =	simm.s32 @!p0 $0x1082;
	s9 =	sld [smem:$0x3FAD]  }
0x2f: {  	lr =	sadd.s32 s0, s3;
	s0 =	sld [smem:$0x3FA4]  }
0x30: {  	s3 =	sld [smem:$0x3FA7]  }
0x31: {  	[smem:$0x3FB0] =	sst s10  }
0x32: {  	s10 =	sld [smem:$0x3FAE];
	_ =	sdelay $0x3  }
0x33: {  	p0 =	seq.s32 s10, $0x1;
	s10 =	sld [smem:$0x3FB0];
	_ =	sdelay $0x3  }
0x34: {  	[smem:$0x3FB0] =	sst s10  }
0x35: {  	s10 =	sld [smem:$0x3FAF];
	_ =	sdelay $0x3  }
0x36: {  	p1 =	seq.s32 s10, $0x1;
	s10 =	sld [smem:$0x3FB0];
	_ =	sdelay $0x3  }
0x37: {  	[smem:$0x3FB0] =	sst s10  }
0x38: {  	s10 =	sld [smem:$0x3FB1]  }
0x39: {  	_ = 	snop;
	(pc) =	sbr.ind lr, $3  }
0x3a: {  	_ = 	snop  }
0x3b: {  	_ = 	snop  }
0x3c: {  	p2 =	seq.s32 s10, $0x1;
	s10 =	sld [smem:$0x3FB0]  }
0x3d: {  	_ =	shalt  }
0x3e: {  	_ =	shalt  }
0x3f: {  	_ =	shalt  }
0x40: {  	_ =	shalt  }
0x41: {  	_ =	shalt  }
0x42: {  	_ =	shalt  }
0x43: {  	_ =	shalt  }
0x44: {  	_ =	shalt  }
0x45: {  	_ =	shalt  }
0x46: {  	_ =	shalt  }
0x47: {  	_ =	shalt  }
0x48: {  	_ =	shalt  }
0x49: {  	_ =	shalt  }
0x4a: {  	_ =	shalt  }
0x4b: {  	_ =	shalt  }
0x4c: {  	_ =	shalt  }
0x4d: {  	_ =	shalt  }
0x4e: {  	_ =	shalt  }
0x4f: {  	_ =	shalt  }
0x50: {  	_ =	shalt  }
0x51: {  	_ =	shalt  }
0x52: {  	_ =	shalt  }
0x53: {  	_ =	shalt  }
0x54: {  	_ =	shalt  }
0x55: {  	_ =	shalt  }
0x56: {  	_ =	shalt  }
0x57: {  	_ =	shalt  }
0x58: {  	_ =	shalt  }
0x59: {  	_ =	shalt  }
0x5a: {  	_ =	shalt  }
0x5b: {  	_ =	shalt  }
0x5c: {  	_ =	shalt  }
0x5d: {  	_ =	shalt  }
0x5e: {  	_ =	shalt  }
0x5f: {  	_ =	shalt  }
0x60: {  	_ =	shalt  }
0x61: {  	_ =	shalt  }
0x62: {  	_ =	shalt  }
0x63: {  	_ =	shalt  }
0x64: {  	_ =	shalt  }
0x65: {  	_ =	shalt  }
0x66: {  	_ =	shalt  }
0x67: {  	_ =	shalt  }
0x68: {  	_ =	shalt  }
0x69: {  	_ =	shalt  }
0x6a: {  	_ =	shalt  }
0x6b: {  	_ =	shalt  }
0x6c: {  	_ =	shalt  }
0x6d: {  	_ =	shalt  }
0x6e: {  	_ =	shalt  }
0x6f: {  	_ =	shalt  }
0x70: {  	_ =	shalt  }
0x71: {  	_ =	shalt  }
0x72: {  	_ =	shalt  }
0x73: {  	_ =	shalt  }
0x74: {  	_ =	shalt  }
0x75: {  	_ =	shalt  }
0x76: {  	_ =	shalt  }
0x77: {  	_ =	shalt  }
0x78: {  	_ =	shalt  }
0x79: {  	_ =	shalt  }
0x7a: {  	_ =	shalt  }
0x7b: {  	_ =	shalt  }
0x7c: {  	_ =	shalt  }
0x7d: {  	_ =	shalt  }
0x7e: {  	_ =	shalt  }
0x7f: {  	_ =	shalt  }
0x80: {  	_ =	shalt  }
0x81: {  	_ =	shalt  }
0x82: {  	_ =	shalt  }
0x83: {  	_ =	shalt  }
0x84: {  	_ =	shalt  }
0x85: {  	_ =	shalt  }
0x86: {  	_ =	shalt  }
0x87: {  	_ =	shalt  }
.Lfunc_end0:
.L_simem_size_0:
called_computation_lowered:
.L_overlay_start_0:
0x88: {  	s2 =	sld [smem:$0x3FD9]  }
0x89: {  	s3 =	sld [smem:$0x3FFE];
	_ =	sdelay $0x1  }
0x8a: {  	s1 =	srdreg.scid  }
0x8b: {  	s0 =	sand.u32 $0x1, s1  }
0x8c: {  	s17 =	sshll.u32 s0, $0xA;
	s2 =	sadd.s32 s3, s2  }
0x8d: {  	s2 =	sadd.s32 s2, s17  }
0x8e: {  	[smem:$0x3FBC] =	sst s2  }
0x8f: {  	_ = 	snop  }
0x90: {  	s2 =	sld [smem:$0x3FD0];
	(tm) =	ssettm $0x1  }
0x91: {  	s18 =	sld [smem:$0x3FFB];
	_ =	sdelay $0x3  }
0x92: {  	_ =	strace s18  }
0x93: {  	s3 =	sld [smem:$0x3FFC];
	_ =	sdelay $0x3  }
0x94: {  	_ =	strace s3  }
0x95: {  	s3 =	sld [smem:$0x3FFD];
	_ =	sdelay $0x3  }
0x96: {  	_ =	strace s3  }
0x97: {  	_ =	strace $0x8FFFFFFF  }
0x98: {  	s19 =	sld [smem:$0x3FDB];
	_ =	sdelay $0x1  }
0x99: {  	s4 =	simm.s32 $_scs_section_size  }
0x9a: {  	s5 =	simm.s32 $_size__tile_overlayer_lowered;
	s6 =	simm.s32 $_tile_overlayer_lowered  }
0x9b: {  	s22 =	simm.s32 $0x1BFF;
	s21 =	sshll.u32 s6, $0x1;
	s3 =	sadd.s32 s4, s19  }
0x9c: {  	s7 =	simm.s32 $0x0;
	s20 =	sshll.u32 s5, $0x1;
	s5 =	sadd.s32 s21, s3  }
0x9d: {  	[timem:s7], [sflag:s22] =	dma.local [hbm:s5], s20  }
0x9e: {  	_ =	swait.ge [sflag:s22], s20  }
0x9f: {  	s4 =	ssub.s32 $0x0, s20;
	[sflag:s22] =	ssyncset.done $0x0  }
0xa0: {  	[sflag:s22] =	ssyncadd.s32 s4;
	_ =	sdelay $0x1  }
0xa1: {  	s23 =	simm.s32 $0x1B8B  }
0xa2: {  	_ =	swait.ge [sflag:s23], $0x1  }
0xa3: {  	[sflag:s23] =	ssyncset.done $0x0  }
0xa4: {  	s25 =	simm.s32 $0x1B8E;
	s24 =	sld [smem:$0x3FFE];
	[sflag:s23] =	ssyncadd.s32 $0xFFFFFFFF  }
0xa5: {  	s26 =	simm.s32 $execute0_lowered;
	[smem:$0x3FD2] =	sst s25  }
0xa6: {  	s5 =	sshll.u32 s26, $0x1;
	_ =	strace $0x80000046;
	[dreg:$0x1] =	wrdreg $0xFFFFFFFF  }
0xa7: {  	s28 =	simm.s32 $_size_execute0_lowered;
	s3 =	sadd.s32 s3, s5;
	[dreg:$0x0] =	wrdreg $0x0  }
0xa8: {  	s5 =	sshll.u32 s28, $0x1;
	[dreg:$0x2] =	wrdreg s3  }
0xa9: {  	[dreg:$0x3] =	wrdreg s5  }
0xaa: {  	[dreg:$0x4] =	wrdreg $0xC0  }
0xab: {  	_ =	task [dreg:s7], $0x5FFFF  }
0xac: {  	[dreg:$0x1] =	wrdreg $0xFFFFFFFF  }
0xad: {  	[dreg:$0x0] =	wrdreg $0x60  }
0xae: {  	[dreg:$0x2] =	wrdreg s24  }
0xaf: {  	[dreg:$0x3] =	wrdreg s2  }
0xb0: {  	[dreg:$0x4] =	wrdreg $0xBF400  }
0xb1: {  	[dreg:$0x5] =	wrdreg $0x9  }
0xb2: {  	_ =	task.clear_ibuf [dreg:s7], $0x6FFFF;
	_ =	strace $0x90000046  }
0xb3: {  	s29 =	simm.s32 $0x9;
	_ =	strace $0x80000048  }
0xb4: {  	_ =	swait.ge [sflag:s29], $0x1  }
0xb5: {  	[sflag:s29] =	ssyncadd.s32 $0xFFFFFFFF  }
0xb6: {  	_ =	strace $0x90000048  }
0xb7: {  	_ =	sfence  }
0xb8: {  	s30 =	sld [smem:$0x0];
	_ =	sdelay $0x2  }
0xb9: {  	s31 =	sshll.u32 s1, $0xD;
	s1 =	sshrl.u32 s1, $0x2  }
0xba: {  	s3 =	sand.u32 $0x4000, s31;
	s1 =	sadd.s32 s1, s30  }
0xbb: {  	s0 =	sor.u32 s3, s0;
	s1 =	sshll.u32 s1, $0x11  }
0xbc: {  	s0 =	sor.u32 s1, s0  }
0xbd: {  	s0 =	sadd.s32 $0x8F2B, s0  }
0xbe: {  	[sflag:s0] =	ssyncadd.remote.s32 $0x1  }
0xbf: {  	_ =	sfence.sel $0xFFFF  }
0xc0: {  	[dreg:$0x0] =	wrdreg $0xFFFFFFFF;
	(pc) =	sbr.abs _section_cstart, $3  }
0xc1: {  	[dreg:$0x1] =	wrdreg $0xFFFFFFFF  }
0xc2: {  	_ =	task.clear_ibuf [dreg:s7], $0x2FFFF;
	_ =	strace $0x9FFFFFFF  }
0xc3: {  	(tm) =	ssettm $0x7FFFFFFF  }
tec
execute0_lowered:
.L_overlay_start_1:
0x0: {  	(tag) =	ssettag $0x1  }
0x1: {  	s0 =	rddreg [dreg:$0x0]  }
0x2: {  	s14 =	rddreg [dreg:$0x1]  }
0x3: {  	s1 =	srdreg.scid;
	s11 =	stileid.u32  }
0x4: {  	s3 =	rddreg [dreg:$0x2];
	s4 =	simm.s32 $0x0;
	s5 =	smul.u32 $0x13880, s11  }
0x5: {  	s20 =	simm.s32 $0xF0;
	s31 =	simm.s32 $0x168;
	s6 =	smul.u32 $0x4E400, s11  }
0x6: {  	s28 =	simm.s32 $0x2D0;
	s2 =	sand.u32 $0x1, s1;
	s9 =	smul.u32 $0x4EC0, s11  }
0x7: {  	s29 =	simm.s32 $0x870;
	[smem:$0x7FF] =	sst s4;
	s1 =	smul.u32 $0x138800, s2  }
0x8: {  	_ =	strace $0x80000047;
	s7 =	smul.u32 $0x4EC00, s2;
	s2 =	ssub.s32 $0x2, s2  }
0x9: {  	[dreg:$0x6] =	wrdreg s20;
	s20 =	simm.s32 $0x4B0;
	s10 =	sshrl.u32 s2, $0x1  }
0xa: {  	s6 =	sshrl.u32 s6, $0x2;
	s25 =	sshrl.u32 s9, $0x3;
	s26 =	sadd.s32 $0x168, s9  }
0xb: {  	s21 =	sadd.s32 $0x438, s9;
	[dreg:$0x11] =	wrdreg s20;
	s1 =	sadd.s32 s5, s1  }
0xc: {  	s5 =	sadd.s32 $0xCE00, s0;
	s2 =	ssub.s32 s2, s10;
	s12 =	sadd.s32 s6, s3  }
0xd: {  	s10 =	sshrl.u32 s26, $0x3;
	s26 =	simm.s32 $0x258;
	s8 =	sshrl.u32 s1, $0x3  }
0xe: {  	s1 =	sadd.s32 $0x3000, s0;
	s23 =	sadd.s32 $0x12C00, s12;
	[dreg:$0xa] =	wrdreg s26  }
0xf: {  	s2 =	smax.u32 s2, $0x1;
	[dreg:$0x15] =	wrdreg s12;
	s8 =	sadd.s32 s8, s0  }
0x10: {  	s0 =	sadd.s32 s9, s7;
	[dreg:$0x16] =	wrdreg s23;
	s7 =	sadd.s32 s1, s25  }
0x11: {  	s23 =	simm.s32 $0x690;
	s25 =	smul.u32 $0x4E200, s11;
	[dreg:$0x1f] =	wrdreg s2  }
0x12: {  	s9 =	simm.s32 $0x7F8;
	s2 =	simm.s32 $0x0;
	[dreg:$0x18] =	wrdreg s7  }
0x13: {  	s22 =	sshrl.u32 s0, $0x3;
	s24 =	sadd.s32 $0x168, s0;
	[dreg:$0x8] =	wrdreg s23  }
0x14: {  	s16 =	sadd.s32 $0x708, s0;
	s7 =	sadd.s32 $0x5A, s7;
	[dreg:$0xc] =	wrdreg s9  }
0x15: {  	s17 =	sadd.s32 $0x870, s0;
	s8 =	sadd.s32 $0x5B000, s8;
	[dreg:$0x1c] =	wrdreg s7  }
0x16: {  	s18 =	sadd.s32 $0x438, s0;
	s23 =	simm.s32 $0xA50;
	[dreg:$0x1e] =	wrdreg s8  }
0x17: {  	s0 =	sadd.s32 $0x5A0, s0;
	s9 =	simm.s32 $0x1;
	[dreg:$0x13] =	wrdreg s23  }
0x18: {  	s13 =	sadd.s32 s14, s22;
	s6 =	sshrl.u32 s24, $0x3;
	[smem:$0x7FC] =	sst s0  }
0x19: {  	s7 =	sshrl.u32 s17, $0x3;
	s22 =	simm.s32 $0x618;
	[dreg:$0x17] =	wrdreg s13  }
0x1a: {  	s24 =	simm.s32 $0x1E0;
	s8 =	simm.s32 $0x780;
	[dreg:$0x7] =	wrdreg s22  }
0x1b: {  	s17 =	sadd.s32 $0x7800, s12;
	s23 =	simm.s32 $0xD;
	[dreg:$0x9] =	wrdreg s24  }
0x1c: {  	s6 =	sadd.s32 s14, s6;
	s15 =	sadd.s32 $0x5A, s13;
	[dreg:$0xb] =	wrdreg s8  }
0x1d: {  	s19 =	sadd.s32 s7, s14;
	s7 =	sshrl.u32 s21, $0x3;
	[smem:$0x7F9] =	sst s17  }
0x1e: {  	s13 =	simm.s32 $0x3C0;
	s21 =	sadd.s32 $0xB400, s12;
	[dreg:$0x19] =	wrdreg s6  }
0x1f: {  	s22 =	simm.s32 $0x528;
	s24 =	sadd.s32 $0xF000, s12;
	[dreg:$0x1b] =	wrdreg s15  }
0x20: {  	s8 =	simm.s32 $0x8340;
	s17 =	simm.s32 $0x4;
	[dreg:$0x5] =	wrdreg s19  }
0x21: {  	s6 =	sadd.s32 s1, s10;
	s10 =	sshrl.u32 s18, $0x3;
	[dreg:$0xe] =	wrdreg s13  }
0x22: {  	s7 =	sadd.s32 s1, s7;
	s15 =	sadd.s32 $0x3C00, s12;
	[smem:$0x7FA] =	sst s21  }
0x23: {  	s18 =	simm.s32 $0x960;
	s19 =	smul.u32 $0x9D8, s11;
	[dreg:$0x12] =	wrdreg s22  }
0x24: {  	[smem:$0x7FB] =	sst s24;
	s24 =	simm.s32 $0xB40;
	s12 =	simm.s32 $0x78  }
0x25: {  	s13 =	simm.s32 $0x4740;
	s22 =	simm.s32 $0x8;
	[dreg:$0x1a] =	wrdreg s6  }
0x26: {  	s6 =	sshrl.u32 s16, $0x3;
	s30 =	sadd.s32 s14, s10;
	[dreg:$0x1d] =	wrdreg s7  }
0x27: {  	s7 =	sshrl.u32 s25, $0x2;
	s10 =	simm.s32 $0x348;
	[smem:$0x7F8] =	sst s15  }
0x28: {  	s16 =	simm.s32 $0x8E8;
	[dreg:$0x10] =	wrdreg s18;
	s25 =	simm.s32 $0xAC8  }
0x29: {  	s15 =	simm.s32 $0x2;
	s18 =	simm.s32 $0x5;
	[dreg:$0xd] =	wrdreg s10  }
0x2a: {  	s6 =	sadd.s32 s6, s14;
	s7 =	sadd.s32 s7, s3;
	[dreg:$0xf] =	wrdreg s16  }
0x2b: {  	s21 =	sadd.s32 s19, s1;
	[dreg:$0x14] =	wrdreg s25;
	s1 =	simm.s32 $0xF  }
0x2c: {  	s10 =	simm.s32 $0x708;
	s16 =	simm.s32 $0x3;
	s19 =	simm.s32 $0x6  }
0x2d: {  	s25 =	simm.s32 $0xC;
	[dreg:$0x4] =	wrdreg s6;
	s26 =	sshrl.u32 s7, $0x3  }
0x2e: {  	v0 =	vimm.f32 $0.0e+00;
	s7 =	simm.s32 $0x5A0;
	s6 =	simm.s32 $0x9;
	[smem:$0x7FD] =	sst s26  }
.LBB2_1:
0x2f: {  	[smem:$0x7F7] =	sst s2;
	s0 =	simm.s32 $0x0;
	s2 =	simm.s32 $0x200  }
.LBB2_2:
0x30: {  	p0 =	sne.s32 s2, $0xEE00;
	[tilespmem:s0+$0xBB0] =	vst v0  }
0x31: {  	[tilespmem:s0+$0xB40] =	vst v0  }
0x32: {  	[tilespmem:s0+$0xB50] =	vst v0  }
.Ltmp0:
0x33: {  	[tilespmem:s0+$0xB60] =	vst v0;
	(pc) =	sbr.rel @p0 .LBB2_2-.Ltmp0, $4  }
0x34: {  	[tilespmem:s0+$0xB70] =	vst v0  }
0x35: {  	[tilespmem:s0+$0xB80] =	vst v0  }
0x36: {  	[tilespmem:s0+$0xB90] =	vst v0  }
0x37: {  	[tilespmem:s0+$0xBA0] =	vst v0;
	s0 =	sshra.s32 s2, $0x2;
	s2 =	sadd.s32 $0x200, s2  }
0x38: {  	[tilespmem:s0+$0xBB0] =	vst v0  }
0x39: {  	[tilespmem:s0+$0xB40] =	vst v0  }
0x3a: {  	[tilespmem:s0+$0xB50] =	vst v0  }
0x3b: {  	[tilespmem:s0+$0xB60] =	vst v0  }
0x3c: {  	[tilespmem:s0+$0xB70] =	vst v0  }
0x3d: {  	[tilespmem:s0+$0xB80] =	vst v0  }
0x3e: {  	[tilespmem:s0+$0xB90] =	vst v0  }
0x3f: {  	[tilespmem:s0+$0xBA0] =	vst v0;
	s26 =	rddreg [dreg:$0x15]  }
0x40: {  	[spmem:s26] =	stream.linear.scatter [tilespmem:s24], [sflag:$0xF], $0x3C00, $0x38;
	[tilespmem:$0x1F840] =	vst v63  }
0x41: {  	_ =	swait.ge [sflag:s1], $0x3C00  }
0x42: {  	s2 =	sld [smem:$0x7F8]  }
0x43: {  	[sflag:s1] =	ssyncset.done $0x0  }
0x44: {  	[sflag:s1] =	ssyncadd.s32 $0xFFFFC400  }
0x45: {  	[spmem:s2] =	stream.linear.scatter [tilespmem:s24], [sflag:$0xF], $0x3C00, $0x38;
	[tilespmem:$0x1F840] =	vst v63  }
0x46: {  	_ =	swait.ge [sflag:s1], $0x3C00  }
0x47: {  	s11 =	sld [smem:$0x7F9]  }
0x48: {  	[sflag:s1] =	ssyncset.done $0x0  }
0x49: {  	[sflag:s1] =	ssyncadd.s32 $0xFFFFC400  }
0x4a: {  	[spmem:s11] =	stream.linear.scatter [tilespmem:s24], [sflag:$0xF], $0x3C00, $0x38;
	[tilespmem:$0x1F840] =	vst v63  }
0x4b: {  	_ =	swait.ge [sflag:s1], $0x3C00  }
0x4c: {  	s20 =	sld [smem:$0x7FA]  }
0x4d: {  	[sflag:s1] =	ssyncset.done $0x0  }
0x4e: {  	[sflag:s1] =	ssyncadd.s32 $0xFFFFC400  }
0x4f: {  	[spmem:s20] =	stream.linear.scatter [tilespmem:s24], [sflag:$0xF], $0x3C00, $0x38;
	[tilespmem:$0x1F840] =	vst v63  }
0x50: {  	_ =	swait.ge [sflag:s1], $0x3C00  }
0x51: {  	s26 =	sld [smem:$0x7FB]  }
0x52: {  	[sflag:s1] =	ssyncset.done $0x0  }
0x53: {  	[sflag:s1] =	ssyncadd.s32 $0xFFFFC400  }
0x54: {  	[spmem:s26] =	stream.linear.scatter [tilespmem:s24], [sflag:$0xF], $0x3C00, $0x38;
	[tilespmem:$0x1F840] =	vst v63  }
0x55: {  	_ =	swait.ge [sflag:s1], $0x3C00  }
0x56: {  	[sflag:s1] =	ssyncset.done $0x0  }
0x57: {  	s2 =	rddreg [dreg:$0x16];
	[sflag:s1] =	ssyncadd.s32 $0xFFFFC400  }
0x58: {  	[spmem:s2] =	stream.linear.scatter [tilespmem:s24], [sflag:$0xF], $0xD00, $0x38;
	[tilespmem:$0x1F840] =	vst v63  }
0x59: {  	_ =	swait.ge [sflag:s1], $0xD00  }
0x5a: {  	[sflag:s1] =	ssyncset.done $0x0  }
0x5b: {  	[sflag:s1] =	ssyncadd.s32 $0xFFFFF300  }
0x5c: {  	[bflag:$0x0] =	sbarrier.arrive $0xFFFF  }
0x5d: {  	s0 =	simm.s32 $0x0;
	s11 =	rddreg [dreg:$0x17]  }
0x5e: {  	[tilespmem:s0], [sflag:$0x7] =	stream.linear.gather [hbm4b:s11+s0], $0x168, $0x38;
	[tilespmem:$0x1F840] =	vst v63  }
0x5f: {  	s20 =	rddreg [dreg:$0x18]  }
0x60: {  	[tilespmem:s7], [sflag:$0xB] =	stream.linear.gather [hbm4b:s20+s0], $0x168, $0x38;
	[tilespmem:$0x1F840] =	vst v63  }
0x61: {  	s26 =	rddreg [dreg:$0x19]  }
0x62: {  	[tilespmem:s31], [sflag:$0x8] =	stream.linear.gather [hbm4b:s26+s0], $0x168, $0x38;
	[tilespmem:$0x1F840] =	vst v63  }
0x63: {  	s2 =	rddreg [dreg:$0x1a]  }
0x64: {  	[tilespmem:s10], [sflag:$0xC] =	stream.linear.gather [hbm4b:s2+s0], $0x168, $0x38;
	[tilespmem:$0x1F840] =	vst v63  }
0x65: {  	s11 =	rddreg [dreg:$0x1b]  }
0x66: {  	[tilespmem:s28], [sflag:$0x9] =	stream.linear.gather [hbm4b:s11+s0], $0x168, $0x38;
	[tilespmem:$0x1F840] =	vst v63  }
0x67: {  	s20 =	rddreg [dreg:$0x1c]  }
0x68: {  	[tilespmem:s29], [sflag:$0xD] =	stream.linear.gather [hbm4b:s20+s0], $0x168, $0x38;
	[tilespmem:$0x1F840] =	vst v63  }
0x69: {  	s20 =	simm.s32 $0x438  }
0x6a: {  	[tilespmem:s20], [sflag:$0xA] =	stream.linear.gather [hbm4b:s30+s0], $0x168, $0x38;
	[tilespmem:$0x1F840] =	vst v63  }
0x6b: {  	s26 =	rddreg [dreg:$0x1d];
	s2 =	simm.s32 $0x9D8;
	s29 =	simm.s32 $0x7  }
0x6c: {  	[tilespmem:s2], [sflag:$0xE] =	stream.linear.gather [hbm4b:s26+s0], $0x168, $0x38;
	[tilespmem:$0x1F840] =	vst v63  }
0x6d: {  	_ =	swait.ge [sflag:s29], $0x168  }
0x6e: {  	[sflag:s29] =	ssyncset.done $0x0  }
0x6f: {  	s2 =	simm.s32 $0xB;
	[sflag:s29] =	ssyncadd.s32 $0xFFFFFE98  }
0x70: {  	_ =	swait.ge [sflag:s2], $0x168  }
0x71: {  	[sflag:s2] =	ssyncset.done $0x0  }
0x72: {  	[sflag:s2] =	ssyncadd.s32 $0xFFFFFE98  }
0x73: {  	[tilespmem:s24], [sflag:$0x1] =	stream.indirect.gather [hbm4b:s5+s12], $0x80, s4, s12, $0xb8;
	[tilespmem:$0x1F840] =	vst v63  }
0x74: {  	_ = 	snop  }
0x75: {  	[tilespmem:s13], [sflag:$0x2] =	stream.indirect.gather [hbm4b:s5+s12], $0x80, s12, s12, $0xb8;
	[tilespmem:$0x1F840] =	vst v63  }
0x76: {  	s11 =	rddreg [dreg:$0x6]  }
0x77: {  	[tilespmem:s8], [sflag:$0x3] =	stream.indirect.gather [hbm4b:s5+s12], $0x80, s11, s12, $0xb8;
	[tilespmem:$0x1F840] =	vst v63  }
0x78: {  	s26 =	sadd.s32 $0x0, s30;
	s29 =	sadd.s32 $0x0, s21  }
0x79: {  	[tilespmem:s20], [sflag:$0xA] =	stream.linear.gather [hbm4b:s26+s4], $0x168, $0x38;
	[tilespmem:$0x1F840] =	vst v63  }
0x7a: {  	s1 =	simm.s32 $0x9D8;
	s2 =	sadd.s32 $0x87, s29  }
0x7b: {  	[tilespmem:s1], [sflag:$0xE] =	stream.linear.gather [hbm4b:s2+s4], $0x168, $0x38;
	[tilespmem:$0x1F840] =	vst v63  }
0x7c: {  	_ =	swait.ge [sflag:s9], $0x3C00  }
0x7d: {  	[sflag:s9] =	ssyncset.done $0x0  }
0x7e: {  	[sflag:s9] =	ssyncadd.s32 $0xFFFFC400  }
0x7f: {  	[spmem:s3] =	stream.indirect.scatter.add.f32 [tilespmem:s24], [sflag:$0x4], $0x80, s7, s12, $0xb8;
	[tilespmem:$0x1F840] =	vst v63  }
0x80: {  	_ =	swait.ge [sflag:s15], $0x3C00  }
0x81: {  	[sflag:s15] =	ssyncset.done $0x0  }
0x82: {  	s11 =	rddreg [dreg:$0x7];
	[sflag:s15] =	ssyncadd.s32 $0xFFFFC400  }
0x83: {  	[spmem:s3] =	stream.indirect.scatter.add.f32 [tilespmem:s13], [sflag:$0x5], $0x80, s11, s12, $0xb8;
	[tilespmem:$0x1F840] =	vst v63  }
0x84: {  	_ =	swait.ge [sflag:s16], $0x3C00  }
0x85: {  	[sflag:s16] =	ssyncset.done $0x0  }
0x86: {  	s26 =	rddreg [dreg:$0x8];
	[sflag:s16] =	ssyncadd.s32 $0xFFFFC400  }
0x87: {  	[spmem:s3] =	stream.indirect.scatter.add.f32 [tilespmem:s8], [sflag:$0x6], $0x80, s26, s12, $0xb8;
	[tilespmem:$0x1F840] =	vst v63  }
0x88: {  	_ =	swait.ge [sflag:s17], $0x3C00  }
0x89: {  	[sflag:s17] =	ssyncset.done $0x0  }
0x8a: {  	[sflag:s17] =	ssyncadd.s32 $0xFFFFC400  }
0x8b: {  	_ =	swait.ge [sflag:s18], $0x3C00  }
0x8c: {  	[sflag:s18] =	ssyncset.done $0x0  }
0x8d: {  	[sflag:s18] =	ssyncadd.s32 $0xFFFFC400  }
0x8e: {  	_ =	swait.ge [sflag:s19], $0x3C00  }
0x8f: {  	[sflag:s19] =	ssyncset.done $0x0  }
0x90: {  	[sflag:s19] =	ssyncadd.s32 $0xFFFFC400  }
0x91: {  	_ =	swait.ge [sflag:s22], $0x168  }
0x92: {  	[sflag:s22] =	ssyncset.done $0x0  }
0x93: {  	[sflag:s22] =	ssyncadd.s32 $0xFFFFFE98  }
0x94: {  	_ =	swait.ge [sflag:s25], $0x168  }
0x95: {  	[sflag:s25] =	ssyncset.done $0x0  }
0x96: {  	[sflag:s25] =	ssyncadd.s32 $0xFFFFFE98  }
0x97: {  	[tilespmem:s24], [sflag:$0x1] =	stream.indirect.gather [hbm4b:s5+s12], $0x80, s31, s12, $0xb8;
	[tilespmem:$0x1F840] =	vst v63  }
0x98: {  	s29 =	rddreg [dreg:$0x9]  }
0x99: {  	[tilespmem:s13], [sflag:$0x2] =	stream.indirect.gather [hbm4b:s5+s12], $0x80, s29, s12, $0xb8;
	[tilespmem:$0x1F840] =	vst v63  }
0x9a: {  	s1 =	rddreg [dreg:$0xa]  }
0x9b: {  	[tilespmem:s8], [sflag:$0x3] =	stream.indirect.gather [hbm4b:s5+s12], $0x80, s1, s12, $0xb8;
	[tilespmem:$0x1F840] =	vst v63  }
0x9c: {  	s1 =	sld [smem:$0x7FC];
	_ =	sdelay $0x1  }
0x9d: {  	p0 =	por $0x0, $0x0  }
0x9e: {  	s0 =	sshrl.u32 @!p0 s1, $0x3  }
0x9f: {  	s28 =	sadd.s32 @!p0 $0x0, s21;
	s2 =	simm.s32 @!p0 $0x0;
	s0 =	sadd.s32 @!p0 s14, s0  }
0xa0: {  	[tilespmem:s2], [sflag:$0x7] =	stream.linear.gather @!p0 [hbm4b:s0+s2], $0x168, $0x38;
	[tilespmem:$0x1F840] =	vst v63  }
0xa1: {  	s29 =	simm.s32 @!p0 $0x5A0;
	s0 =	sadd.s32 @!p0 $0xB4, s28  }
0xa2: {  	[tilespmem:s29], [sflag:$0xB] =	stream.linear.gather @!p0 [hbm4b:s0+s2], $0x168, $0x38;
	[tilespmem:$0x1F840] =	vst v63  }
0xa3: {  	_ =	swait.ge [sflag:s9], $0x3C00  }
0xa4: {  	[sflag:s9] =	ssyncset.done $0x0  }
0xa5: {  	[sflag:s9] =	ssyncadd.s32 $0xFFFFC400  }
0xa6: {  	[spmem:s3] =	stream.indirect.scatter.add.f32 [tilespmem:s24], [sflag:$0x4], $0x80, s10, s12, $0xb8;
	[tilespmem:$0x1F840] =	vst v63  }
0xa7: {  	_ =	swait.ge [sflag:s15], $0x3C00  }
0xa8: {  	[sflag:s15] =	ssyncset.done $0x0  }
0xa9: {  	s10 =	rddreg [dreg:$0xb];
	[sflag:s15] =	ssyncadd.s32 $0xFFFFC400  }
0xaa: {  	[spmem:s3] =	stream.indirect.scatter.add.f32 [tilespmem:s13], [sflag:$0x5], $0x80, s10, s12, $0xb8;
	[tilespmem:$0x1F840] =	vst v63  }
0xab: {  	_ =	swait.ge [sflag:s16], $0x3C00  }
0xac: {  	[sflag:s16] =	ssyncset.done $0x0  }
0xad: {  	s29 =	rddreg [dreg:$0xc];
	[sflag:s16] =	ssyncadd.s32 $0xFFFFC400  }
0xae: {  	[spmem:s3] =	stream.indirect.scatter.add.f32 [tilespmem:s8], [sflag:$0x6], $0x80, s29, s12, $0xb8;
	[tilespmem:$0x1F840] =	vst v63  }
0xaf: {  	_ =	swait.ge [sflag:s17], $0x3C00  }
0xb0: {  	[sflag:s17] =	ssyncset.done $0x0  }
0xb1: {  	[sflag:s17] =	ssyncadd.s32 $0xFFFFC400  }
0xb2: {  	_ =	swait.ge [sflag:s18], $0x3C00  }
0xb3: {  	[sflag:s18] =	ssyncset.done $0x0  }
0xb4: {  	[sflag:s18] =	ssyncadd.s32 $0xFFFFC400  }
0xb5: {  	_ =	swait.ge [sflag:s19], $0x3C00  }
0xb6: {  	[sflag:s19] =	ssyncset.done $0x0  }
0xb7: {  	[sflag:s19] =	ssyncadd.s32 $0xFFFFC400  }
0xb8: {  	_ =	swait.ge [sflag:s6], $0x168  }
0xb9: {  	[sflag:s6] =	ssyncset.done $0x0  }
0xba: {  	[sflag:s6] =	ssyncadd.s32 $0xFFFFFE98  }
0xbb: {  	_ =	swait.ge [sflag:s23], $0x168  }
0xbc: {  	[sflag:s23] =	ssyncset.done $0x0  }
0xbd: {  	s11 =	simm.s32 $0x2D0;
	s10 =	rddreg [dreg:$0xd];
	[sflag:s23] =	ssyncadd.s32 $0xFFFFFE98  }
0xbe: {  	[tilespmem:s24], [sflag:$0x1] =	stream.indirect.gather [hbm4b:s5+s12], $0x80, s11, s12, $0xb8;
	[tilespmem:$0x1F840] =	vst v63  }
0xbf: {  	s0 =	rddreg [dreg:$0x4]  }
0xc0: {  	[tilespmem:s13], [sflag:$0x2] =	stream.indirect.gather [hbm4b:s5+s12], $0x80, s10, s12, $0xb8;
	[tilespmem:$0x1F840] =	vst v63  }
0xc1: {  	s11 =	rddreg [dreg:$0xe]  }
0xc2: {  	[tilespmem:s8], [sflag:$0x3] =	stream.indirect.gather [hbm4b:s5+s12], $0x80, s11, s12, $0xb8;
	[tilespmem:$0x1F840] =	vst v63  }
0xc3: {  	s29 =	simm.s32 @!p0 $0x168;
	s0 =	sadd.s32 @!p0 $0x0, s0  }
0xc4: {  	[tilespmem:s29], [sflag:$0x8] =	stream.linear.gather @!p0 [hbm4b:s0+s2], $0x168, $0x38;
	[tilespmem:$0x1F840] =	vst v63  }
0xc5: {  	s0 =	sadd.s32 @!p0 $0xE1, s28;
	s29 =	simm.s32 @!p0 $0x708  }
0xc6: {  	[tilespmem:s29], [sflag:$0xC] =	stream.linear.gather @!p0 [hbm4b:s0+s2], $0x168, $0x38;
	[tilespmem:$0x1F840] =	vst v63  }
0xc7: {  	_ =	swait.ge [sflag:s9], $0x3C00  }
0xc8: {  	[sflag:s9] =	ssyncset.done $0x0  }
0xc9: {  	s26 =	simm.s32 $0x870;
	[sflag:s9] =	ssyncadd.s32 $0xFFFFC400  }
0xca: {  	[spmem:s3] =	stream.indirect.scatter.add.f32 [tilespmem:s24], [sflag:$0x4], $0x80, s26, s12, $0xb8;
	[tilespmem:$0x1F840] =	vst v63  }
0xcb: {  	_ =	swait.ge [sflag:s15], $0x3C00  }
0xcc: {  	[sflag:s15] =	ssyncset.done $0x0  }
0xcd: {  	s26 =	rddreg [dreg:$0xf];
	[sflag:s15] =	ssyncadd.s32 $0xFFFFC400  }
0xce: {  	[spmem:s3] =	stream.indirect.scatter.add.f32 [tilespmem:s13], [sflag:$0x5], $0x80, s26, s12, $0xb8;
	[tilespmem:$0x1F840] =	vst v63  }
0xcf: {  	_ =	swait.ge [sflag:s16], $0x3C00  }
0xd0: {  	[sflag:s16] =	ssyncset.done $0x0  }
0xd1: {  	s29 =	rddreg [dreg:$0x10];
	[sflag:s16] =	ssyncadd.s32 $0xFFFFC400  }
0xd2: {  	[spmem:s3] =	stream.indirect.scatter.add.f32 [tilespmem:s8], [sflag:$0x6], $0x80, s29, s12, $0xb8;
	[tilespmem:$0x1F840] =	vst v63  }
0xd3: {  	_ =	swait.ge [sflag:s17], $0x3C00  }
0xd4: {  	[sflag:s17] =	ssyncset.done $0x0  }
0xd5: {  	[sflag:s17] =	ssyncadd.s32 $0xFFFFC400  }
0xd6: {  	_ =	swait.ge [sflag:s18], $0x3C00  }
0xd7: {  	[sflag:s18] =	ssyncset.done $0x0  }
0xd8: {  	[sflag:s18] =	ssyncadd.s32 $0xFFFFC400  }
0xd9: {  	_ =	swait.ge [sflag:s19], $0x3C00  }
0xda: {  	[sflag:s19] =	ssyncset.done $0x0  }
0xdb: {  	s26 =	simm.s32 $0xA;
	[sflag:s19] =	ssyncadd.s32 $0xFFFFC400  }
0xdc: {  	_ =	swait.ge [sflag:s26], $0x168  }
0xdd: {  	[sflag:s26] =	ssyncset.done $0x0  }
0xde: {  	s11 =	simm.s32 $0xE;
	[sflag:s26] =	ssyncadd.s32 $0xFFFFFE98  }
0xdf: {  	_ =	swait.ge [sflag:s11], $0x168  }
0xe0: {  	[sflag:s11] =	ssyncset.done $0x0  }
0xe1: {  	s10 =	rddreg [dreg:$0x11];
	[sflag:s11] =	ssyncadd.s32 $0xFFFFFE98  }
0xe2: {  	[tilespmem:s24], [sflag:$0x1] =	stream.indirect.gather [hbm4b:s5+s12], $0x80, s20, s12, $0xb8;
	[tilespmem:$0x1F840] =	vst v63  }
0xe3: {  	s0 =	rddreg [dreg:$0x5]  }
0xe4: {  	[tilespmem:s13], [sflag:$0x2] =	stream.indirect.gather [hbm4b:s5+s12], $0x80, s10, s12, $0xb8;
	[tilespmem:$0x1F840] =	vst v63  }
0xe5: {  	s20 =	rddreg [dreg:$0x12]  }
0xe6: {  	[tilespmem:s8], [sflag:$0x3] =	stream.indirect.gather [hbm4b:s5+s12], $0x80, s20, s12, $0xb8;
	[tilespmem:$0x1F840] =	vst v63  }
0xe7: {  	s29 =	simm.s32 @!p0 $0x2D0;
	s0 =	sadd.s32 @!p0 $0x0, s0  }
0xe8: {  	[tilespmem:s29], [sflag:$0x9] =	stream.linear.gather @!p0 [hbm4b:s0+s2], $0x168, $0x38;
	[tilespmem:$0x1F840] =	vst v63  }
0xe9: {  	s0 =	sadd.s32 @!p0 $0x10E, s28;
	s28 =	simm.s32 @!p0 $0x870  }
0xea: {  	[tilespmem:s28], [sflag:$0xD] =	stream.linear.gather @!p0 [hbm4b:s0+s2], $0x168, $0x38;
	[tilespmem:$0x1F840] =	vst v63  }
0xeb: {  	_ =	swait.ge [sflag:s9], $0x3C00  }
0xec: {  	[sflag:s9] =	ssyncset.done $0x0  }
0xed: {  	s10 =	simm.s32 $0x9D8;
	[sflag:s9] =	ssyncadd.s32 $0xFFFFC400  }
0xee: {  	[spmem:s3] =	stream.indirect.scatter.add.f32 [tilespmem:s24], [sflag:$0x4], $0x80, s10, s12, $0xb8;
	[tilespmem:$0x1F840] =	vst v63  }
0xef: {  	_ =	swait.ge [sflag:s15], $0x3C00  }
0xf0: {  	[sflag:s15] =	ssyncset.done $0x0  }
0xf1: {  	s20 =	rddreg [dreg:$0x13];
	[sflag:s15] =	ssyncadd.s32 $0xFFFFC400  }
0xf2: {  	[spmem:s3] =	stream.indirect.scatter.add.f32 [tilespmem:s13], [sflag:$0x5], $0x80, s20, s12, $0xb8;
	[tilespmem:$0x1F840] =	vst v63  }
0xf3: {  	_ =	swait.ge [sflag:s16], $0x3C00  }
0xf4: {  	[sflag:s16] =	ssyncset.done $0x0  }
0xf5: {  	s29 =	rddreg [dreg:$0x14];
	[sflag:s16] =	ssyncadd.s32 $0xFFFFC400  }
0xf6: {  	[spmem:s3] =	stream.indirect.scatter.add.f32 [tilespmem:s8], [sflag:$0x6], $0x80, s29, s12, $0xb8;
	[tilespmem:$0x1F840] =	vst v63  }
0xf7: {  	_ =	swait.ge [sflag:s17], $0x3C00  }
0xf8: {  	[sflag:s17] =	ssyncset.done $0x0  }
0xf9: {  	[sflag:s17] =	ssyncadd.s32 $0xFFFFC400  }
0xfa: {  	_ =	swait.ge [sflag:s18], $0x3C00  }
0xfb: {  	[sflag:s18] =	ssyncset.done $0x0  }
0xfc: {  	s2 =	simm.s32 $0xB4;
	[sflag:s18] =	ssyncadd.s32 $0xFFFFC400  }
0xfd: {  	s28 =	smov.u32 s1;
	s1 =	simm.s32 $0x9D8;
	_ =	swait.ge [sflag:s19], $0x3C00  }
.LBB2_4:
0xfe: {  	[sflag:s19] =	ssyncset.done $0x0  }
0xff: {  	s0 =	simm.s32 $0x7;
	[sflag:s19] =	ssyncadd.s32 $0xFFFFC400  }
0x100: {  	_ =	swait.ge [sflag:s0], $0x168  }
0x101: {  	[sflag:s0] =	ssyncset.done $0x0  }
0x102: {  	s10 =	simm.s32 $0xB;
	[sflag:s0] =	ssyncadd.s32 $0xFFFFFE98  }
0x103: {  	_ =	swait.ge [sflag:s10], $0x168  }
0x104: {  	[sflag:s10] =	ssyncset.done $0x0  }
0x105: {  	[sflag:s10] =	ssyncadd.s32 $0xFFFFFE98  }
0x106: {  	[tilespmem:s24], [sflag:$0x1] =	stream.indirect.gather [hbm4b:s5+s12], $0x80, s4, s12, $0xb8;
	[tilespmem:$0x1F840] =	vst v63  }
0x107: {  	s29 =	smov.u32 s2  }
0x108: {  	[tilespmem:s13], [sflag:$0x2] =	stream.indirect.gather [hbm4b:s5+s12], $0x80, s12, s12, $0xb8;
	[tilespmem:$0x1F840] =	vst v63  }
0x109: {  	s0 =	sadd.s32 s29, s30;
	s20 =	rddreg [dreg:$0x6]  }
0x10a: {  	[tilespmem:s8], [sflag:$0x3] =	stream.indirect.gather [hbm4b:s5+s12], $0x80, s20, s12, $0xb8;
	[tilespmem:$0x1F840] =	vst v63  }
0x10b: {  	s10 =	smov.u32 s30;
	s30 =	sadd.s32 s29, s21;
	s20 =	simm.s32 $0x438  }
0x10c: {  	[tilespmem:s20], [sflag:$0xA] =	stream.linear.gather [hbm4b:s0+s4], $0x168, $0x38;
	[tilespmem:$0x1F840] =	vst v63  }
0x10d: {  	s0 =	sadd.s32 $0x87, s30  }
0x10e: {  	[tilespmem:s1], [sflag:$0xE] =	stream.linear.gather [hbm4b:s0+s4], $0x168, $0x38;
	[tilespmem:$0x1F840] =	vst v63  }
0x10f: {  	_ =	swait.ge [sflag:s9], $0x3C00  }
0x110: {  	[sflag:s9] =	ssyncset.done $0x0  }
0x111: {  	[sflag:s9] =	ssyncadd.s32 $0xFFFFC400  }
0x112: {  	[spmem:s3] =	stream.indirect.scatter.add.f32 [tilespmem:s24], [sflag:$0x4], $0x80, s7, s12, $0xb8;
	[tilespmem:$0x1F840] =	vst v63  }
0x113: {  	_ =	swait.ge [sflag:s15], $0x3C00  }
0x114: {  	[sflag:s15] =	ssyncset.done $0x0  }
0x115: {  	s1 =	rddreg [dreg:$0x7];
	[sflag:s15] =	ssyncadd.s32 $0xFFFFC400  }
0x116: {  	[spmem:s3] =	stream.indirect.scatter.add.f32 [tilespmem:s13], [sflag:$0x5], $0x80, s1, s12, $0xb8;
	[tilespmem:$0x1F840] =	vst v63  }
0x117: {  	_ =	swait.ge [sflag:s16], $0x3C00  }
0x118: {  	[sflag:s16] =	ssyncset.done $0x0  }
0x119: {  	s4 =	rddreg [dreg:$0x8];
	[sflag:s16] =	ssyncadd.s32 $0xFFFFC400  }
0x11a: {  	[spmem:s3] =	stream.indirect.scatter.add.f32 [tilespmem:s8], [sflag:$0x6], $0x80, s4, s12, $0xb8;
	[tilespmem:$0x1F840] =	vst v63  }
0x11b: {  	_ =	swait.ge [sflag:s17], $0x3C00  }
0x11c: {  	[sflag:s17] =	ssyncset.done $0x0  }
0x11d: {  	[sflag:s17] =	ssyncadd.s32 $0xFFFFC400  }
0x11e: {  	_ =	swait.ge [sflag:s18], $0x3C00  }
0x11f: {  	[sflag:s18] =	ssyncset.done $0x0  }
0x120: {  	[sflag:s18] =	ssyncadd.s32 $0xFFFFC400  }
0x121: {  	_ =	swait.ge [sflag:s19], $0x3C00  }
0x122: {  	[sflag:s19] =	ssyncset.done $0x0  }
0x123: {  	[sflag:s19] =	ssyncadd.s32 $0xFFFFC400  }
0x124: {  	_ =	swait.ge [sflag:s22], $0x168  }
0x125: {  	[sflag:s22] =	ssyncset.done $0x0  }
0x126: {  	[sflag:s22] =	ssyncadd.s32 $0xFFFFFE98  }
0x127: {  	_ =	swait.ge [sflag:s25], $0x168  }
0x128: {  	[sflag:s25] =	ssyncset.done $0x0  }
0x129: {  	[sflag:s25] =	ssyncadd.s32 $0xFFFFFE98  }
0x12a: {  	[tilespmem:s24], [sflag:$0x1] =	stream.indirect.gather [hbm4b:s5+s12], $0x80, s31, s12, $0xb8;
	[tilespmem:$0x1F840] =	vst v63  }
0x12b: {  	s28 =	sadd.s32 $0x5A0, s28;
	p1 =	seq.s32 s29, $0x924;
	s7 =	rddreg [dreg:$0x9]  }
0x12c: {  	[tilespmem:s13], [sflag:$0x2] =	stream.indirect.gather [hbm4b:s5+s12], $0x80, s7, s12, $0xb8;
	[tilespmem:$0x1F840] =	vst v63  }
0x12d: {  	s0 =	sshrl.u32 @!p1 s28, $0x3;
	s30 =	rddreg [dreg:$0xa]  }
0x12e: {  	[tilespmem:s8], [sflag:$0x3] =	stream.indirect.gather [hbm4b:s5+s12], $0x80, s30, s12, $0xb8;
	[tilespmem:$0x1F840] =	vst v63  }
0x12f: {  	s0 =	sadd.s32 @!p1 s14, s0;
	s31 =	sadd.s32 @!p1 s29, s21;
	s30 =	simm.s32 @!p1 $0x0  }
0x130: {  	[tilespmem:s30], [sflag:$0x7] =	stream.linear.gather @!p1 [hbm4b:s0+s30], $0x168, $0x38;
	[tilespmem:$0x1F840] =	vst v63  }
0x131: {  	s1 =	simm.s32 @!p1 $0x5A0;
	s4 =	smov.u32 s14;
	s14 =	sadd.s32 @!p1 $0xB4, s31  }
0x132: {  	[tilespmem:s1], [sflag:$0xB] =	stream.linear.gather @!p1 [hbm4b:s14+s30], $0x168, $0x38;
	[tilespmem:$0x1F840] =	vst v63  }
0x133: {  	_ =	swait.ge [sflag:s9], $0x3C00  }
0x134: {  	[sflag:s9] =	ssyncset.done $0x0  }
0x135: {  	s14 =	simm.s32 $0x708;
	[sflag:s9] =	ssyncadd.s32 $0xFFFFC400  }
0x136: {  	[spmem:s3] =	stream.indirect.scatter.add.f32 [tilespmem:s24], [sflag:$0x4], $0x80, s14, s12, $0xb8;
	[tilespmem:$0x1F840] =	vst v63  }
0x137: {  	_ =	swait.ge [sflag:s15], $0x3C00  }
0x138: {  	[sflag:s15] =	ssyncset.done $0x0  }
0x139: {  	s7 =	rddreg [dreg:$0xb];
	[sflag:s15] =	ssyncadd.s32 $0xFFFFC400  }
0x13a: {  	[spmem:s3] =	stream.indirect.scatter.add.f32 [tilespmem:s13], [sflag:$0x5], $0x80, s7, s12, $0xb8;
	[tilespmem:$0x1F840] =	vst v63  }
0x13b: {  	_ =	swait.ge [sflag:s16], $0x3C00  }
0x13c: {  	[sflag:s16] =	ssyncset.done $0x0  }
0x13d: {  	s14 =	rddreg [dreg:$0xc];
	[sflag:s16] =	ssyncadd.s32 $0xFFFFC400  }
0x13e: {  	[spmem:s3] =	stream.indirect.scatter.add.f32 [tilespmem:s8], [sflag:$0x6], $0x80, s14, s12, $0xb8;
	[tilespmem:$0x1F840] =	vst v63  }
0x13f: {  	_ =	swait.ge [sflag:s17], $0x3C00  }
0x140: {  	[sflag:s17] =	ssyncset.done $0x0  }
0x141: {  	[sflag:s17] =	ssyncadd.s32 $0xFFFFC400  }
0x142: {  	_ =	swait.ge [sflag:s18], $0x3C00  }
0x143: {  	[sflag:s18] =	ssyncset.done $0x0  }
0x144: {  	[sflag:s18] =	ssyncadd.s32 $0xFFFFC400  }
0x145: {  	_ =	swait.ge [sflag:s19], $0x3C00  }
0x146: {  	[sflag:s19] =	ssyncset.done $0x0  }
0x147: {  	[sflag:s19] =	ssyncadd.s32 $0xFFFFC400  }
0x148: {  	_ =	swait.ge [sflag:s6], $0x168  }
0x149: {  	[sflag:s6] =	ssyncset.done $0x0  }
0x14a: {  	[sflag:s6] =	ssyncadd.s32 $0xFFFFFE98  }
0x14b: {  	_ =	swait.ge [sflag:s23], $0x168  }
0x14c: {  	[sflag:s23] =	ssyncset.done $0x0  }
0x14d: {  	s7 =	simm.s32 $0x2D0;
	s1 =	rddreg [dreg:$0xd];
	[sflag:s23] =	ssyncadd.s32 $0xFFFFFE98  }
0x14e: {  	[tilespmem:s24], [sflag:$0x1] =	stream.indirect.gather [hbm4b:s5+s12], $0x80, s7, s12, $0xb8;
	[tilespmem:$0x1F840] =	vst v63  }
0x14f: {  	s14 =	rddreg [dreg:$0xe]  }
0x150: {  	[tilespmem:s13], [sflag:$0x2] =	stream.indirect.gather [hbm4b:s5+s12], $0x80, s1, s12, $0xb8;
	[tilespmem:$0x1F840] =	vst v63  }
0x151: {  	s7 =	rddreg [dreg:$0x4]  }
0x152: {  	[tilespmem:s8], [sflag:$0x3] =	stream.indirect.gather [hbm4b:s5+s12], $0x80, s14, s12, $0xb8;
	[tilespmem:$0x1F840] =	vst v63  }
0x153: {  	s7 =	sadd.s32 @!p1 s29, s7;
	s1 =	simm.s32 @!p1 $0x168  }
0x154: {  	[tilespmem:s1], [sflag:$0x8] =	stream.linear.gather @!p1 [hbm4b:s7+s30], $0x168, $0x38;
	[tilespmem:$0x1F840] =	vst v63  }
0x155: {  	s0 =	sadd.s32 @!p1 $0xE1, s31;
	s14 =	simm.s32 @!p1 $0x708  }
0x156: {  	[tilespmem:s14], [sflag:$0xC] =	stream.linear.gather @!p1 [hbm4b:s0+s30], $0x168, $0x38;
	[tilespmem:$0x1F840] =	vst v63  }
0x157: {  	_ =	swait.ge [sflag:s9], $0x3C00  }
0x158: {  	[sflag:s9] =	ssyncset.done $0x0  }
0x159: {  	s7 =	simm.s32 $0x870;
	[sflag:s9] =	ssyncadd.s32 $0xFFFFC400  }
0x15a: {  	[spmem:s3] =	stream.indirect.scatter.add.f32 [tilespmem:s24], [sflag:$0x4], $0x80, s7, s12, $0xb8;
	[tilespmem:$0x1F840] =	vst v63  }
0x15b: {  	_ =	swait.ge [sflag:s15], $0x3C00  }
0x15c: {  	[sflag:s15] =	ssyncset.done $0x0  }
0x15d: {  	s1 =	rddreg [dreg:$0xf];
	[sflag:s15] =	ssyncadd.s32 $0xFFFFC400  }
0x15e: {  	[spmem:s3] =	stream.indirect.scatter.add.f32 [tilespmem:s13], [sflag:$0x5], $0x80, s1, s12, $0xb8;
	[tilespmem:$0x1F840] =	vst v63  }
0x15f: {  	_ =	swait.ge [sflag:s16], $0x3C00  }
0x160: {  	[sflag:s16] =	ssyncset.done $0x0  }
0x161: {  	s7 =	rddreg [dreg:$0x10];
	[sflag:s16] =	ssyncadd.s32 $0xFFFFC400  }
0x162: {  	[spmem:s3] =	stream.indirect.scatter.add.f32 [tilespmem:s8], [sflag:$0x6], $0x80, s7, s12, $0xb8;
	[tilespmem:$0x1F840] =	vst v63  }
0x163: {  	_ =	swait.ge [sflag:s17], $0x3C00  }
0x164: {  	[sflag:s17] =	ssyncset.done $0x0  }
0x165: {  	[sflag:s17] =	ssyncadd.s32 $0xFFFFC400  }
0x166: {  	_ =	swait.ge [sflag:s18], $0x3C00  }
0x167: {  	[sflag:s18] =	ssyncset.done $0x0  }
0x168: {  	[sflag:s18] =	ssyncadd.s32 $0xFFFFC400  }
0x169: {  	_ =	swait.ge [sflag:s19], $0x3C00  }
0x16a: {  	[sflag:s19] =	ssyncset.done $0x0  }
0x16b: {  	[sflag:s19] =	ssyncadd.s32 $0xFFFFC400  }
0x16c: {  	_ =	swait.ge [sflag:s26], $0x168  }
0x16d: {  	[sflag:s26] =	ssyncset.done $0x0  }
0x16e: {  	[sflag:s26] =	ssyncadd.s32 $0xFFFFFE98  }
0x16f: {  	_ =	swait.ge [sflag:s11], $0x168  }
0x170: {  	[sflag:s11] =	ssyncset.done $0x0  }
0x171: {  	s0 =	rddreg [dreg:$0x11];
	[sflag:s11] =	ssyncadd.s32 $0xFFFFFE98  }
0x172: {  	[tilespmem:s24], [sflag:$0x1] =	stream.indirect.gather [hbm4b:s5+s12], $0x80, s20, s12, $0xb8;
	[tilespmem:$0x1F840] =	vst v63  }
0x173: {  	s1 =	rddreg [dreg:$0x12]  }
0x174: {  	[tilespmem:s13], [sflag:$0x2] =	stream.indirect.gather [hbm4b:s5+s12], $0x80, s0, s12, $0xb8;
	[tilespmem:$0x1F840] =	vst v63  }
0x175: {  	s7 =	rddreg [dreg:$0x5]  }
0x176: {  	[tilespmem:s8], [sflag:$0x3] =	stream.indirect.gather [hbm4b:s5+s12], $0x80, s1, s12, $0xb8;
	[tilespmem:$0x1F840] =	vst v63  }
0x177: {  	s0 =	simm.s32 @!p1 $0x2D0;
	s1 =	sadd.s32 @!p1 s29, s7  }
0x178: {  	[tilespmem:s0], [sflag:$0x9] =	stream.linear.gather @!p1 [hbm4b:s1+s30], $0x168, $0x38;
	[tilespmem:$0x1F840] =	vst v63  }
0x179: {  	s31 =	sadd.s32 @!p1 $0x10E, s31;
	s7 =	simm.s32 @!p1 $0x870  }
0x17a: {  	[tilespmem:s7], [sflag:$0xD] =	stream.linear.gather @!p1 [hbm4b:s31+s30], $0x168, $0x38;
	[tilespmem:$0x1F840] =	vst v63  }
0x17b: {  	_ =	swait.ge [sflag:s9], $0x3C00  }
0x17c: {  	[sflag:s9] =	ssyncset.done $0x0  }
0x17d: {  	s1 =	simm.s32 $0x9D8;
	[sflag:s9] =	ssyncadd.s32 $0xFFFFC400  }
0x17e: {  	[spmem:s3] =	stream.indirect.scatter.add.f32 [tilespmem:s24], [sflag:$0x4], $0x80, s1, s12, $0xb8;
	[tilespmem:$0x1F840] =	vst v63  }
0x17f: {  	_ =	swait.ge [sflag:s15], $0x3C00  }
0x180: {  	[sflag:s15] =	ssyncset.done $0x0  }
0x181: {  	s20 =	rddreg [dreg:$0x13];
	[sflag:s15] =	ssyncadd.s32 $0xFFFFC400  }
0x182: {  	[spmem:s3] =	stream.indirect.scatter.add.f32 [tilespmem:s13], [sflag:$0x5], $0x80, s20, s12, $0xb8;
	[tilespmem:$0x1F840] =	vst v63  }
0x183: {  	_ =	swait.ge [sflag:s16], $0x3C00  }
0x184: {  	[sflag:s16] =	ssyncset.done $0x0  }
0x185: {  	s29 =	rddreg [dreg:$0x14];
	[sflag:s16] =	ssyncadd.s32 $0xFFFFC400  }
0x186: {  	[spmem:s3] =	stream.indirect.scatter.add.f32 [tilespmem:s8], [sflag:$0x6], $0x80, s29, s12, $0xb8;
	[tilespmem:$0x1F840] =	vst v63  }
0x187: {  	s2 =	sadd.s32 $0xB4, s2;
	_ =	swait.ge [sflag:s17], $0x3C00  }
0x188: {  	p0 =	sne.s32 s2, $0x9D8;
	[sflag:s17] =	ssyncset.done $0x0  }
.Ltmp1:
0x189: {  	[sflag:s17] =	ssyncadd.s32 $0xFFFFC400;
	(pc) =	sbr.rel @p0 .LBB2_4-.Ltmp1, $4  }
0x18a: {  	_ =	swait.ge [sflag:s18], $0x3C00  }
0x18b: {  	s14 =	smov.u32 s4;
	[sflag:s18] =	ssyncset.done $0x0  }
0x18c: {  	s4 =	simm.s32 $0x0;
	s31 =	simm.s32 $0x168;
	[sflag:s18] =	ssyncadd.s32 $0xFFFFC400  }
0x18d: {  	s7 =	simm.s32 $0x5A0;
	s30 =	smov.u32 s10;
	_ =	swait.ge [sflag:s19], $0x3C00  }
0x18e: {  	[sflag:s19] =	ssyncset.done $0x0  }
0x18f: {  	[sflag:s19] =	ssyncadd.s32 $0xFFFFC400  }
0x190: {  	[bflag:$0x0] =	sbarrier.arrive $0xFFFF  }
0x191: {  	s0 =	stileid.u32;
	s2 =	sld [smem:$0x7FD]  }
0x192: {  	s0 =	sshll.u32 s0, $0x6  }
0x193: {  	s0 =	sor.u32 $0x1C0F, s0;
	s1 =	rddreg [dreg:$0x1e]  }
0x194: {  	[hbm:s1], [sflag:s0] =	dma.local [spmem:s2], $0x2710  }
0x195: {  	s1 =	simm.s32 $0xF  }
0x196: {  	_ =	swait.ge [sflag:s1], $0x2710  }
0x197: {  	s20 =	sld [smem:$0x7F7];
	_ =	sdelay $0x2  }
0x198: {  	s26 =	rddreg [dreg:$0x1f];
	s2 =	sadd.s32 $0x1, s20  }
0x199: {  	p0 =	sne.s32 s2, s26  }
.Ltmp2:
0x19a: {  	_ = 	snop;
	(pc) =	sbr.rel @p0 .LBB2_1-.Ltmp2, $3  }
0x19b: {  	_ =	sdelay $0x1  }
0x19c: {  	s10 =	simm.s32 $0x708;
	[sflag:s1] =	ssyncset.done $0x0  }
0x19d: {  	s28 =	simm.s32 $0x2D0;
	s29 =	simm.s32 $0x870;
	[sflag:s1] =	ssyncadd.s32 $0xFFFFD8F0  }
0x19e: {  	_ =	sfence.sel $0x180000  }
0x19f: {  	[bflag:$0x0] =	sbarrier.arrive $0xFFFF  }
0x1a0: {  	_ =	strace $0x90000047  }
0x1a1: {  	s0 =	stileid.u32;
	[bflag:$0x2] =	sbarrier.arrive $0xFFFF  }
0x1a2: {  	p0 =	sne.s32 s0, $0x0;
	s0 =	rddreg [dreg:$0x3]  }
0x1a3: {  	s0 =	sadd.s32 @!p0 $0x100000, s0  }
0x1a4: {  	[sflag:s0] =	ssyncadd.tile.s32 @!p0 $0x1;
	_ =	shalt  }
.Lfunc_end2:
_tile_overlayer_lowered:
.L_overlay_start_2:
0x1a5: {  	(tag) =	ssettag $0x2  }
0x1a6: {  	s0 =	rddreg [dreg:$0x0];
	s2 =	stileid.u32  }
0x1a7: {  	s1 =	rddreg [dreg:$0x1];
	p0 =	sne.s32 s2, $0x0  }
0x1a8: {  	s3 =	rddreg [dreg:$0x2];
	[bflag:$0x3] =	sbarrier.arrive $0xFFFF;
	s2 =	simm.s32 @!p0 $0x1C0F  }
0x1a9: {  	[timem:s3], [sflag:s2] =	dma.local @!p0 [hbm:s0], s1  }
0x1aa: {  	s0 =	simm.s32 @!p0 $0xF  }
0x1ab: {  	_ =	swait.ge @!p0 [sflag:s0], s1  }
0x1ac: {  	s1 =	ssub.s32 @!p0 $0x0, s1;
	[sflag:s0] =	ssyncset.done @!p0 $0x0  }
0x1ad: {  	[sflag:s0] =	ssyncadd.s32 @!p0 s1  }
0x1ae: {  	[bflag:$0x3] =	sbarrier.arrive $0xFFFF  }
0x1af: {  	_ =	shalt  }

</sc_bundles>
